<compile_context>
chip_gen: v7x
topology: tpu7x:2x2x1
jax: 0.10.2.dev20260603
libtpu: 0.0.44.dev20260713+nightly
codegen_flags: <defaults>
</compile_context>

<pallas_src>
import functools

import jax
import jax.numpy as jnp
from jax import lax
from jax.experimental import pallas as pl
from jax.experimental.pallas import tpu as pltpu
from jax.experimental.pallas import tpu_sc as plsc

D_EMBED = 64
HIST = 50
HIST_PAD = 56
D_PAD = 128
NUM_WORKERS = 32
B_CHUNK = 8
CHUNK = B_CHUNK * HIST
NBUF = 4
LOOKAHEAD = 2


def _emb_body(b_per_w, n_chunk, idx_hbm, table_hbm, out_hbm, *scratch):
    idx_bufs = scratch[0:NBUF]
    row_bufs = scratch[NBUF:2 * NBUF]
    gsems = scratch[2 * NBUF:3 * NBUF]
    wsems = scratch[3 * NBUF:4 * NBUF]

    wid = lax.axis_index("s") * 2 + lax.axis_index("c")
    base = wid * b_per_w
    b_base = wid * (b_per_w // HIST)

    def _write(g, rows_v, wsem):
        for i in range(B_CHUNK):
            pltpu.async_copy(
                rows_v.at[pl.ds(i * HIST, HIST)],
                out_hbm.at[b_base + g * B_CHUNK + i,
                           pl.ds(0, HIST), pl.ds(0, D_EMBED)],
                wsem)

    def _wait_write(g, rows_v, wsem):
        for i in range(B_CHUNK):
            pltpu.make_async_copy(
                rows_v.at[pl.ds(i * HIST, HIST)],
                out_hbm.at[b_base + g * B_CHUNK + i,
                           pl.ds(0, HIST), pl.ds(0, D_EMBED)],
                wsem).wait()

    def _stage(g, sb):
        pltpu.sync_copy(idx_hbm.at[pl.ds(base + g * CHUNK, CHUNK)], idx_bufs[sb])
        pltpu.async_copy(table_hbm.at[idx_bufs[sb]], row_bufs[sb], gsems[sb])

    for j in range(LOOKAHEAD):
        _stage(j, j)

    def _step(go, _):
        for b in range(NBUF):
            g = go + b
            sb = (b + LOOKAHEAD) % NBUF
            s = g + LOOKAHEAD

            @pl.when(s < n_chunk)
            def _():
                @pl.when(s >= NBUF)
                def _():
                    _wait_write(s - NBUF, row_bufs[sb], wsems[sb])

                _stage(s, sb)

            pltpu.make_async_copy(
                table_hbm.at[idx_bufs[b]], row_bufs[b], gsems[b]
            ).wait()
            _write(g, row_bufs[b], wsems[b])
        return _

    lax.fori_loop(0, n_chunk // NBUF, lambda i, c: _step(i * NBUF, c), None,
                  unroll=False)

    for j in range(NBUF):
        g = n_chunk - NBUF + j
        _wait_write(g, row_bufs[g % NBUF], wsems[g % NBUF])


def kernel(inp, table):
    batch, hist = inp.shape
    n = batch * hist
    assert n % (NUM_WORKERS * CHUNK * NBUF) == 0
    b_per_w = n // NUM_WORKERS
    n_chunk = b_per_w // CHUNK

    flat_idx = inp.reshape(n)
    mesh = plsc.VectorSubcoreMesh(core_axis_name="c", subcore_axis_name="s")

    scratch = (
        [pltpu.VMEM((CHUNK,), jnp.int32) for _ in range(NBUF)]
        + [pltpu.VMEM((CHUNK, D_EMBED), jnp.float32) for _ in range(NBUF)]
        + [pltpu.SemaphoreType.DMA for _ in range(2 * NBUF)]
    )
    grab = pl.kernel(
        functools.partial(_emb_body, b_per_w, n_chunk),
        mesh=mesh,
        compiler_params=pltpu.CompilerParams(use_tc_tiling_on_sc=False),
        out_type=jax.ShapeDtypeStruct((batch, HIST_PAD, D_PAD), jnp.float32),
        scratch_types=scratch,
    )
    out = grab(flat_idx, table)
    return jax.lax.slice(out, (0, 0, 0), (batch, hist, D_EMBED))

# --- scband reference (transcript-rebuilt; emitter-appended) ---
"""Pipeline reference for scband-adaptive-embedding-8770323218941 (READ-ONLY COPY).

The authoritative reference and input builder live on the scoring server;
editing this copy changes nothing except your own understanding.
"""

import jax, jax.numpy as jnp
import numpy as np

VOCAB = 1000000
D_EMBED = 64
BATCH = 16384
HIST = 50

def setup_inputs(seed: int = 0) -> dict:
    key = jax.random.key(seed)
    k_idx, k_tab = jax.random.split(key)
    inp = jax.random.randint(k_idx, (BATCH, HIST), 0, VOCAB, dtype=jnp.int64 if jax.config.read('jax_enable_x64') else jnp.int32)
    table = jax.random.normal(k_tab, (VOCAB, D_EMBED), dtype=jnp.float32) * 0.02
    return {"inp": inp, "table": table}

def reference(inp, table):
    # AdaptiveEmbedding with div_val=1 is a plain embedding lookup
    embed = jnp.take(table, inp, axis=0)
    return embed

if __name__ == "__main__":
    import jax
    _d = setup_inputs()
    print(jax.jit(kernel)(*tuple(_d.values())))

</pallas_src>

<mosaic_0001>
#map = affine_map<(d0, d1) -> (0)>
#map1 = affine_map<(d0, d1) -> (0, 0)>
#map2 = affine_map<(d0, d1) -> (0, 0, 0)>
module attributes {stable_mosaic.version = 14 : i64} {
  func.func @_emb_body(%arg0: i32, %arg1: i32, %arg2: memref<819200xi32, #tpu.memory_space<hbm>>, %arg3: memref<1000000x64xf32, #tpu.memory_space<hbm>>, %arg4: memref<16384x56x128xf32, #tpu.memory_space<hbm>>, %arg5: memref<400xi32, #tpu.memory_space<vmem>>, %arg6: memref<400xi32, #tpu.memory_space<vmem>>, %arg7: memref<400xi32, #tpu.memory_space<vmem>>, %arg8: memref<400xi32, #tpu.memory_space<vmem>>, %arg9: memref<400x64xf32, #tpu.memory_space<vmem>>, %arg10: memref<400x64xf32, #tpu.memory_space<vmem>>, %arg11: memref<400x64xf32, #tpu.memory_space<vmem>>, %arg12: memref<400x64xf32, #tpu.memory_space<vmem>>, %arg13: memref<!tpu.dma_semaphore, #tpu.memory_space<semaphore_mem>>, %arg14: memref<!tpu.dma_semaphore, #tpu.memory_space<semaphore_mem>>, %arg15: memref<!tpu.dma_semaphore, #tpu.memory_space<semaphore_mem>>, %arg16: memref<!tpu.dma_semaphore, #tpu.memory_space<semaphore_mem>>, %arg17: memref<!tpu.dma_semaphore, #tpu.memory_space<semaphore_mem>>, %arg18: memref<!tpu.dma_semaphore, #tpu.memory_space<semaphore_mem>>, %arg19: memref<!tpu.dma_semaphore, #tpu.memory_space<semaphore_mem>>, %arg20: memref<!tpu.dma_semaphore, #tpu.memory_space<semaphore_mem>>) attributes {dimension_semantics = [#tpu.dimension_semantics<core_parallel>, #tpu.dimension_semantics<subcore_parallel>], iteration_bounds = array<i64: 2, 16>, scalar_prefetch = 0 : i64, scratch_operands = 16 : i64, tpu.core_type = #tpu.core_type<sc_vector_subcore>, window_params = [{transform_indices = #map}, {transform_indices = #map1}, {transform_indices = #map2}]} {
    %mul3A = arith.constant 2 : i32
    %mul3A_0 = arith.muli %arg1, %mul3A : i32
    %add3A = arith.addi %mul3A_0, %arg0 : i32
    %mul3A_1 = arith.constant 25600 : i32
    %mul3A_2 = arith.muli %add3A, %mul3A_1 : i32
    %mul3A_3 = arith.constant 512 : i32
    %mul3A_4 = arith.muli %add3A, %mul3A_3 : i32
    %add3A_5 = arith.constant 0 : i32
    %add3A_6 = arith.addi %mul3A_2, %add3A_5 : i32
    "tpu.region"() ({
      %run_scoped3A = tpu.sem_alloc : memref<!tpu.dma_semaphore, #tpu.memory_space<semaphore_mem>>
      %dma_start3A_593 = tpu.memref_slice %arg2[%add3A_6] : memref<819200xi32, #tpu.memory_space<hbm>> -> memref<400xi32, #tpu.memory_space<hbm>>
      %dma_start3A_594 = tpu.memref_slice %arg2[%add3A_6] : memref<819200xi32, #tpu.memory_space<hbm>> -> memref<400xi32, #tpu.memory_space<hbm>>
      tpu.enqueue_dma source(%dma_start3A_594 : memref<400xi32, #tpu.memory_space<hbm>>) target(%arg5 : memref<400xi32, #tpu.memory_space<vmem>>) target_semaphore(%run_scoped3A : memref<!tpu.dma_semaphore, #tpu.memory_space<semaphore_mem>>)
      %dma_wait3A_595 = tpu.memref_slice %arg2[%add3A_6] : memref<819200xi32, #tpu.memory_space<hbm>> -> memref<400xi32, #tpu.memory_space<hbm>>
      %dma_wait3A_596 = tpu.memref_slice %arg2[%add3A_6] : memref<819200xi32, #tpu.memory_space<hbm>> -> memref<400xi32, #tpu.memory_space<hbm>>
      tpu.wait_dma2 semaphore(%run_scoped3A : memref<!tpu.dma_semaphore, #tpu.memory_space<semaphore_mem>>) src(%dma_wait3A_596 : memref<400xi32, #tpu.memory_space<hbm>>) dst(%arg5 : memref<400xi32, #tpu.memory_space<vmem>>)
      tpu.yield
    }) : () -> ()
    %dma_start3A = arith.constant 0 : i32
    %dma_start3A_7 = arith.constant 0 : i32
    %dma_start3A_8 = tpu.memref_slice %arg3[%dma_start3A, %dma_start3A_7] : memref<1000000x64xf32, #tpu.memory_space<hbm>> -> memref<1000000x64xf32, #tpu.memory_space<hbm>>
    tpu.enqueue_indirect_dma source(%dma_start3A_8 : memref<1000000x64xf32, #tpu.memory_space<hbm>>) target(%arg9 : memref<400x64xf32, #tpu.memory_space<vmem>>) offsets(%arg5 : memref<400xi32, #tpu.memory_space<vmem>>) semaphore(%arg13 : memref<!tpu.dma_semaphore, #tpu.memory_space<semaphore_mem>>)
    %add3A_9 = arith.constant 400 : i32
    %add3A_10 = arith.addi %mul3A_2, %add3A_9 : i32
    "tpu.region"() ({
      %run_scoped3A = tpu.sem_alloc : memref<!tpu.dma_semaphore, #tpu.memory_space<semaphore_mem>>
      %dma_start3A_593 = tpu.memref_slice %arg2[%add3A_10] : memref<819200xi32, #tpu.memory_space<hbm>> -> memref<400xi32, #tpu.memory_space<hbm>>
      %dma_start3A_594 = tpu.memref_slice %arg2[%add3A_10] : memref<819200xi32, #tpu.memory_space<hbm>> -> memref<400xi32, #tpu.memory_space<hbm>>
      tpu.enqueue_dma source(%dma_start3A_594 : memref<400xi32, #tpu.memory_space<hbm>>) target(%arg6 : memref<400xi32, #tpu.memory_space<vmem>>) target_semaphore(%run_scoped3A : memref<!tpu.dma_semaphore, #tpu.memory_space<semaphore_mem>>)
      %dma_wait3A_595 = tpu.memref_slice %arg2[%add3A_10] : memref<819200xi32, #tpu.memory_space<hbm>> -> memref<400xi32, #tpu.memory_space<hbm>>
      %dma_wait3A_596 = tpu.memref_slice %arg2[%add3A_10] : memref<819200xi32, #tpu.memory_space<hbm>> -> memref<400xi32, #tpu.memory_space<hbm>>
      tpu.wait_dma2 semaphore(%run_scoped3A : memref<!tpu.dma_semaphore, #tpu.memory_space<semaphore_mem>>) src(%dma_wait3A_596 : memref<400xi32, #tpu.memory_space<hbm>>) dst(%arg6 : memref<400xi32, #tpu.memory_space<vmem>>)
      tpu.yield
    }) : () -> ()
    %dma_start3A_11 = arith.constant 0 : i32
    %dma_start3A_12 = arith.constant 0 : i32
    %dma_start3A_13 = tpu.memref_slice %arg3[%dma_start3A_11, %dma_start3A_12] : memref<1000000x64xf32, #tpu.memory_space<hbm>> -> memref<1000000x64xf32, #tpu.memory_space<hbm>>
    tpu.enqueue_indirect_dma source(%dma_start3A_13 : memref<1000000x64xf32, #tpu.memory_space<hbm>>) target(%arg10 : memref<400x64xf32, #tpu.memory_space<vmem>>) offsets(%arg6 : memref<400xi32, #tpu.memory_space<vmem>>) semaphore(%arg14 : memref<!tpu.dma_semaphore, #tpu.memory_space<semaphore_mem>>)
    %scan3A = arith.constant 0 : i32
    %scan3A_14 = arith.constant 16 : i32
    %scan3A_15 = arith.addi %scan3A, %scan3A_14 : i32
    %scan3A_16 = arith.constant 1 : i32
    scf.for %scan3A_593 = %scan3A to %scan3A_15 step %scan3A_16  : i32 {
      %mul3A_594 = arith.constant 4 : i32
      %mul3A_595 = arith.muli %scan3A_593, %mul3A_594 : i32
      %add3A_596 = arith.constant 0 : i32
      %add3A_597 = arith.addi %mul3A_595, %add3A_596 : i32
      %add3A_598 = arith.constant 2 : i32
      %add3A_599 = arith.addi %add3A_597, %add3A_598 : i32
      %lt3A = arith.constant 64 : i32
      %lt3A_600 = arith.cmpi slt, %add3A_599, %lt3A : i32
      %convert_element_type3A = arith.extui %lt3A_600 : i1 to i32
      %cond3A = arith.constant 0 : i32
      %cond3A_601 = arith.cmpi ne, %convert_element_type3A, %cond3A : i32
      scf.if %cond3A_601 {
        %ge3A = arith.constant 4 : i32
        %ge3A_1249 = arith.cmpi sge, %add3A_599, %ge3A : i32
        %convert_element_type3A_1250 = arith.extui %ge3A_1249 : i1 to i32
        %cond3A_1251 = arith.constant 0 : i32
        %cond3A_1252 = arith.cmpi ne, %convert_element_type3A_1250, %cond3A_1251 : i32
        scf.if %cond3A_1252 {
          %sub3A = arith.constant 4 : i32
          %sub3A_1259 = arith.subi %add3A_599, %sub3A : i32
          %mul3A_1260 = arith.constant 8 : i32
          %mul3A_1261 = arith.muli %sub3A_1259, %mul3A_1260 : i32
          %add3A_1262 = arith.addi %mul3A_4, %mul3A_1261 : i32
          %add3A_1263 = arith.constant 0 : i32
          %add3A_1264 = arith.addi %add3A_1262, %add3A_1263 : i32
          %dma_wait3A_1265 = arith.constant 0 : i32
          %dma_wait3A_1266 = arith.constant 0 : i32
          %dma_wait3A_1267 = tpu.memref_slice %arg11[%dma_wait3A_1265, %dma_wait3A_1266] : memref<400x64xf32, #tpu.memory_space<vmem>> -> memref<50x64xf32, #tpu.memory_space<vmem>>
          %dma_wait3A_1268 = arith.constant 0 : i32
          %dma_wait3A_1269 = arith.constant 0 : i32
          %dma_wait3A_1270 = tpu.memref_slice %arg4[%add3A_1264, %dma_wait3A_1268, %dma_wait3A_1269] : memref<16384x56x128xf32, #tpu.memory_space<hbm>> -> memref<1x50x64xf32, #tpu.memory_space<hbm>>
          %dma_wait3A_1271 = tpu.memref_squeeze %dma_wait3A_1270 : memref<1x50x64xf32, #tpu.memory_space<hbm>> -> memref<50x64xf32, #tpu.memory_space<hbm>>
          %dma_wait3A_1272 = arith.constant 0 : i32
          %dma_wait3A_1273 = arith.constant 0 : i32
          %dma_wait3A_1274 = tpu.memref_slice %arg4[%add3A_1264, %dma_wait3A_1272, %dma_wait3A_1273] : memref<16384x56x128xf32, #tpu.memory_space<hbm>> -> memref<1x50x64xf32, #tpu.memory_space<hbm>>
          %dma_wait3A_1275 = tpu.memref_squeeze %dma_wait3A_1274 : memref<1x50x64xf32, #tpu.memory_space<hbm>> -> memref<50x64xf32, #tpu.memory_space<hbm>>
          %dma_wait3A_1276 = arith.constant 0 : i32
          %dma_wait3A_1277 = arith.constant 0 : i32
          %dma_wait3A_1278 = tpu.memref_slice %arg11[%dma_wait3A_1276, %dma_wait3A_1277] : memref<400x64xf32, #tpu.memory_space<vmem>> -> memref<50x64xf32, #tpu.memory_space<vmem>>
          tpu.wait_dma2 semaphore(%arg19 : memref<!tpu.dma_semaphore, #tpu.memory_space<semaphore_mem>>) src(%dma_wait3A_1278 : memref<50x64xf32, #tpu.memory_space<vmem>>) dst(%dma_wait3A_1275 : memref<50x64xf32, #tpu.memory_space<hbm>>)
          %mul3A_1279 = arith.constant 8 : i32
          %mul3A_1280 = arith.muli %sub3A_1259, %mul3A_1279 : i32
          %add3A_1281 = arith.addi %mul3A_4, %mul3A_1280 : i32
          %add3A_1282 = arith.constant 1 : i32
          %add3A_1283 = arith.addi %add3A_1281, %add3A_1282 : i32
          %dma_wait3A_1284 = arith.constant 50 : i32
          %dma_wait3A_1285 = arith.constant 0 : i32
          %dma_wait3A_1286 = tpu.memref_slice %arg11[%dma_wait3A_1284, %dma_wait3A_1285] : memref<400x64xf32, #tpu.memory_space<vmem>> -> memref<50x64xf32, #tpu.memory_space<vmem>>
          %dma_wait3A_1287 = arith.constant 0 : i32
          %dma_wait3A_1288 = arith.constant 0 : i32
          %dma_wait3A_1289 = tpu.memref_slice %arg4[%add3A_1283, %dma_wait3A_1287, %dma_wait3A_1288] : memref<16384x56x128xf32, #tpu.memory_space<hbm>> -> memref<1x50x64xf32, #tpu.memory_space<hbm>>
          %dma_wait3A_1290 = tpu.memref_squeeze %dma_wait3A_1289 : memref<1x50x64xf32, #tpu.memory_space<hbm>> -> memref<50x64xf32, #tpu.memory_space<hbm>>
          %dma_wait3A_1291 = arith.constant 0 : i32
          %dma_wait3A_1292 = arith.constant 0 : i32
          %dma_wait3A_1293 = tpu.memref_slice %arg4[%add3A_1283, %dma_wait3A_1291, %dma_wait3A_1292] : memref<16384x56x128xf32, #tpu.memory_space<hbm>> -> memref<1x50x64xf32, #tpu.memory_space<hbm>>
          %dma_wait3A_1294 = tpu.memref_squeeze %dma_wait3A_1293 : memref<1x50x64xf32, #tpu.memory_space<hbm>> -> memref<50x64xf32, #tpu.memory_space<hbm>>
          %dma_wait3A_1295 = arith.constant 50 : i32
          %dma_wait3A_1296 = arith.constant 0 : i32
          %dma_wait3A_1297 = tpu.memref_slice %arg11[%dma_wait3A_1295, %dma_wait3A_1296] : memref<400x64xf32, #tpu.memory_space<vmem>> -> memref<50x64xf32, #tpu.memory_space<vmem>>
          tpu.wait_dma2 semaphore(%arg19 : memref<!tpu.dma_semaphore, #tpu.memory_space<semaphore_mem>>) src(%dma_wait3A_1297 : memref<50x64xf32, #tpu.memory_space<vmem>>) dst(%dma_wait3A_1294 : memref<50x64xf32, #tpu.memory_space<hbm>>)
          %mul3A_1298 = arith.constant 8 : i32
          %mul3A_1299 = arith.muli %sub3A_1259, %mul3A_1298 : i32
          %add3A_1300 = arith.addi %mul3A_4, %mul3A_1299 : i32
          %add3A_1301 = arith.constant 2 : i32
          %add3A_1302 = arith.addi %add3A_1300, %add3A_1301 : i32
          %dma_wait3A_1303 = arith.constant 100 : i32
          %dma_wait3A_1304 = arith.constant 0 : i32
          %dma_wait3A_1305 = tpu.memref_slice %arg11[%dma_wait3A_1303, %dma_wait3A_1304] : memref<400x64xf32, #tpu.memory_space<vmem>> -> memref<50x64xf32, #tpu.memory_space<vmem>>
          %dma_wait3A_1306 = arith.constant 0 : i32
          %dma_wait3A_1307 = arith.constant 0 : i32
          %dma_wait3A_1308 = tpu.memref_slice %arg4[%add3A_1302, %dma_wait3A_1306, %dma_wait3A_1307] : memref<16384x56x128xf32, #tpu.memory_space<hbm>> -> memref<1x50x64xf32, #tpu.memory_space<hbm>>
          %dma_wait3A_1309 = tpu.memref_squeeze %dma_wait3A_1308 : memref<1x50x64xf32, #tpu.memory_space<hbm>> -> memref<50x64xf32, #tpu.memory_space<hbm>>
          %dma_wait3A_1310 = arith.constant 0 : i32
          %dma_wait3A_1311 = arith.constant 0 : i32
          %dma_wait3A_1312 = tpu.memref_slice %arg4[%add3A_1302, %dma_wait3A_1310, %dma_wait3A_1311] : memref<16384x56x128xf32, #tpu.memory_space<hbm>> -> memref<1x50x64xf32, #tpu.memory_space<hbm>>
          %dma_wait3A_1313 = tpu.memref_squeeze %dma_wait3A_1312 : memref<1x50x64xf32, #tpu.memory_space<hbm>> -> memref<50x64xf32, #tpu.memory_space<hbm>>
          %dma_wait3A_1314 = arith.constant 100 : i32
          %dma_wait3A_1315 = arith.constant 0 : i32
          %dma_wait3A_1316 = tpu.memref_slice %arg11[%dma_wait3A_1314, %dma_wait3A_1315] : memref<400x64xf32, #tpu.memory_space<vmem>> -> memref<50x64xf32, #tpu.memory_space<vmem>>
          tpu.wait_dma2 semaphore(%arg19 : memref<!tpu.dma_semaphore, #tpu.memory_space<semaphore_mem>>) src(%dma_wait3A_1316 : memref<50x64xf32, #tpu.memory_space<vmem>>) dst(%dma_wait3A_1313 : memref<50x64xf32, #tpu.memory_space<hbm>>)
          %mul3A_1317 = arith.constant 8 : i32
          %mul3A_1318 = arith.muli %sub3A_1259, %mul3A_1317 : i32
          %add3A_1319 = arith.addi %mul3A_4, %mul3A_1318 : i32
          %add3A_1320 = arith.constant 3 : i32
          %add3A_1321 = arith.addi %add3A_1319, %add3A_1320 : i32
          %dma_wait3A_1322 = arith.constant 150 : i32
          %dma_wait3A_1323 = arith.constant 0 : i32
          %dma_wait3A_1324 = tpu.memref_slice %arg11[%dma_wait3A_1322, %dma_wait3A_1323] : memref<400x64xf32, #tpu.memory_space<vmem>> -> memref<50x64xf32, #tpu.memory_space<vmem>>
          %dma_wait3A_1325 = arith.constant 0 : i32
          %dma_wait3A_1326 = arith.constant 0 : i32
          %dma_wait3A_1327 = tpu.memref_slice %arg4[%add3A_1321, %dma_wait3A_1325, %dma_wait3A_1326] : memref<16384x56x128xf32, #tpu.memory_space<hbm>> -> memref<1x50x64xf32, #tpu.memory_space<hbm>>
          %dma_wait3A_1328 = tpu.memref_squeeze %dma_wait3A_1327 : memref<1x50x64xf32, #tpu.memory_space<hbm>> -> memref<50x64xf32, #tpu.memory_space<hbm>>
          %dma_wait3A_1329 = arith.constant 0 : i32
          %dma_wait3A_1330 = arith.constant 0 : i32
          %dma_wait3A_1331 = tpu.memref_slice %arg4[%add3A_1321, %dma_wait3A_1329, %dma_wait3A_1330] : memref<16384x56x128xf32, #tpu.memory_space<hbm>> -> memref<1x50x64xf32, #tpu.memory_space<hbm>>
          %dma_wait3A_1332 = tpu.memref_squeeze %dma_wait3A_1331 : memref<1x50x64xf32, #tpu.memory_space<hbm>> -> memref<50x64xf32, #tpu.memory_space<hbm>>
          %dma_wait3A_1333 = arith.constant 150 : i32
          %dma_wait3A_1334 = arith.constant 0 : i32
          %dma_wait3A_1335 = tpu.memref_slice %arg11[%dma_wait3A_1333, %dma_wait3A_1334] : memref<400x64xf32, #tpu.memory_space<vmem>> -> memref<50x64xf32, #tpu.memory_space<vmem>>
          tpu.wait_dma2 semaphore(%arg19 : memref<!tpu.dma_semaphore, #tpu.memory_space<semaphore_mem>>) src(%dma_wait3A_1335 : memref<50x64xf32, #tpu.memory_space<vmem>>) dst(%dma_wait3A_1332 : memref<50x64xf32, #tpu.memory_space<hbm>>)
          %mul3A_1336 = arith.constant 8 : i32
          %mul3A_1337 = arith.muli %sub3A_1259, %mul3A_1336 : i32
          %add3A_1338 = arith.addi %mul3A_4, %mul3A_1337 : i32
          %add3A_1339 = arith.constant 4 : i32
          %add3A_1340 = arith.addi %add3A_1338, %add3A_1339 : i32
          %dma_wait3A_1341 = arith.constant 200 : i32
          %dma_wait3A_1342 = arith.constant 0 : i32
          %dma_wait3A_1343 = tpu.memref_slice %arg11[%dma_wait3A_1341, %dma_wait3A_1342] : memref<400x64xf32, #tpu.memory_space<vmem>> -> memref<50x64xf32, #tpu.memory_space<vmem>>
          %dma_wait3A_1344 = arith.constant 0 : i32
          %dma_wait3A_1345 = arith.constant 0 : i32
          %dma_wait3A_1346 = tpu.memref_slice %arg4[%add3A_1340, %dma_wait3A_1344, %dma_wait3A_1345] : memref<16384x56x128xf32, #tpu.memory_space<hbm>> -> memref<1x50x64xf32, #tpu.memory_space<hbm>>
          %dma_wait3A_1347 = tpu.memref_squeeze %dma_wait3A_1346 : memref<1x50x64xf32, #tpu.memory_space<hbm>> -> memref<50x64xf32, #tpu.memory_space<hbm>>
          %dma_wait3A_1348 = arith.constant 0 : i32
          %dma_wait3A_1349 = arith.constant 0 : i32
          %dma_wait3A_1350 = tpu.memref_slice %arg4[%add3A_1340, %dma_wait3A_1348, %dma_wait3A_1349] : memref<16384x56x128xf32, #tpu.memory_space<hbm>> -> memref<1x50x64xf32, #tpu.memory_space<hbm>>
          %dma_wait3A_1351 = tpu.memref_squeeze %dma_wait3A_1350 : memref<1x50x64xf32, #tpu.memory_space<hbm>> -> memref<50x64xf32, #tpu.memory_space<hbm>>
          %dma_wait3A_1352 = arith.constant 200 : i32
          %dma_wait3A_1353 = arith.constant 0 : i32
          %dma_wait3A_1354 = tpu.memref_slice %arg11[%dma_wait3A_1352, %dma_wait3A_1353] : memref<400x64xf32, #tpu.memory_space<vmem>> -> memref<50x64xf32, #tpu.memory_space<vmem>>
          tpu.wait_dma2 semaphore(%arg19 : memref<!tpu.dma_semaphore, #tpu.memory_space<semaphore_mem>>) src(%dma_wait3A_1354 : memref<50x64xf32, #tpu.memory_space<vmem>>) dst(%dma_wait3A_1351 : memref<50x64xf32, #tpu.memory_space<hbm>>)
          %mul3A_1355 = arith.constant 8 : i32
          %mul3A_1356 = arith.muli %sub3A_1259, %mul3A_1355 : i32
          %add3A_1357 = arith.addi %mul3A_4, %mul3A_1356 : i32
          %add3A_1358 = arith.constant 5 : i32
          %add3A_1359 = arith.addi %add3A_1357, %add3A_1358 : i32
          %dma_wait3A_1360 = arith.constant 250 : i32
          %dma_wait3A_1361 = arith.constant 0 : i32
          %dma_wait3A_1362 = tpu.memref_slice %arg11[%dma_wait3A_1360, %dma_wait3A_1361] : memref<400x64xf32, #tpu.memory_space<vmem>> -> memref<50x64xf32, #tpu.memory_space<vmem>>
          %dma_wait3A_1363 = arith.constant 0 : i32
          %dma_wait3A_1364 = arith.constant 0 : i32
          %dma_wait3A_1365 = tpu.memref_slice %arg4[%add3A_1359, %dma_wait3A_1363, %dma_wait3A_1364] : memref<16384x56x128xf32, #tpu.memory_space<hbm>> -> memref<1x50x64xf32, #tpu.memory_space<hbm>>
          %dma_wait3A_1366 = tpu.memref_squeeze %dma_wait3A_1365 : memref<1x50x64xf32, #tpu.memory_space<hbm>> -> memref<50x64xf32, #tpu.memory_space<hbm>>
          %dma_wait3A_1367 = arith.constant 0 : i32
          %dma_wait3A_1368 = arith.constant 0 : i32
          %dma_wait3A_1369 = tpu.memref_slice %arg4[%add3A_1359, %dma_wait3A_1367, %dma_wait3A_1368] : memref<16384x56x128xf32, #tpu.memory_space<hbm>> -> memref<1x50x64xf32, #tpu.memory_space<hbm>>
          %dma_wait3A_1370 = tpu.memref_squeeze %dma_wait3A_1369 : memref<1x50x64xf32, #tpu.memory_space<hbm>> -> memref<50x64xf32, #tpu.memory_space<hbm>>
          %dma_wait3A_1371 = arith.constant 250 : i32
          %dma_wait3A_1372 = arith.constant 0 : i32
          %dma_wait3A_1373 = tpu.memref_slice %arg11[%dma_wait3A_1371, %dma_wait3A_1372] : memref<400x64xf32, #tpu.memory_space<vmem>> -> memref<50x64xf32, #tpu.memory_space<vmem>>
          tpu.wait_dma2 semaphore(%arg19 : memref<!tpu.dma_semaphore, #tpu.memory_space<semaphore_mem>>) src(%dma_wait3A_1373 : memref<50x64xf32, #tpu.memory_space<vmem>>) dst(%dma_wait3A_1370 : memref<50x64xf32, #tpu.memory_space<hbm>>)
          %mul3A_1374 = arith.constant 8 : i32
          %mul3A_1375 = arith.muli %sub3A_1259, %mul3A_1374 : i32
          %add3A_1376 = arith.addi %mul3A_4, %mul3A_1375 : i32
          %add3A_1377 = arith.constant 6 : i32
          %add3A_1378 = arith.addi %add3A_1376, %add3A_1377 : i32
          %dma_wait3A_1379 = arith.constant 300 : i32
          %dma_wait3A_1380 = arith.constant 0 : i32
          %dma_wait3A_1381 = tpu.memref_slice %arg11[%dma_wait3A_1379, %dma_wait3A_1380] : memref<400x64xf32, #tpu.memory_space<vmem>> -> memref<50x64xf32, #tpu.memory_space<vmem>>
          %dma_wait3A_1382 = arith.constant 0 : i32
          %dma_wait3A_1383 = arith.constant 0 : i32
          %dma_wait3A_1384 = tpu.memref_slice %arg4[%add3A_1378, %dma_wait3A_1382, %dma_wait3A_1383] : memref<16384x56x128xf32, #tpu.memory_space<hbm>> -> memref<1x50x64xf32, #tpu.memory_space<hbm>>
          %dma_wait3A_1385 = tpu.memref_squeeze %dma_wait3A_1384 : memref<1x50x64xf32, #tpu.memory_space<hbm>> -> memref<50x64xf32, #tpu.memory_space<hbm>>
          %dma_wait3A_1386 = arith.constant 0 : i32
          %dma_wait3A_1387 = arith.constant 0 : i32
          %dma_wait3A_1388 = tpu.memref_slice %arg4[%add3A_1378, %dma_wait3A_1386, %dma_wait3A_1387] : memref<16384x56x128xf32, #tpu.memory_space<hbm>> -> memref<1x50x64xf32, #tpu.memory_space<hbm>>
          %dma_wait3A_1389 = tpu.memref_squeeze %dma_wait3A_1388 : memref<1x50x64xf32, #tpu.memory_space<hbm>> -> memref<50x64xf32, #tpu.memory_space<hbm>>
          %dma_wait3A_1390 = arith.constant 300 : i32
          %dma_wait3A_1391 = arith.constant 0 : i32
          %dma_wait3A_1392 = tpu.memref_slice %arg11[%dma_wait3A_1390, %dma_wait3A_1391] : memref<400x64xf32, #tpu.memory_space<vmem>> -> memref<50x64xf32, #tpu.memory_space<vmem>>
          tpu.wait_dma2 semaphore(%arg19 : memref<!tpu.dma_semaphore, #tpu.memory_space<semaphore_mem>>) src(%dma_wait3A_1392 : memref<50x64xf32, #tpu.memory_space<vmem>>) dst(%dma_wait3A_1389 : memref<50x64xf32, #tpu.memory_space<hbm>>)
          %mul3A_1393 = arith.constant 8 : i32
          %mul3A_1394 = arith.muli %sub3A_1259, %mul3A_1393 : i32
          %add3A_1395 = arith.addi %mul3A_4, %mul3A_1394 : i32
          %add3A_1396 = arith.constant 7 : i32
          %add3A_1397 = arith.addi %add3A_1395, %add3A_1396 : i32
          %dma_wait3A_1398 = arith.constant 350 : i32
          %dma_wait3A_1399 = arith.constant 0 : i32
          %dma_wait3A_1400 = tpu.memref_slice %arg11[%dma_wait3A_1398, %dma_wait3A_1399] : memref<400x64xf32, #tpu.memory_space<vmem>> -> memref<50x64xf32, #tpu.memory_space<vmem>>
          %dma_wait3A_1401 = arith.constant 0 : i32
          %dma_wait3A_1402 = arith.constant 0 : i32
          %dma_wait3A_1403 = tpu.memref_slice %arg4[%add3A_1397, %dma_wait3A_1401, %dma_wait3A_1402] : memref<16384x56x128xf32, #tpu.memory_space<hbm>> -> memref<1x50x64xf32, #tpu.memory_space<hbm>>
          %dma_wait3A_1404 = tpu.memref_squeeze %dma_wait3A_1403 : memref<1x50x64xf32, #tpu.memory_space<hbm>> -> memref<50x64xf32, #tpu.memory_space<hbm>>
          %dma_wait3A_1405 = arith.constant 0 : i32
          %dma_wait3A_1406 = arith.constant 0 : i32
          %dma_wait3A_1407 = tpu.memref_slice %arg4[%add3A_1397, %dma_wait3A_1405, %dma_wait3A_1406] : memref<16384x56x128xf32, #tpu.memory_space<hbm>> -> memref<1x50x64xf32, #tpu.memory_space<hbm>>
          %dma_wait3A_1408 = tpu.memref_squeeze %dma_wait3A_1407 : memref<1x50x64xf32, #tpu.memory_space<hbm>> -> memref<50x64xf32, #tpu.memory_space<hbm>>
          %dma_wait3A_1409 = arith.constant 350 : i32
          %dma_wait3A_1410 = arith.constant 0 : i32
          %dma_wait3A_1411 = tpu.memref_slice %arg11[%dma_wait3A_1409, %dma_wait3A_1410] : memref<400x64xf32, #tpu.memory_space<vmem>> -> memref<50x64xf32, #tpu.memory_space<vmem>>
          tpu.wait_dma2 semaphore(%arg19 : memref<!tpu.dma_semaphore, #tpu.memory_space<semaphore_mem>>) src(%dma_wait3A_1411 : memref<50x64xf32, #tpu.memory_space<vmem>>) dst(%dma_wait3A_1408 : memref<50x64xf32, #tpu.memory_space<hbm>>)
        } else {
        }
        %mul3A_1253 = arith.constant 400 : i32
        %mul3A_1254 = arith.muli %add3A_599, %mul3A_1253 : i32
        %add3A_1255 = arith.addi %mul3A_2, %mul3A_1254 : i32
        "tpu.region"() ({
          %run_scoped3A = tpu.sem_alloc : memref<!tpu.dma_semaphore, #tpu.memory_space<semaphore_mem>>
          %dma_start3A_1259 = tpu.memref_slice %arg2[%add3A_1255] : memref<819200xi32, #tpu.memory_space<hbm>> -> memref<400xi32, #tpu.memory_space<hbm>>
          %dma_start3A_1260 = tpu.memref_slice %arg2[%add3A_1255] : memref<819200xi32, #tpu.memory_space<hbm>> -> memref<400xi32, #tpu.memory_space<hbm>>
          tpu.enqueue_dma source(%dma_start3A_1260 : memref<400xi32, #tpu.memory_space<hbm>>) target(%arg7 : memref<400xi32, #tpu.memory_space<vmem>>) target_semaphore(%run_scoped3A : memref<!tpu.dma_semaphore, #tpu.memory_space<semaphore_mem>>)
          %dma_wait3A_1261 = tpu.memref_slice %arg2[%add3A_1255] : memref<819200xi32, #tpu.memory_space<hbm>> -> memref<400xi32, #tpu.memory_space<hbm>>
          %dma_wait3A_1262 = tpu.memref_slice %arg2[%add3A_1255] : memref<819200xi32, #tpu.memory_space<hbm>> -> memref<400xi32, #tpu.memory_space<hbm>>
          tpu.wait_dma2 semaphore(%run_scoped3A : memref<!tpu.dma_semaphore, #tpu.memory_space<semaphore_mem>>) src(%dma_wait3A_1262 : memref<400xi32, #tpu.memory_space<hbm>>) dst(%arg7 : memref<400xi32, #tpu.memory_space<vmem>>)
          tpu.yield
        }) : () -> ()
        %dma_start3A_1256 = arith.constant 0 : i32
        %dma_start3A_1257 = arith.constant 0 : i32
        %dma_start3A_1258 = tpu.memref_slice %arg3[%dma_start3A_1256, %dma_start3A_1257] : memref<1000000x64xf32, #tpu.memory_space<hbm>> -> memref<1000000x64xf32, #tpu.memory_space<hbm>>
        tpu.enqueue_indirect_dma source(%dma_start3A_1258 : memref<1000000x64xf32, #tpu.memory_space<hbm>>) target(%arg11 : memref<400x64xf32, #tpu.memory_space<vmem>>) offsets(%arg7 : memref<400xi32, #tpu.memory_space<vmem>>) semaphore(%arg15 : memref<!tpu.dma_semaphore, #tpu.memory_space<semaphore_mem>>)
      } else {
      }
      %dma_wait3A_602 = arith.constant 0 : i32
      %dma_wait3A_603 = arith.constant 0 : i32
      %dma_wait3A_604 = tpu.memref_slice %arg3[%dma_wait3A_602, %dma_wait3A_603] : memref<1000000x64xf32, #tpu.memory_space<hbm>> -> memref<1000000x64xf32, #tpu.memory_space<hbm>>
      tpu.wait_indirect_dma semaphore(%arg13 : memref<!tpu.dma_semaphore, #tpu.memory_space<semaphore_mem>>) src(%dma_wait3A_604 : memref<1000000x64xf32, #tpu.memory_space<hbm>>) dst(%arg9 : memref<400x64xf32, #tpu.memory_space<vmem>>)
      %mul3A_605 = arith.constant 8 : i32
      %mul3A_606 = arith.muli %add3A_597, %mul3A_605 : i32
      %add3A_607 = arith.addi %mul3A_4, %mul3A_606 : i32
      %add3A_608 = arith.constant 0 : i32
      %add3A_609 = arith.addi %add3A_607, %add3A_608 : i32
      %dma_start3A_610 = arith.constant 0 : i32
      %dma_start3A_611 = arith.constant 0 : i32
      %dma_start3A_612 = tpu.memref_slice %arg9[%dma_start3A_610, %dma_start3A_611] : memref<400x64xf32, #tpu.memory_space<vmem>> -> memref<50x64xf32, #tpu.memory_space<vmem>>
      %dma_start3A_613 = arith.constant 0 : i32
      %dma_start3A_614 = arith.constant 0 : i32
      %dma_start3A_615 = tpu.memref_slice %arg4[%add3A_609, %dma_start3A_613, %dma_start3A_614] : memref<16384x56x128xf32, #tpu.memory_space<hbm>> -> memref<1x50x64xf32, #tpu.memory_space<hbm>>
      %dma_start3A_616 = tpu.memref_squeeze %dma_start3A_615 : memref<1x50x64xf32, #tpu.memory_space<hbm>> -> memref<50x64xf32, #tpu.memory_space<hbm>>
      %dma_start3A_617 = arith.constant 0 : i32
      %dma_start3A_618 = arith.constant 0 : i32
      %dma_start3A_619 = tpu.memref_slice %arg4[%add3A_609, %dma_start3A_617, %dma_start3A_618] : memref<16384x56x128xf32, #tpu.memory_space<hbm>> -> memref<1x50x64xf32, #tpu.memory_space<hbm>>
      %dma_start3A_620 = tpu.memref_squeeze %dma_start3A_619 : memref<1x50x64xf32, #tpu.memory_space<hbm>> -> memref<50x64xf32, #tpu.memory_space<hbm>>
      %dma_start3A_621 = arith.constant 0 : i32
      %dma_start3A_622 = arith.constant 0 : i32
      %dma_start3A_623 = tpu.memref_slice %arg9[%dma_start3A_621, %dma_start3A_622] : memref<400x64xf32, #tpu.memory_space<vmem>> -> memref<50x64xf32, #tpu.memory_space<vmem>>
      tpu.enqueue_dma source(%dma_start3A_623 : memref<50x64xf32, #tpu.memory_space<vmem>>) target(%dma_start3A_620 : memref<50x64xf32, #tpu.memory_space<hbm>>) target_semaphore(%arg17 : memref<!tpu.dma_semaphore, #tpu.memory_space<semaphore_mem>>)
      %mul3A_624 = arith.constant 8 : i32
      %mul3A_625 = arith.muli %add3A_597, %mul3A_624 : i32
      %add3A_626 = arith.addi %mul3A_4, %mul3A_625 : i32
      %add3A_627 = arith.constant 1 : i32
      %add3A_628 = arith.addi %add3A_626, %add3A_627 : i32
      %dma_start3A_629 = arith.constant 50 : i32
      %dma_start3A_630 = arith.constant 0 : i32
      %dma_start3A_631 = tpu.memref_slice %arg9[%dma_start3A_629, %dma_start3A_630] : memref<400x64xf32, #tpu.memory_space<vmem>> -> memref<50x64xf32, #tpu.memory_space<vmem>>
      %dma_start3A_632 = arith.constant 0 : i32
      %dma_start3A_633 = arith.constant 0 : i32
      %dma_start3A_634 = tpu.memref_slice %arg4[%add3A_628, %dma_start3A_632, %dma_start3A_633] : memref<16384x56x128xf32, #tpu.memory_space<hbm>> -> memref<1x50x64xf32, #tpu.memory_space<hbm>>
      %dma_start3A_635 = tpu.memref_squeeze %dma_start3A_634 : memref<1x50x64xf32, #tpu.memory_space<hbm>> -> memref<50x64xf32, #tpu.memory_space<hbm>>
      %dma_start3A_636 = arith.constant 0 : i32
      %dma_start3A_637 = arith.constant 0 : i32
      %dma_start3A_638 = tpu.memref_slice %arg4[%add3A_628, %dma_start3A_636, %dma_start3A_637] : memref<16384x56x128xf32, #tpu.memory_space<hbm>> -> memref<1x50x64xf32, #tpu.memory_space<hbm>>
      %dma_start3A_639 = tpu.memref_squeeze %dma_start3A_638 : memref<1x50x64xf32, #tpu.memory_space<hbm>> -> memref<50x64xf32, #tpu.memory_space<hbm>>
      %dma_start3A_640 = arith.constant 50 : i32
      %dma_start3A_641 = arith.constant 0 : i32
      %dma_start3A_642 = tpu.memref_slice %arg9[%dma_start3A_640, %dma_start3A_641] : memref<400x64xf32, #tpu.memory_space<vmem>> -> memref<50x64xf32, #tpu.memory_space<vmem>>
      tpu.enqueue_dma source(%dma_start3A_642 : memref<50x64xf32, #tpu.memory_space<vmem>>) target(%dma_start3A_639 : memref<50x64xf32, #tpu.memory_space<hbm>>) target_semaphore(%arg17 : memref<!tpu.dma_semaphore, #tpu.memory_space<semaphore_mem>>)
      %mul3A_643 = arith.constant 8 : i32
      %mul3A_644 = arith.muli %add3A_597, %mul3A_643 : i32
      %add3A_645 = arith.addi %mul3A_4, %mul3A_644 : i32
      %add3A_646 = arith.constant 2 : i32
      %add3A_647 = arith.addi %add3A_645, %add3A_646 : i32
      %dma_start3A_648 = arith.constant 100 : i32
      %dma_start3A_649 = arith.constant 0 : i32
      %dma_start3A_650 = tpu.memref_slice %arg9[%dma_start3A_648, %dma_start3A_649] : memref<400x64xf32, #tpu.memory_space<vmem>> -> memref<50x64xf32, #tpu.memory_space<vmem>>
      %dma_start3A_651 = arith.constant 0 : i32
      %dma_start3A_652 = arith.constant 0 : i32
      %dma_start3A_653 = tpu.memref_slice %arg4[%add3A_647, %dma_start3A_651, %dma_start3A_652] : memref<16384x56x128xf32, #tpu.memory_space<hbm>> -> memref<1x50x64xf32, #tpu.memory_space<hbm>>
      %dma_start3A_654 = tpu.memref_squeeze %dma_start3A_653 : memref<1x50x64xf32, #tpu.memory_space<hbm>> -> memref<50x64xf32, #tpu.memory_space<hbm>>
      %dma_start3A_655 = arith.constant 0 : i32
      %dma_start3A_656 = arith.constant 0 : i32
      %dma_start3A_657 = tpu.memref_slice %arg4[%add3A_647, %dma_start3A_655, %dma_start3A_656] : memref<16384x56x128xf32, #tpu.memory_space<hbm>> -> memref<1x50x64xf32, #tpu.memory_space<hbm>>
      %dma_start3A_658 = tpu.memref_squeeze %dma_start3A_657 : memref<1x50x64xf32, #tpu.memory_space<hbm>> -> memref<50x64xf32, #tpu.memory_space<hbm>>
      %dma_start3A_659 = arith.constant 100 : i32
      %dma_start3A_660 = arith.constant 0 : i32
      %dma_start3A_661 = tpu.memref_slice %arg9[%dma_start3A_659, %dma_start3A_660] : memref<400x64xf32, #tpu.memory_space<vmem>> -> memref<50x64xf32, #tpu.memory_space<vmem>>
      tpu.enqueue_dma source(%dma_start3A_661 : memref<50x64xf32, #tpu.memory_space<vmem>>) target(%dma_start3A_658 : memref<50x64xf32, #tpu.memory_space<hbm>>) target_semaphore(%arg17 : memref<!tpu.dma_semaphore, #tpu.memory_space<semaphore_mem>>)
      %mul3A_662 = arith.constant 8 : i32
      %mul3A_663 = arith.muli %add3A_597, %mul3A_662 : i32
      %add3A_664 = arith.addi %mul3A_4, %mul3A_663 : i32
      %add3A_665 = arith.constant 3 : i32
      %add3A_666 = arith.addi %add3A_664, %add3A_665 : i32
      %dma_start3A_667 = arith.constant 150 : i32
      %dma_start3A_668 = arith.constant 0 : i32
      %dma_start3A_669 = tpu.memref_slice %arg9[%dma_start3A_667, %dma_start3A_668] : memref<400x64xf32, #tpu.memory_space<vmem>> -> memref<50x64xf32, #tpu.memory_space<vmem>>
      %dma_start3A_670 = arith.constant 0 : i32
      %dma_start3A_671 = arith.constant 0 : i32
      %dma_start3A_672 = tpu.memref_slice %arg4[%add3A_666, %dma_start3A_670, %dma_start3A_671] : memref<16384x56x128xf32, #tpu.memory_space<hbm>> -> memref<1x50x64xf32, #tpu.memory_space<hbm>>
      %dma_start3A_673 = tpu.memref_squeeze %dma_start3A_672 : memref<1x50x64xf32, #tpu.memory_space<hbm>> -> memref<50x64xf32, #tpu.memory_space<hbm>>
      %dma_start3A_674 = arith.constant 0 : i32
      %dma_start3A_675 = arith.constant 0 : i32
      %dma_start3A_676 = tpu.memref_slice %arg4[%add3A_666, %dma_start3A_674, %dma_start3A_675] : memref<16384x56x128xf32, #tpu.memory_space<hbm>> -> memref<1x50x64xf32, #tpu.memory_space<hbm>>
      %dma_start3A_677 = tpu.memref_squeeze %dma_start3A_676 : memref<1x50x64xf32, #tpu.memory_space<hbm>> -> memref<50x64xf32, #tpu.memory_space<hbm>>
      %dma_start3A_678 = arith.constant 150 : i32
      %dma_start3A_679 = arith.constant 0 : i32
      %dma_start3A_680 = tpu.memref_slice %arg9[%dma_start3A_678, %dma_start3A_679] : memref<400x64xf32, #tpu.memory_space<vmem>> -> memref<50x64xf32, #tpu.memory_space<vmem>>
      tpu.enqueue_dma source(%dma_start3A_680 : memref<50x64xf32, #tpu.memory_space<vmem>>) target(%dma_start3A_677 : memref<50x64xf32, #tpu.memory_space<hbm>>) target_semaphore(%arg17 : memref<!tpu.dma_semaphore, #tpu.memory_space<semaphore_mem>>)
      %mul3A_681 = arith.constant 8 : i32
      %mul3A_682 = arith.muli %add3A_597, %mul3A_681 : i32
      %add3A_683 = arith.addi %mul3A_4, %mul3A_682 : i32
      %add3A_684 = arith.constant 4 : i32
      %add3A_685 = arith.addi %add3A_683, %add3A_684 : i32
      %dma_start3A_686 = arith.constant 200 : i32
      %dma_start3A_687 = arith.constant 0 : i32
      %dma_start3A_688 = tpu.memref_slice %arg9[%dma_start3A_686, %dma_start3A_687] : memref<400x64xf32, #tpu.memory_space<vmem>> -> memref<50x64xf32, #tpu.memory_space<vmem>>
      %dma_start3A_689 = arith.constant 0 : i32
      %dma_start3A_690 = arith.constant 0 : i32
      %dma_start3A_691 = tpu.memref_slice %arg4[%add3A_685, %dma_start3A_689, %dma_start3A_690] : memref<16384x56x128xf32, #tpu.memory_space<hbm>> -> memref<1x50x64xf32, #tpu.memory_space<hbm>>
      %dma_start3A_692 = tpu.memref_squeeze %dma_start3A_691 : memref<1x50x64xf32, #tpu.memory_space<hbm>> -> memref<50x64xf32, #tpu.memory_space<hbm>>
      %dma_start3A_693 = arith.constant 0 : i32
      %dma_start3A_694 = arith.constant 0 : i32
      %dma_start3A_695 = tpu.memref_slice %arg4[%add3A_685, %dma_start3A_693, %dma_start3A_694] : memref<16384x56x128xf32, #tpu.memory_space<hbm>> -> memref<1x50x64xf32, #tpu.memory_space<hbm>>
      %dma_start3A_696 = tpu.memref_squeeze %dma_start3A_695 : memref<1x50x64xf32, #tpu.memory_space<hbm>> -> memref<50x64xf32, #tpu.memory_space<hbm>>
      %dma_start3A_697 = arith.constant 200 : i32
      %dma_start3A_698 = arith.constant 0 : i32
      %dma_start3A_699 = tpu.memref_slice %arg9[%dma_start3A_697, %dma_start3A_698] : memref<400x64xf32, #tpu.memory_space<vmem>> -> memref<50x64xf32, #tpu.memory_space<vmem>>
      tpu.enqueue_dma source(%dma_start3A_699 : memref<50x64xf32, #tpu.memory_space<vmem>>) target(%dma_start3A_696 : memref<50x64xf32, #tpu.memory_space<hbm>>) target_semaphore(%arg17 : memref<!tpu.dma_semaphore, #tpu.memory_space<semaphore_mem>>)
      %mul3A_700 = arith.constant 8 : i32
      %mul3A_701 = arith.muli %add3A_597, %mul3A_700 : i32
      %add3A_702 = arith.addi %mul3A_4, %mul3A_701 : i32
      %add3A_703 = arith.constant 5 : i32
      %add3A_704 = arith.addi %add3A_702, %add3A_703 : i32
      %dma_start3A_705 = arith.constant 250 : i32
      %dma_start3A_706 = arith.constant 0 : i32
      %dma_start3A_707 = tpu.memref_slice %arg9[%dma_start3A_705, %dma_start3A_706] : memref<400x64xf32, #tpu.memory_space<vmem>> -> memref<50x64xf32, #tpu.memory_space<vmem>>
      %dma_start3A_708 = arith.constant 0 : i32
      %dma_start3A_709 = arith.constant 0 : i32
      %dma_start3A_710 = tpu.memref_slice %arg4[%add3A_704, %dma_start3A_708, %dma_start3A_709] : memref<16384x56x128xf32, #tpu.memory_space<hbm>> -> memref<1x50x64xf32, #tpu.memory_space<hbm>>
      %dma_start3A_711 = tpu.memref_squeeze %dma_start3A_710 : memref<1x50x64xf32, #tpu.memory_space<hbm>> -> memref<50x64xf32, #tpu.memory_space<hbm>>
      %dma_start3A_712 = arith.constant 0 : i32
      %dma_start3A_713 = arith.constant 0 : i32
      %dma_start3A_714 = tpu.memref_slice %arg4[%add3A_704, %dma_start3A_712, %dma_start3A_713] : memref<16384x56x128xf32, #tpu.memory_space<hbm>> -> memref<1x50x64xf32, #tpu.memory_space<hbm>>
      %dma_start3A_715 = tpu.memref_squeeze %dma_start3A_714 : memref<1x50x64xf32, #tpu.memory_space<hbm>> -> memref<50x64xf32, #tpu.memory_space<hbm>>
      %dma_start3A_716 = arith.constant 250 : i32
      %dma_start3A_717 = arith.constant 0 : i32
      %dma_start3A_718 = tpu.memref_slice %arg9[%dma_start3A_716, %dma_start3A_717] : memref<400x64xf32, #tpu.memory_space<vmem>> -> memref<50x64xf32, #tpu.memory_space<vmem>>
      tpu.enqueue_dma source(%dma_start3A_718 : memref<50x64xf32, #tpu.memory_space<vmem>>) target(%dma_start3A_715 : memref<50x64xf32, #tpu.memory_space<hbm>>) target_semaphore(%arg17 : memref<!tpu.dma_semaphore, #tpu.memory_space<semaphore_mem>>)
      %mul3A_719 = arith.constant 8 : i32
      %mul3A_720 = arith.muli %add3A_597, %mul3A_719 : i32
      %add3A_721 = arith.addi %mul3A_4, %mul3A_720 : i32
      %add3A_722 = arith.constant 6 : i32
      %add3A_723 = arith.addi %add3A_721, %add3A_722 : i32
      %dma_start3A_724 = arith.constant 300 : i32
      %dma_start3A_725 = arith.constant 0 : i32
      %dma_start3A_726 = tpu.memref_slice %arg9[%dma_start3A_724, %dma_start3A_725] : memref<400x64xf32, #tpu.memory_space<vmem>> -> memref<50x64xf32, #tpu.memory_space<vmem>>
      %dma_start3A_727 = arith.constant 0 : i32
      %dma_start3A_728 = arith.constant 0 : i32
      %dma_start3A_729 = tpu.memref_slice %arg4[%add3A_723, %dma_start3A_727, %dma_start3A_728] : memref<16384x56x128xf32, #tpu.memory_space<hbm>> -> memref<1x50x64xf32, #tpu.memory_space<hbm>>
      %dma_start3A_730 = tpu.memref_squeeze %dma_start3A_729 : memref<1x50x64xf32, #tpu.memory_space<hbm>> -> memref<50x64xf32, #tpu.memory_space<hbm>>
      %dma_start3A_731 = arith.constant 0 : i32
      %dma_start3A_732 = arith.constant 0 : i32
      %dma_start3A_733 = tpu.memref_slice %arg4[%add3A_723, %dma_start3A_731, %dma_start3A_732] : memref<16384x56x128xf32, #tpu.memory_space<hbm>> -> memref<1x50x64xf32, #tpu.memory_space<hbm>>
      %dma_start3A_734 = tpu.memref_squeeze %dma_start3A_733 : memref<1x50x64xf32, #tpu.memory_space<hbm>> -> memref<50x64xf32, #tpu.memory_space<hbm>>
      %dma_start3A_735 = arith.constant 300 : i32
      %dma_start3A_736 = arith.constant 0 : i32
      %dma_start3A_737 = tpu.memref_slice %arg9[%dma_start3A_735, %dma_start3A_736] : memref<400x64xf32, #tpu.memory_space<vmem>> -> memref<50x64xf32, #tpu.memory_space<vmem>>
      tpu.enqueue_dma source(%dma_start3A_737 : memref<50x64xf32, #tpu.memory_space<vmem>>) target(%dma_start3A_734 : memref<50x64xf32, #tpu.memory_space<hbm>>) target_semaphore(%arg17 : memref<!tpu.dma_semaphore, #tpu.memory_space<semaphore_mem>>)
      %mul3A_738 = arith.constant 8 : i32
      %mul3A_739 = arith.muli %add3A_597, %mul3A_738 : i32
      %add3A_740 = arith.addi %mul3A_4, %mul3A_739 : i32
      %add3A_741 = arith.constant 7 : i32
      %add3A_742 = arith.addi %add3A_740, %add3A_741 : i32
      %dma_start3A_743 = arith.constant 350 : i32
      %dma_start3A_744 = arith.constant 0 : i32
      %dma_start3A_745 = tpu.memref_slice %arg9[%dma_start3A_743, %dma_start3A_744] : memref<400x64xf32, #tpu.memory_space<vmem>> -> memref<50x64xf32, #tpu.memory_space<vmem>>
      %dma_start3A_746 = arith.constant 0 : i32
      %dma_start3A_747 = arith.constant 0 : i32
      %dma_start3A_748 = tpu.memref_slice %arg4[%add3A_742, %dma_start3A_746, %dma_start3A_747] : memref<16384x56x128xf32, #tpu.memory_space<hbm>> -> memref<1x50x64xf32, #tpu.memory_space<hbm>>
      %dma_start3A_749 = tpu.memref_squeeze %dma_start3A_748 : memref<1x50x64xf32, #tpu.memory_space<hbm>> -> memref<50x64xf32, #tpu.memory_space<hbm>>
      %dma_start3A_750 = arith.constant 0 : i32
      %dma_start3A_751 = arith.constant 0 : i32
      %dma_start3A_752 = tpu.memref_slice %arg4[%add3A_742, %dma_start3A_750, %dma_start3A_751] : memref<16384x56x128xf32, #tpu.memory_space<hbm>> -> memref<1x50x64xf32, #tpu.memory_space<hbm>>
      %dma_start3A_753 = tpu.memref_squeeze %dma_start3A_752 : memref<1x50x64xf32, #tpu.memory_space<hbm>> -> memref<50x64xf32, #tpu.memory_space<hbm>>
      %dma_start3A_754 = arith.constant 350 : i32
      %dma_start3A_755 = arith.constant 0 : i32
      %dma_start3A_756 = tpu.memref_slice %arg9[%dma_start3A_754, %dma_start3A_755] : memref<400x64xf32, #tpu.memory_space<vmem>> -> memref<50x64xf32, #tpu.memory_space<vmem>>
      tpu.enqueue_dma source(%dma_start3A_756 : memref<50x64xf32, #tpu.memory_space<vmem>>) target(%dma_start3A_753 : memref<50x64xf32, #tpu.memory_space<hbm>>) target_semaphore(%arg17 : memref<!tpu.dma_semaphore, #tpu.memory_space<semaphore_mem>>)
      %add3A_757 = arith.constant 1 : i32
      %add3A_758 = arith.addi %mul3A_595, %add3A_757 : i32
      %add3A_759 = arith.constant 2 : i32
      %add3A_760 = arith.addi %add3A_758, %add3A_759 : i32
      %lt3A_761 = arith.constant 64 : i32
      %lt3A_762 = arith.cmpi slt, %add3A_760, %lt3A_761 : i32
      %convert_element_type3A_763 = arith.extui %lt3A_762 : i1 to i32
      %cond3A_764 = arith.constant 0 : i32
      %cond3A_765 = arith.cmpi ne, %convert_element_type3A_763, %cond3A_764 : i32
      scf.if %cond3A_765 {
        %ge3A = arith.constant 4 : i32
        %ge3A_1249 = arith.cmpi sge, %add3A_760, %ge3A : i32
        %convert_element_type3A_1250 = arith.extui %ge3A_1249 : i1 to i32
        %cond3A_1251 = arith.constant 0 : i32
        %cond3A_1252 = arith.cmpi ne, %convert_element_type3A_1250, %cond3A_1251 : i32
        scf.if %cond3A_1252 {
          %sub3A = arith.constant 4 : i32
          %sub3A_1259 = arith.subi %add3A_760, %sub3A : i32
          %mul3A_1260 = arith.constant 8 : i32
          %mul3A_1261 = arith.muli %sub3A_1259, %mul3A_1260 : i32
          %add3A_1262 = arith.addi %mul3A_4, %mul3A_1261 : i32
          %add3A_1263 = arith.constant 0 : i32
          %add3A_1264 = arith.addi %add3A_1262, %add3A_1263 : i32
          %dma_wait3A_1265 = arith.constant 0 : i32
          %dma_wait3A_1266 = arith.constant 0 : i32
          %dma_wait3A_1267 = tpu.memref_slice %arg12[%dma_wait3A_1265, %dma_wait3A_1266] : memref<400x64xf32, #tpu.memory_space<vmem>> -> memref<50x64xf32, #tpu.memory_space<vmem>>
          %dma_wait3A_1268 = arith.constant 0 : i32
          %dma_wait3A_1269 = arith.constant 0 : i32
          %dma_wait3A_1270 = tpu.memref_slice %arg4[%add3A_1264, %dma_wait3A_1268, %dma_wait3A_1269] : memref<16384x56x128xf32, #tpu.memory_space<hbm>> -> memref<1x50x64xf32, #tpu.memory_space<hbm>>
          %dma_wait3A_1271 = tpu.memref_squeeze %dma_wait3A_1270 : memref<1x50x64xf32, #tpu.memory_space<hbm>> -> memref<50x64xf32, #tpu.memory_space<hbm>>
          %dma_wait3A_1272 = arith.constant 0 : i32
          %dma_wait3A_1273 = arith.constant 0 : i32
          %dma_wait3A_1274 = tpu.memref_slice %arg4[%add3A_1264, %dma_wait3A_1272, %dma_wait3A_1273] : memref<16384x56x128xf32, #tpu.memory_space<hbm>> -> memref<1x50x64xf32, #tpu.memory_space<hbm>>
          %dma_wait3A_1275 = tpu.memref_squeeze %dma_wait3A_1274 : memref<1x50x64xf32, #tpu.memory_space<hbm>> -> memref<50x64xf32, #tpu.memory_space<hbm>>
          %dma_wait3A_1276 = arith.constant 0 : i32
          %dma_wait3A_1277 = arith.constant 0 : i32
          %dma_wait3A_1278 = tpu.memref_slice %arg12[%dma_wait3A_1276, %dma_wait3A_1277] : memref<400x64xf32, #tpu.memory_space<vmem>> -> memref<50x64xf32, #tpu.memory_space<vmem>>
          tpu.wait_dma2 semaphore(%arg20 : memref<!tpu.dma_semaphore, #tpu.memory_space<semaphore_mem>>) src(%dma_wait3A_1278 : memref<50x64xf32, #tpu.memory_space<vmem>>) dst(%dma_wait3A_1275 : memref<50x64xf32, #tpu.memory_space<hbm>>)
          %mul3A_1279 = arith.constant 8 : i32
          %mul3A_1280 = arith.muli %sub3A_1259, %mul3A_1279 : i32
          %add3A_1281 = arith.addi %mul3A_4, %mul3A_1280 : i32
          %add3A_1282 = arith.constant 1 : i32
          %add3A_1283 = arith.addi %add3A_1281, %add3A_1282 : i32
          %dma_wait3A_1284 = arith.constant 50 : i32
          %dma_wait3A_1285 = arith.constant 0 : i32
          %dma_wait3A_1286 = tpu.memref_slice %arg12[%dma_wait3A_1284, %dma_wait3A_1285] : memref<400x64xf32, #tpu.memory_space<vmem>> -> memref<50x64xf32, #tpu.memory_space<vmem>>
          %dma_wait3A_1287 = arith.constant 0 : i32
          %dma_wait3A_1288 = arith.constant 0 : i32
          %dma_wait3A_1289 = tpu.memref_slice %arg4[%add3A_1283, %dma_wait3A_1287, %dma_wait3A_1288] : memref<16384x56x128xf32, #tpu.memory_space<hbm>> -> memref<1x50x64xf32, #tpu.memory_space<hbm>>
          %dma_wait3A_1290 = tpu.memref_squeeze %dma_wait3A_1289 : memref<1x50x64xf32, #tpu.memory_space<hbm>> -> memref<50x64xf32, #tpu.memory_space<hbm>>
          %dma_wait3A_1291 = arith.constant 0 : i32
          %dma_wait3A_1292 = arith.constant 0 : i32
          %dma_wait3A_1293 = tpu.memref_slice %arg4[%add3A_1283, %dma_wait3A_1291, %dma_wait3A_1292] : memref<16384x56x128xf32, #tpu.memory_space<hbm>> -> memref<1x50x64xf32, #tpu.memory_space<hbm>>
          %dma_wait3A_1294 = tpu.memref_squeeze %dma_wait3A_1293 : memref<1x50x64xf32, #tpu.memory_space<hbm>> -> memref<50x64xf32, #tpu.memory_space<hbm>>
          %dma_wait3A_1295 = arith.constant 50 : i32
          %dma_wait3A_1296 = arith.constant 0 : i32
          %dma_wait3A_1297 = tpu.memref_slice %arg12[%dma_wait3A_1295, %dma_wait3A_1296] : memref<400x64xf32, #tpu.memory_space<vmem>> -> memref<50x64xf32, #tpu.memory_space<vmem>>
          tpu.wait_dma2 semaphore(%arg20 : memref<!tpu.dma_semaphore, #tpu.memory_space<semaphore_mem>>) src(%dma_wait3A_1297 : memref<50x64xf32, #tpu.memory_space<vmem>>) dst(%dma_wait3A_1294 : memref<50x64xf32, #tpu.memory_space<hbm>>)
          %mul3A_1298 = arith.constant 8 : i32
          %mul3A_1299 = arith.muli %sub3A_1259, %mul3A_1298 : i32
          %add3A_1300 = arith.addi %mul3A_4, %mul3A_1299 : i32
          %add3A_1301 = arith.constant 2 : i32
          %add3A_1302 = arith.addi %add3A_1300, %add3A_1301 : i32
          %dma_wait3A_1303 = arith.constant 100 : i32
          %dma_wait3A_1304 = arith.constant 0 : i32
          %dma_wait3A_1305 = tpu.memref_slice %arg12[%dma_wait3A_1303, %dma_wait3A_1304] : memref<400x64xf32, #tpu.memory_space<vmem>> -> memref<50x64xf32, #tpu.memory_space<vmem>>
          %dma_wait3A_1306 = arith.constant 0 : i32
          %dma_wait3A_1307 = arith.constant 0 : i32
          %dma_wait3A_1308 = tpu.memref_slice %arg4[%add3A_1302, %dma_wait3A_1306, %dma_wait3A_1307] : memref<16384x56x128xf32, #tpu.memory_space<hbm>> -> memref<1x50x64xf32, #tpu.memory_space<hbm>>
          %dma_wait3A_1309 = tpu.memref_squeeze %dma_wait3A_1308 : memref<1x50x64xf32, #tpu.memory_space<hbm>> -> memref<50x64xf32, #tpu.memory_space<hbm>>
          %dma_wait3A_1310 = arith.constant 0 : i32
          %dma_wait3A_1311 = arith.constant 0 : i32
          %dma_wait3A_1312 = tpu.memref_slice %arg4[%add3A_1302, %dma_wait3A_1310, %dma_wait3A_1311] : memref<16384x56x128xf32, #tpu.memory_space<hbm>> -> memref<1x50x64xf32, #tpu.memory_space<hbm>>
          %dma_wait3A_1313 = tpu.memref_squeeze %dma_wait3A_1312 : memref<1x50x64xf32, #tpu.memory_space<hbm>> -> memref<50x64xf32, #tpu.memory_space<hbm>>
          %dma_wait3A_1314 = arith.constant 100 : i32
          %dma_wait3A_1315 = arith.constant 0 : i32
          %dma_wait3A_1316 = tpu.memref_slice %arg12[%dma_wait3A_1314, %dma_wait3A_1315] : memref<400x64xf32, #tpu.memory_space<vmem>> -> memref<50x64xf32, #tpu.memory_space<vmem>>
          tpu.wait_dma2 semaphore(%arg20 : memref<!tpu.dma_semaphore, #tpu.memory_space<semaphore_mem>>) src(%dma_wait3A_1316 : memref<50x64xf32, #tpu.memory_space<vmem>>) dst(%dma_wait3A_1313 : memref<50x64xf32, #tpu.memory_space<hbm>>)
          %mul3A_1317 = arith.constant 8 : i32
          %mul3A_1318 = arith.muli %sub3A_1259, %mul3A_1317 : i32
          %add3A_1319 = arith.addi %mul3A_4, %mul3A_1318 : i32
          %add3A_1320 = arith.constant 3 : i32
          %add3A_1321 = arith.addi %add3A_1319, %add3A_1320 : i32
          %dma_wait3A_1322 = arith.constant 150 : i32
          %dma_wait3A_1323 = arith.constant 0 : i32
          %dma_wait3A_1324 = tpu.memref_slice %arg12[%dma_wait3A_1322, %dma_wait3A_1323] : memref<400x64xf32, #tpu.memory_space<vmem>> -> memref<50x64xf32, #tpu.memory_space<vmem>>
          %dma_wait3A_1325 = arith.constant 0 : i32
          %dma_wait3A_1326 = arith.constant 0 : i32
          %dma_wait3A_1327 = tpu.memref_slice %arg4[%add3A_1321, %dma_wait3A_1325, %dma_wait3A_1326] : memref<16384x56x128xf32, #tpu.memory_space<hbm>> -> memref<1x50x64xf32, #tpu.memory_space<hbm>>
          %dma_wait3A_1328 = tpu.memref_squeeze %dma_wait3A_1327 : memref<1x50x64xf32, #tpu.memory_space<hbm>> -> memref<50x64xf32, #tpu.memory_space<hbm>>
          %dma_wait3A_1329 = arith.constant 0 : i32
          %dma_wait3A_1330 = arith.constant 0 : i32
          %dma_wait3A_1331 = tpu.memref_slice %arg4[%add3A_1321, %dma_wait3A_1329, %dma_wait3A_1330] : memref<16384x56x128xf32, #tpu.memory_space<hbm>> -> memref<1x50x64xf32, #tpu.memory_space<hbm>>
          %dma_wait3A_1332 = tpu.memref_squeeze %dma_wait3A_1331 : memref<1x50x64xf32, #tpu.memory_space<hbm>> -> memref<50x64xf32, #tpu.memory_space<hbm>>
          %dma_wait3A_1333 = arith.constant 150 : i32
          %dma_wait3A_1334 = arith.constant 0 : i32
          %dma_wait3A_1335 = tpu.memref_slice %arg12[%dma_wait3A_1333, %dma_wait3A_1334] : memref<400x64xf32, #tpu.memory_space<vmem>> -> memref<50x64xf32, #tpu.memory_space<vmem>>
          tpu.wait_dma2 semaphore(%arg20 : memref<!tpu.dma_semaphore, #tpu.memory_space<semaphore_mem>>) src(%dma_wait3A_1335 : memref<50x64xf32, #tpu.memory_space<vmem>>) dst(%dma_wait3A_1332 : memref<50x64xf32, #tpu.memory_space<hbm>>)
          %mul3A_1336 = arith.constant 8 : i32
          %mul3A_1337 = arith.muli %sub3A_1259, %mul3A_1336 : i32
          %add3A_1338 = arith.addi %mul3A_4, %mul3A_1337 : i32
          %add3A_1339 = arith.constant 4 : i32
          %add3A_1340 = arith.addi %add3A_1338, %add3A_1339 : i32
          %dma_wait3A_1341 = arith.constant 200 : i32
          %dma_wait3A_1342 = arith.constant 0 : i32
          %dma_wait3A_1343 = tpu.memref_slice %arg12[%dma_wait3A_1341, %dma_wait3A_1342] : memref<400x64xf32, #tpu.memory_space<vmem>> -> memref<50x64xf32, #tpu.memory_space<vmem>>
          %dma_wait3A_1344 = arith.constant 0 : i32
          %dma_wait3A_1345 = arith.constant 0 : i32
          %dma_wait3A_1346 = tpu.memref_slice %arg4[%add3A_1340, %dma_wait3A_1344, %dma_wait3A_1345] : memref<16384x56x128xf32, #tpu.memory_space<hbm>> -> memref<1x50x64xf32, #tpu.memory_space<hbm>>
          %dma_wait3A_1347 = tpu.memref_squeeze %dma_wait3A_1346 : memref<1x50x64xf32, #tpu.memory_space<hbm>> -> memref<50x64xf32, #tpu.memory_space<hbm>>
          %dma_wait3A_1348 = arith.constant 0 : i32
          %dma_wait3A_1349 = arith.constant 0 : i32
          %dma_wait3A_1350 = tpu.memref_slice %arg4[%add3A_1340, %dma_wait3A_1348, %dma_wait3A_1349] : memref<16384x56x128xf32, #tpu.memory_space<hbm>> -> memref<1x50x64xf32, #tpu.memory_space<hbm>>
          %dma_wait3A_1351 = tpu.memref_squeeze %dma_wait3A_1350 : memref<1x50x64xf32, #tpu.memory_space<hbm>> -> memref<50x64xf32, #tpu.memory_space<hbm>>
          %dma_wait3A_1352 = arith.constant 200 : i32
          %dma_wait3A_1353 = arith.constant 0 : i32
          %dma_wait3A_1354 = tpu.memref_slice %arg12[%dma_wait3A_1352, %dma_wait3A_1353] : memref<400x64xf32, #tpu.memory_space<vmem>> -> memref<50x64xf32, #tpu.memory_space<vmem>>
          tpu.wait_dma2 semaphore(%arg20 : memref<!tpu.dma_semaphore, #tpu.memory_space<semaphore_mem>>) src(%dma_wait3A_1354 : memref<50x64xf32, #tpu.memory_space<vmem>>) dst(%dma_wait3A_1351 : memref<50x64xf32, #tpu.memory_space<hbm>>)
          %mul3A_1355 = arith.constant 8 : i32
          %mul3A_1356 = arith.muli %sub3A_1259, %mul3A_1355 : i32
          %add3A_1357 = arith.addi %mul3A_4, %mul3A_1356 : i32
          %add3A_1358 = arith.constant 5 : i32
          %add3A_1359 = arith.addi %add3A_1357, %add3A_1358 : i32
          %dma_wait3A_1360 = arith.constant 250 : i32
          %dma_wait3A_1361 = arith.constant 0 : i32
          %dma_wait3A_1362 = tpu.memref_slice %arg12[%dma_wait3A_1360, %dma_wait3A_1361] : memref<400x64xf32, #tpu.memory_space<vmem>> -> memref<50x64xf32, #tpu.memory_space<vmem>>
          %dma_wait3A_1363 = arith.constant 0 : i32
          %dma_wait3A_1364 = arith.constant 0 : i32
          %dma_wait3A_1365 = tpu.memref_slice %arg4[%add3A_1359, %dma_wait3A_1363, %dma_wait3A_1364] : memref<16384x56x128xf32, #tpu.memory_space<hbm>> -> memref<1x50x64xf32, #tpu.memory_space<hbm>>
          %dma_wait3A_1366 = tpu.memref_squeeze %dma_wait3A_1365 : memref<1x50x64xf32, #tpu.memory_space<hbm>> -> memref<50x64xf32, #tpu.memory_space<hbm>>
          %dma_wait3A_1367 = arith.constant 0 : i32
          %dma_wait3A_1368 = arith.constant 0 : i32
          %dma_wait3A_1369 = tpu.memref_slice %arg4[%add3A_1359, %dma_wait3A_1367, %dma_wait3A_1368] : memref<16384x56x128xf32, #tpu.memory_space<hbm>> -> memref<1x50x64xf32, #tpu.memory_space<hbm>>
          %dma_wait3A_1370 = tpu.memref_squeeze %dma_wait3A_1369 : memref<1x50x64xf32, #tpu.memory_space<hbm>> -> memref<50x64xf32, #tpu.memory_space<hbm>>
          %dma_wait3A_1371 = arith.constant 250 : i32
          %dma_wait3A_1372 = arith.constant 0 : i32
          %dma_wait3A_1373 = tpu.memref_slice %arg12[%dma_wait3A_1371, %dma_wait3A_1372] : memref<400x64xf32, #tpu.memory_space<vmem>> -> memref<50x64xf32, #tpu.memory_space<vmem>>
          tpu.wait_dma2 semaphore(%arg20 : memref<!tpu.dma_semaphore, #tpu.memory_space<semaphore_mem>>) src(%dma_wait3A_1373 : memref<50x64xf32, #tpu.memory_space<vmem>>) dst(%dma_wait3A_1370 : memref<50x64xf32, #tpu.memory_space<hbm>>)
          %mul3A_1374 = arith.constant 8 : i32
          %mul3A_1375 = arith.muli %sub3A_1259, %mul3A_1374 : i32
          %add3A_1376 = arith.addi %mul3A_4, %mul3A_1375 : i32
          %add3A_1377 = arith.constant 6 : i32
          %add3A_1378 = arith.addi %add3A_1376, %add3A_1377 : i32
          %dma_wait3A_1379 = arith.constant 300 : i32
          %dma_wait3A_1380 = arith.constant 0 : i32
          %dma_wait3A_1381 = tpu.memref_slice %arg12[%dma_wait3A_1379, %dma_wait3A_1380] : memref<400x64xf32, #tpu.memory_space<vmem>> -> memref<50x64xf32, #tpu.memory_space<vmem>>
          %dma_wait3A_1382 = arith.constant 0 : i32
          %dma_wait3A_1383 = arith.constant 0 : i32
          %dma_wait3A_1384 = tpu.memref_slice %arg4[%add3A_1378, %dma_wait3A_1382, %dma_wait3A_1383] : memref<16384x56x128xf32, #tpu.memory_space<hbm>> -> memref<1x50x64xf32, #tpu.memory_space<hbm>>
          %dma_wait3A_1385 = tpu.memref_squeeze %dma_wait3A_1384 : memref<1x50x64xf32, #tpu.memory_space<hbm>> -> memref<50x64xf32, #tpu.memory_space<hbm>>
          %dma_wait3A_1386 = arith.constant 0 : i32
          %dma_wait3A_1387 = arith.constant 0 : i32
          %dma_wait3A_1388 = tpu.memref_slice %arg4[%add3A_1378, %dma_wait3A_1386, %dma_wait3A_1387] : memref<16384x56x128xf32, #tpu.memory_space<hbm>> -> memref<1x50x64xf32, #tpu.memory_space<hbm>>
          %dma_wait3A_1389 = tpu.memref_squeeze %dma_wait3A_1388 : memref<1x50x64xf32, #tpu.memory_space<hbm>> -> memref<50x64xf32, #tpu.memory_space<hbm>>
          %dma_wait3A_1390 = arith.constant 300 : i32
          %dma_wait3A_1391 = arith.constant 0 : i32
          %dma_wait3A_1392 = tpu.memref_slice %arg12[%dma_wait3A_1390, %dma_wait3A_1391] : memref<400x64xf32, #tpu.memory_space<vmem>> -> memref<50x64xf32, #tpu.memory_space<vmem>>
          tpu.wait_dma2 semaphore(%arg20 : memref<!tpu.dma_semaphore, #tpu.memory_space<semaphore_mem>>) src(%dma_wait3A_1392 : memref<50x64xf32, #tpu.memory_space<vmem>>) dst(%dma_wait3A_1389 : memref<50x64xf32, #tpu.memory_space<hbm>>)
          %mul3A_1393 = arith.constant 8 : i32
          %mul3A_1394 = arith.muli %sub3A_1259, %mul3A_1393 : i32
          %add3A_1395 = arith.addi %mul3A_4, %mul3A_1394 : i32
          %add3A_1396 = arith.constant 7 : i32
          %add3A_1397 = arith.addi %add3A_1395, %add3A_1396 : i32
          %dma_wait3A_1398 = arith.constant 350 : i32
          %dma_wait3A_1399 = arith.constant 0 : i32
          %dma_wait3A_1400 = tpu.memref_slice %arg12[%dma_wait3A_1398, %dma_wait3A_1399] : memref<400x64xf32, #tpu.memory_space<vmem>> -> memref<50x64xf32, #tpu.memory_space<vmem>>
          %dma_wait3A_1401 = arith.constant 0 : i32
          %dma_wait3A_1402 = arith.constant 0 : i32
          %dma_wait3A_1403 = tpu.memref_slice %arg4[%add3A_1397, %dma_wait3A_1401, %dma_wait3A_1402] : memref<16384x56x128xf32, #tpu.memory_space<hbm>> -> memref<1x50x64xf32, #tpu.memory_space<hbm>>
          %dma_wait3A_1404 = tpu.memref_squeeze %dma_wait3A_1403 : memref<1x50x64xf32, #tpu.memory_space<hbm>> -> memref<50x64xf32, #tpu.memory_space<hbm>>
          %dma_wait3A_1405 = arith.constant 0 : i32
          %dma_wait3A_1406 = arith.constant 0 : i32
          %dma_wait3A_1407 = tpu.memref_slice %arg4[%add3A_1397, %dma_wait3A_1405, %dma_wait3A_1406] : memref<16384x56x128xf32, #tpu.memory_space<hbm>> -> memref<1x50x64xf32, #tpu.memory_space<hbm>>
          %dma_wait3A_1408 = tpu.memref_squeeze %dma_wait3A_1407 : memref<1x50x64xf32, #tpu.memory_space<hbm>> -> memref<50x64xf32, #tpu.memory_space<hbm>>
          %dma_wait3A_1409 = arith.constant 350 : i32
          %dma_wait3A_1410 = arith.constant 0 : i32
          %dma_wait3A_1411 = tpu.memref_slice %arg12[%dma_wait3A_1409, %dma_wait3A_1410] : memref<400x64xf32, #tpu.memory_space<vmem>> -> memref<50x64xf32, #tpu.memory_space<vmem>>
          tpu.wait_dma2 semaphore(%arg20 : memref<!tpu.dma_semaphore, #tpu.memory_space<semaphore_mem>>) src(%dma_wait3A_1411 : memref<50x64xf32, #tpu.memory_space<vmem>>) dst(%dma_wait3A_1408 : memref<50x64xf32, #tpu.memory_space<hbm>>)
        } else {
        }
        %mul3A_1253 = arith.constant 400 : i32
        %mul3A_1254 = arith.muli %add3A_760, %mul3A_1253 : i32
        %add3A_1255 = arith.addi %mul3A_2, %mul3A_1254 : i32
        "tpu.region"() ({
          %run_scoped3A = tpu.sem_alloc : memref<!tpu.dma_semaphore, #tpu.memory_space<semaphore_mem>>
          %dma_start3A_1259 = tpu.memref_slice %arg2[%add3A_1255] : memref<819200xi32, #tpu.memory_space<hbm>> -> memref<400xi32, #tpu.memory_space<hbm>>
          %dma_start3A_1260 = tpu.memref_slice %arg2[%add3A_1255] : memref<819200xi32, #tpu.memory_space<hbm>> -> memref<400xi32, #tpu.memory_space<hbm>>
          tpu.enqueue_dma source(%dma_start3A_1260 : memref<400xi32, #tpu.memory_space<hbm>>) target(%arg8 : memref<400xi32, #tpu.memory_space<vmem>>) target_semaphore(%run_scoped3A : memref<!tpu.dma_semaphore, #tpu.memory_space<semaphore_mem>>)
          %dma_wait3A_1261 = tpu.memref_slice %arg2[%add3A_1255] : memref<819200xi32, #tpu.memory_space<hbm>> -> memref<400xi32, #tpu.memory_space<hbm>>
          %dma_wait3A_1262 = tpu.memref_slice %arg2[%add3A_1255] : memref<819200xi32, #tpu.memory_space<hbm>> -> memref<400xi32, #tpu.memory_space<hbm>>
          tpu.wait_dma2 semaphore(%run_scoped3A : memref<!tpu.dma_semaphore, #tpu.memory_space<semaphore_mem>>) src(%dma_wait3A_1262 : memref<400xi32, #tpu.memory_space<hbm>>) dst(%arg8 : memref<400xi32, #tpu.memory_space<vmem>>)
          tpu.yield
        }) : () -> ()
        %dma_start3A_1256 = arith.constant 0 : i32
        %dma_start3A_1257 = arith.constant 0 : i32
        %dma_start3A_1258 = tpu.memref_slice %arg3[%dma_start3A_1256, %dma_start3A_1257] : memref<1000000x64xf32, #tpu.memory_space<hbm>> -> memref<1000000x64xf32, #tpu.memory_space<hbm>>
        tpu.enqueue_indirect_dma source(%dma_start3A_1258 : memref<1000000x64xf32, #tpu.memory_space<hbm>>) target(%arg12 : memref<400x64xf32, #tpu.memory_space<vmem>>) offsets(%arg8 : memref<400xi32, #tpu.memory_space<vmem>>) semaphore(%arg16 : memref<!tpu.dma_semaphore, #tpu.memory_space<semaphore_mem>>)
      } else {
      }
      %dma_wait3A_766 = arith.constant 0 : i32
      %dma_wait3A_767 = arith.constant 0 : i32
      %dma_wait3A_768 = tpu.memref_slice %arg3[%dma_wait3A_766, %dma_wait3A_767] : memref<1000000x64xf32, #tpu.memory_space<hbm>> -> memref<1000000x64xf32, #tpu.memory_space<hbm>>
      tpu.wait_indirect_dma semaphore(%arg14 : memref<!tpu.dma_semaphore, #tpu.memory_space<semaphore_mem>>) src(%dma_wait3A_768 : memref<1000000x64xf32, #tpu.memory_space<hbm>>) dst(%arg10 : memref<400x64xf32, #tpu.memory_space<vmem>>)
      %mul3A_769 = arith.constant 8 : i32
      %mul3A_770 = arith.muli %add3A_758, %mul3A_769 : i32
      %add3A_771 = arith.addi %mul3A_4, %mul3A_770 : i32
      %add3A_772 = arith.constant 0 : i32
      %add3A_773 = arith.addi %add3A_771, %add3A_772 : i32
      %dma_start3A_774 = arith.constant 0 : i32
      %dma_start3A_775 = arith.constant 0 : i32
      %dma_start3A_776 = tpu.memref_slice %arg10[%dma_start3A_774, %dma_start3A_775] : memref<400x64xf32, #tpu.memory_space<vmem>> -> memref<50x64xf32, #tpu.memory_space<vmem>>
      %dma_start3A_777 = arith.constant 0 : i32
      %dma_start3A_778 = arith.constant 0 : i32
      %dma_start3A_779 = tpu.memref_slice %arg4[%add3A_773, %dma_start3A_777, %dma_start3A_778] : memref<16384x56x128xf32, #tpu.memory_space<hbm>> -> memref<1x50x64xf32, #tpu.memory_space<hbm>>
      %dma_start3A_780 = tpu.memref_squeeze %dma_start3A_779 : memref<1x50x64xf32, #tpu.memory_space<hbm>> -> memref<50x64xf32, #tpu.memory_space<hbm>>
      %dma_start3A_781 = arith.constant 0 : i32
      %dma_start3A_782 = arith.constant 0 : i32
      %dma_start3A_783 = tpu.memref_slice %arg4[%add3A_773, %dma_start3A_781, %dma_start3A_782] : memref<16384x56x128xf32, #tpu.memory_space<hbm>> -> memref<1x50x64xf32, #tpu.memory_space<hbm>>
      %dma_start3A_784 = tpu.memref_squeeze %dma_start3A_783 : memref<1x50x64xf32, #tpu.memory_space<hbm>> -> memref<50x64xf32, #tpu.memory_space<hbm>>
      %dma_start3A_785 = arith.constant 0 : i32
      %dma_start3A_786 = arith.constant 0 : i32
      %dma_start3A_787 = tpu.memref_slice %arg10[%dma_start3A_785, %dma_start3A_786] : memref<400x64xf32, #tpu.memory_space<vmem>> -> memref<50x64xf32, #tpu.memory_space<vmem>>
      tpu.enqueue_dma source(%dma_start3A_787 : memref<50x64xf32, #tpu.memory_space<vmem>>) target(%dma_start3A_784 : memref<50x64xf32, #tpu.memory_space<hbm>>) target_semaphore(%arg18 : memref<!tpu.dma_semaphore, #tpu.memory_space<semaphore_mem>>)
      %mul3A_788 = arith.constant 8 : i32
      %mul3A_789 = arith.muli %add3A_758, %mul3A_788 : i32
      %add3A_790 = arith.addi %mul3A_4, %mul3A_789 : i32
      %add3A_791 = arith.constant 1 : i32
      %add3A_792 = arith.addi %add3A_790, %add3A_791 : i32
      %dma_start3A_793 = arith.constant 50 : i32
      %dma_start3A_794 = arith.constant 0 : i32
      %dma_start3A_795 = tpu.memref_slice %arg10[%dma_start3A_793, %dma_start3A_794] : memref<400x64xf32, #tpu.memory_space<vmem>> -> memref<50x64xf32, #tpu.memory_space<vmem>>
      %dma_start3A_796 = arith.constant 0 : i32
      %dma_start3A_797 = arith.constant 0 : i32
      %dma_start3A_798 = tpu.memref_slice %arg4[%add3A_792, %dma_start3A_796, %dma_start3A_797] : memref<16384x56x128xf32, #tpu.memory_space<hbm>> -> memref<1x50x64xf32, #tpu.memory_space<hbm>>
      %dma_start3A_799 = tpu.memref_squeeze %dma_start3A_798 : memref<1x50x64xf32, #tpu.memory_space<hbm>> -> memref<50x64xf32, #tpu.memory_space<hbm>>
      %dma_start3A_800 = arith.constant 0 : i32
      %dma_start3A_801 = arith.constant 0 : i32
      %dma_start3A_802 = tpu.memref_slice %arg4[%add3A_792, %dma_start3A_800, %dma_start3A_801] : memref<16384x56x128xf32, #tpu.memory_space<hbm>> -> memref<1x50x64xf32, #tpu.memory_space<hbm>>
      %dma_start3A_803 = tpu.memref_squeeze %dma_start3A_802 : memref<1x50x64xf32, #tpu.memory_space<hbm>> -> memref<50x64xf32, #tpu.memory_space<hbm>>
      %dma_start3A_804 = arith.constant 50 : i32
      %dma_start3A_805 = arith.constant 0 : i32
      %dma_start3A_806 = tpu.memref_slice %arg10[%dma_start3A_804, %dma_start3A_805] : memref<400x64xf32, #tpu.memory_space<vmem>> -> memref<50x64xf32, #tpu.memory_space<vmem>>
      tpu.enqueue_dma source(%dma_start3A_806 : memref<50x64xf32, #tpu.memory_space<vmem>>) target(%dma_start3A_803 : memref<50x64xf32, #tpu.memory_space<hbm>>) target_semaphore(%arg18 : memref<!tpu.dma_semaphore, #tpu.memory_space<semaphore_mem>>)
      %mul3A_807 = arith.constant 8 : i32
      %mul3A_808 = arith.muli %add3A_758, %mul3A_807 : i32
      %add3A_809 = arith.addi %mul3A_4, %mul3A_808 : i32
      %add3A_810 = arith.constant 2 : i32
      %add3A_811 = arith.addi %add3A_809, %add3A_810 : i32
      %dma_start3A_812 = arith.constant 100 : i32
      %dma_start3A_813 = arith.constant 0 : i32
      %dma_start3A_814 = tpu.memref_slice %arg10[%dma_start3A_812, %dma_start3A_813] : memref<400x64xf32, #tpu.memory_space<vmem>> -> memref<50x64xf32, #tpu.memory_space<vmem>>
      %dma_start3A_815 = arith.constant 0 : i32
      %dma_start3A_816 = arith.constant 0 : i32
      %dma_start3A_817 = tpu.memref_slice %arg4[%add3A_811, %dma_start3A_815, %dma_start3A_816] : memref<16384x56x128xf32, #tpu.memory_space<hbm>> -> memref<1x50x64xf32, #tpu.memory_space<hbm>>
      %dma_start3A_818 = tpu.memref_squeeze %dma_start3A_817 : memref<1x50x64xf32, #tpu.memory_space<hbm>> -> memref<50x64xf32, #tpu.memory_space<hbm>>
      %dma_start3A_819 = arith.constant 0 : i32
      %dma_start3A_820 = arith.constant 0 : i32
      %dma_start3A_821 = tpu.memref_slice %arg4[%add3A_811, %dma_start3A_819, %dma_start3A_820] : memref<16384x56x128xf32, #tpu.memory_space<hbm>> -> memref<1x50x64xf32, #tpu.memory_space<hbm>>
      %dma_start3A_822 = tpu.memref_squeeze %dma_start3A_821 : memref<1x50x64xf32, #tpu.memory_space<hbm>> -> memref<50x64xf32, #tpu.memory_space<hbm>>
      %dma_start3A_823 = arith.constant 100 : i32
      %dma_start3A_824 = arith.constant 0 : i32
      %dma_start3A_825 = tpu.memref_slice %arg10[%dma_start3A_823, %dma_start3A_824] : memref<400x64xf32, #tpu.memory_space<vmem>> -> memref<50x64xf32, #tpu.memory_space<vmem>>
      tpu.enqueue_dma source(%dma_start3A_825 : memref<50x64xf32, #tpu.memory_space<vmem>>) target(%dma_start3A_822 : memref<50x64xf32, #tpu.memory_space<hbm>>) target_semaphore(%arg18 : memref<!tpu.dma_semaphore, #tpu.memory_space<semaphore_mem>>)
      %mul3A_826 = arith.constant 8 : i32
      %mul3A_827 = arith.muli %add3A_758, %mul3A_826 : i32
      %add3A_828 = arith.addi %mul3A_4, %mul3A_827 : i32
      %add3A_829 = arith.constant 3 : i32
      %add3A_830 = arith.addi %add3A_828, %add3A_829 : i32
      %dma_start3A_831 = arith.constant 150 : i32
      %dma_start3A_832 = arith.constant 0 : i32
      %dma_start3A_833 = tpu.memref_slice %arg10[%dma_start3A_831, %dma_start3A_832] : memref<400x64xf32, #tpu.memory_space<vmem>> -> memref<50x64xf32, #tpu.memory_space<vmem>>
      %dma_start3A_834 = arith.constant 0 : i32
      %dma_start3A_835 = arith.constant 0 : i32
      %dma_start3A_836 = tpu.memref_slice %arg4[%add3A_830, %dma_start3A_834, %dma_start3A_835] : memref<16384x56x128xf32, #tpu.memory_space<hbm>> -> memref<1x50x64xf32, #tpu.memory_space<hbm>>
      %dma_start3A_837 = tpu.memref_squeeze %dma_start3A_836 : memref<1x50x64xf32, #tpu.memory_space<hbm>> -> memref<50x64xf32, #tpu.memory_space<hbm>>
      %dma_start3A_838 = arith.constant 0 : i32
      %dma_start3A_839 = arith.constant 0 : i32
      %dma_start3A_840 = tpu.memref_slice %arg4[%add3A_830, %dma_start3A_838, %dma_start3A_839] : memref<16384x56x128xf32, #tpu.memory_space<hbm>> -> memref<1x50x64xf32, #tpu.memory_space<hbm>>
      %dma_start3A_841 = tpu.memref_squeeze %dma_start3A_840 : memref<1x50x64xf32, #tpu.memory_space<hbm>> -> memref<50x64xf32, #tpu.memory_space<hbm>>
      %dma_start3A_842 = arith.constant 150 : i32
      %dma_start3A_843 = arith.constant 0 : i32
      %dma_start3A_844 = tpu.memref_slice %arg10[%dma_start3A_842, %dma_start3A_843] : memref<400x64xf32, #tpu.memory_space<vmem>> -> memref<50x64xf32, #tpu.memory_space<vmem>>
      tpu.enqueue_dma source(%dma_start3A_844 : memref<50x64xf32, #tpu.memory_space<vmem>>) target(%dma_start3A_841 : memref<50x64xf32, #tpu.memory_space<hbm>>) target_semaphore(%arg18 : memref<!tpu.dma_semaphore, #tpu.memory_space<semaphore_mem>>)
      %mul3A_845 = arith.constant 8 : i32
      %mul3A_846 = arith.muli %add3A_758, %mul3A_845 : i32
      %add3A_847 = arith.addi %mul3A_4, %mul3A_846 : i32
      %add3A_848 = arith.constant 4 : i32
      %add3A_849 = arith.addi %add3A_847, %add3A_848 : i32
      %dma_start3A_850 = arith.constant 200 : i32
      %dma_start3A_851 = arith.constant 0 : i32
      %dma_start3A_852 = tpu.memref_slice %arg10[%dma_start3A_850, %dma_start3A_851] : memref<400x64xf32, #tpu.memory_space<vmem>> -> memref<50x64xf32, #tpu.memory_space<vmem>>
      %dma_start3A_853 = arith.constant 0 : i32
      %dma_start3A_854 = arith.constant 0 : i32
      %dma_start3A_855 = tpu.memref_slice %arg4[%add3A_849, %dma_start3A_853, %dma_start3A_854] : memref<16384x56x128xf32, #tpu.memory_space<hbm>> -> memref<1x50x64xf32, #tpu.memory_space<hbm>>
      %dma_start3A_856 = tpu.memref_squeeze %dma_start3A_855 : memref<1x50x64xf32, #tpu.memory_space<hbm>> -> memref<50x64xf32, #tpu.memory_space<hbm>>
      %dma_start3A_857 = arith.constant 0 : i32
      %dma_start3A_858 = arith.constant 0 : i32
      %dma_start3A_859 = tpu.memref_slice %arg4[%add3A_849, %dma_start3A_857, %dma_start3A_858] : memref<16384x56x128xf32, #tpu.memory_space<hbm>> -> memref<1x50x64xf32, #tpu.memory_space<hbm>>
      %dma_start3A_860 = tpu.memref_squeeze %dma_start3A_859 : memref<1x50x64xf32, #tpu.memory_space<hbm>> -> memref<50x64xf32, #tpu.memory_space<hbm>>
      %dma_start3A_861 = arith.constant 200 : i32
      %dma_start3A_862 = arith.constant 0 : i32
      %dma_start3A_863 = tpu.memref_slice %arg10[%dma_start3A_861, %dma_start3A_862] : memref<400x64xf32, #tpu.memory_space<vmem>> -> memref<50x64xf32, #tpu.memory_space<vmem>>
      tpu.enqueue_dma source(%dma_start3A_863 : memref<50x64xf32, #tpu.memory_space<vmem>>) target(%dma_start3A_860 : memref<50x64xf32, #tpu.memory_space<hbm>>) target_semaphore(%arg18 : memref<!tpu.dma_semaphore, #tpu.memory_space<semaphore_mem>>)
      %mul3A_864 = arith.constant 8 : i32
      %mul3A_865 = arith.muli %add3A_758, %mul3A_864 : i32
      %add3A_866 = arith.addi %mul3A_4, %mul3A_865 : i32
      %add3A_867 = arith.constant 5 : i32
      %add3A_868 = arith.addi %add3A_866, %add3A_867 : i32
      %dma_start3A_869 = arith.constant 250 : i32
      %dma_start3A_870 = arith.constant 0 : i32
      %dma_start3A_871 = tpu.memref_slice %arg10[%dma_start3A_869, %dma_start3A_870] : memref<400x64xf32, #tpu.memory_space<vmem>> -> memref<50x64xf32, #tpu.memory_space<vmem>>
      %dma_start3A_872 = arith.constant 0 : i32
      %dma_start3A_873 = arith.constant 0 : i32
      %dma_start3A_874 = tpu.memref_slice %arg4[%add3A_868, %dma_start3A_872, %dma_start3A_873] : memref<16384x56x128xf32, #tpu.memory_space<hbm>> -> memref<1x50x64xf32, #tpu.memory_space<hbm>>
      %dma_start3A_875 = tpu.memref_squeeze %dma_start3A_874 : memref<1x50x64xf32, #tpu.memory_space<hbm>> -> memref<50x64xf32, #tpu.memory_space<hbm>>
      %dma_start3A_876 = arith.constant 0 : i32
      %dma_start3A_877 = arith.constant 0 : i32
      %dma_start3A_878 = tpu.memref_slice %arg4[%add3A_868, %dma_start3A_876, %dma_start3A_877] : memref<16384x56x128xf32, #tpu.memory_space<hbm>> -> memref<1x50x64xf32, #tpu.memory_space<hbm>>
      %dma_start3A_879 = tpu.memref_squeeze %dma_start3A_878 : memref<1x50x64xf32, #tpu.memory_space<hbm>> -> memref<50x64xf32, #tpu.memory_space<hbm>>
      %dma_start3A_880 = arith.constant 250 : i32
      %dma_start3A_881 = arith.constant 0 : i32
      %dma_start3A_882 = tpu.memref_slice %arg10[%dma_start3A_880, %dma_start3A_881] : memref<400x64xf32, #tpu.memory_space<vmem>> -> memref<50x64xf32, #tpu.memory_space<vmem>>
      tpu.enqueue_dma source(%dma_start3A_882 : memref<50x64xf32, #tpu.memory_space<vmem>>) target(%dma_start3A_879 : memref<50x64xf32, #tpu.memory_space<hbm>>) target_semaphore(%arg18 : memref<!tpu.dma_semaphore, #tpu.memory_space<semaphore_mem>>)
      %mul3A_883 = arith.constant 8 : i32
      %mul3A_884 = arith.muli %add3A_758, %mul3A_883 : i32
      %add3A_885 = arith.addi %mul3A_4, %mul3A_884 : i32
      %add3A_886 = arith.constant 6 : i32
      %add3A_887 = arith.addi %add3A_885, %add3A_886 : i32
      %dma_start3A_888 = arith.constant 300 : i32
      %dma_start3A_889 = arith.constant 0 : i32
      %dma_start3A_890 = tpu.memref_slice %arg10[%dma_start3A_888, %dma_start3A_889] : memref<400x64xf32, #tpu.memory_space<vmem>> -> memref<50x64xf32, #tpu.memory_space<vmem>>
      %dma_start3A_891 = arith.constant 0 : i32
      %dma_start3A_892 = arith.constant 0 : i32
      %dma_start3A_893 = tpu.memref_slice %arg4[%add3A_887, %dma_start3A_891, %dma_start3A_892] : memref<16384x56x128xf32, #tpu.memory_space<hbm>> -> memref<1x50x64xf32, #tpu.memory_space<hbm>>
      %dma_start3A_894 = tpu.memref_squeeze %dma_start3A_893 : memref<1x50x64xf32, #tpu.memory_space<hbm>> -> memref<50x64xf32, #tpu.memory_space<hbm>>
      %dma_start3A_895 = arith.constant 0 : i32
      %dma_start3A_896 = arith.constant 0 : i32
      %dma_start3A_897 = tpu.memref_slice %arg4[%add3A_887, %dma_start3A_895, %dma_start3A_896] : memref<16384x56x128xf32, #tpu.memory_space<hbm>> -> memref<1x50x64xf32, #tpu.memory_space<hbm>>
      %dma_start3A_898 = tpu.memref_squeeze %dma_start3A_897 : memref<1x50x64xf32, #tpu.memory_space<hbm>> -> memref<50x64xf32, #tpu.memory_space<hbm>>
      %dma_start3A_899 = arith.constant 300 : i32
      %dma_start3A_900 = arith.constant 0 : i32
      %dma_start3A_901 = tpu.memref_slice %arg10[%dma_start3A_899, %dma_start3A_900] : memref<400x64xf32, #tpu.memory_space<vmem>> -> memref<50x64xf32, #tpu.memory_space<vmem>>
      tpu.enqueue_dma source(%dma_start3A_901 : memref<50x64xf32, #tpu.memory_space<vmem>>) target(%dma_start3A_898 : memref<50x64xf32, #tpu.memory_space<hbm>>) target_semaphore(%arg18 : memref<!tpu.dma_semaphore, #tpu.memory_space<semaphore_mem>>)
      %mul3A_902 = arith.constant 8 : i32
      %mul3A_903 = arith.muli %add3A_758, %mul3A_902 : i32
      %add3A_904 = arith.addi %mul3A_4, %mul3A_903 : i32
      %add3A_905 = arith.constant 7 : i32
      %add3A_906 = arith.addi %add3A_904, %add3A_905 : i32
      %dma_start3A_907 = arith.constant 350 : i32
      %dma_start3A_908 = arith.constant 0 : i32
      %dma_start3A_909 = tpu.memref_slice %arg10[%dma_start3A_907, %dma_start3A_908] : memref<400x64xf32, #tpu.memory_space<vmem>> -> memref<50x64xf32, #tpu.memory_space<vmem>>
      %dma_start3A_910 = arith.constant 0 : i32
      %dma_start3A_911 = arith.constant 0 : i32
      %dma_start3A_912 = tpu.memref_slice %arg4[%add3A_906, %dma_start3A_910, %dma_start3A_911] : memref<16384x56x128xf32, #tpu.memory_space<hbm>> -> memref<1x50x64xf32, #tpu.memory_space<hbm>>
      %dma_start3A_913 = tpu.memref_squeeze %dma_start3A_912 : memref<1x50x64xf32, #tpu.memory_space<hbm>> -> memref<50x64xf32, #tpu.memory_space<hbm>>
      %dma_start3A_914 = arith.constant 0 : i32
      %dma_start3A_915 = arith.constant 0 : i32
      %dma_start3A_916 = tpu.memref_slice %arg4[%add3A_906, %dma_start3A_914, %dma_start3A_915] : memref<16384x56x128xf32, #tpu.memory_space<hbm>> -> memref<1x50x64xf32, #tpu.memory_space<hbm>>
      %dma_start3A_917 = tpu.memref_squeeze %dma_start3A_916 : memref<1x50x64xf32, #tpu.memory_space<hbm>> -> memref<50x64xf32, #tpu.memory_space<hbm>>
      %dma_start3A_918 = arith.constant 350 : i32
      %dma_start3A_919 = arith.constant 0 : i32
      %dma_start3A_920 = tpu.memref_slice %arg10[%dma_start3A_918, %dma_start3A_919] : memref<400x64xf32, #tpu.memory_space<vmem>> -> memref<50x64xf32, #tpu.memory_space<vmem>>
      tpu.enqueue_dma source(%dma_start3A_920 : memref<50x64xf32, #tpu.memory_space<vmem>>) target(%dma_start3A_917 : memref<50x64xf32, #tpu.memory_space<hbm>>) target_semaphore(%arg18 : memref<!tpu.dma_semaphore, #tpu.memory_space<semaphore_mem>>)
      %add3A_921 = arith.constant 2 : i32
      %add3A_922 = arith.addi %mul3A_595, %add3A_921 : i32
      %add3A_923 = arith.constant 2 : i32
      %add3A_924 = arith.addi %add3A_922, %add3A_923 : i32
      %lt3A_925 = arith.constant 64 : i32
      %lt3A_926 = arith.cmpi slt, %add3A_924, %lt3A_925 : i32
      %convert_element_type3A_927 = arith.extui %lt3A_926 : i1 to i32
      %cond3A_928 = arith.constant 0 : i32
      %cond3A_929 = arith.cmpi ne, %convert_element_type3A_927, %cond3A_928 : i32
      scf.if %cond3A_929 {
        %ge3A = arith.constant 4 : i32
        %ge3A_1249 = arith.cmpi sge, %add3A_924, %ge3A : i32
        %convert_element_type3A_1250 = arith.extui %ge3A_1249 : i1 to i32
        %cond3A_1251 = arith.constant 0 : i32
        %cond3A_1252 = arith.cmpi ne, %convert_element_type3A_1250, %cond3A_1251 : i32
        scf.if %cond3A_1252 {
          %sub3A = arith.constant 4 : i32
          %sub3A_1259 = arith.subi %add3A_924, %sub3A : i32
          %mul3A_1260 = arith.constant 8 : i32
          %mul3A_1261 = arith.muli %sub3A_1259, %mul3A_1260 : i32
          %add3A_1262 = arith.addi %mul3A_4, %mul3A_1261 : i32
          %add3A_1263 = arith.constant 0 : i32
          %add3A_1264 = arith.addi %add3A_1262, %add3A_1263 : i32
          %dma_wait3A_1265 = arith.constant 0 : i32
          %dma_wait3A_1266 = arith.constant 0 : i32
          %dma_wait3A_1267 = tpu.memref_slice %arg9[%dma_wait3A_1265, %dma_wait3A_1266] : memref<400x64xf32, #tpu.memory_space<vmem>> -> memref<50x64xf32, #tpu.memory_space<vmem>>
          %dma_wait3A_1268 = arith.constant 0 : i32
          %dma_wait3A_1269 = arith.constant 0 : i32
          %dma_wait3A_1270 = tpu.memref_slice %arg4[%add3A_1264, %dma_wait3A_1268, %dma_wait3A_1269] : memref<16384x56x128xf32, #tpu.memory_space<hbm>> -> memref<1x50x64xf32, #tpu.memory_space<hbm>>
          %dma_wait3A_1271 = tpu.memref_squeeze %dma_wait3A_1270 : memref<1x50x64xf32, #tpu.memory_space<hbm>> -> memref<50x64xf32, #tpu.memory_space<hbm>>
          %dma_wait3A_1272 = arith.constant 0 : i32
          %dma_wait3A_1273 = arith.constant 0 : i32
          %dma_wait3A_1274 = tpu.memref_slice %arg4[%add3A_1264, %dma_wait3A_1272, %dma_wait3A_1273] : memref<16384x56x128xf32, #tpu.memory_space<hbm>> -> memref<1x50x64xf32, #tpu.memory_space<hbm>>
          %dma_wait3A_1275 = tpu.memref_squeeze %dma_wait3A_1274 : memref<1x50x64xf32, #tpu.memory_space<hbm>> -> memref<50x64xf32, #tpu.memory_space<hbm>>
          %dma_wait3A_1276 = arith.constant 0 : i32
          %dma_wait3A_1277 = arith.constant 0 : i32
          %dma_wait3A_1278 = tpu.memref_slice %arg9[%dma_wait3A_1276, %dma_wait3A_1277] : memref<400x64xf32, #tpu.memory_space<vmem>> -> memref<50x64xf32, #tpu.memory_space<vmem>>
          tpu.wait_dma2 semaphore(%arg17 : memref<!tpu.dma_semaphore, #tpu.memory_space<semaphore_mem>>) src(%dma_wait3A_1278 : memref<50x64xf32, #tpu.memory_space<vmem>>) dst(%dma_wait3A_1275 : memref<50x64xf32, #tpu.memory_space<hbm>>)
          %mul3A_1279 = arith.constant 8 : i32
          %mul3A_1280 = arith.muli %sub3A_1259, %mul3A_1279 : i32
          %add3A_1281 = arith.addi %mul3A_4, %mul3A_1280 : i32
          %add3A_1282 = arith.constant 1 : i32
          %add3A_1283 = arith.addi %add3A_1281, %add3A_1282 : i32
          %dma_wait3A_1284 = arith.constant 50 : i32
          %dma_wait3A_1285 = arith.constant 0 : i32
          %dma_wait3A_1286 = tpu.memref_slice %arg9[%dma_wait3A_1284, %dma_wait3A_1285] : memref<400x64xf32, #tpu.memory_space<vmem>> -> memref<50x64xf32, #tpu.memory_space<vmem>>
          %dma_wait3A_1287 = arith.constant 0 : i32
          %dma_wait3A_1288 = arith.constant 0 : i32
          %dma_wait3A_1289 = tpu.memref_slice %arg4[%add3A_1283, %dma_wait3A_1287, %dma_wait3A_1288] : memref<16384x56x128xf32, #tpu.memory_space<hbm>> -> memref<1x50x64xf32, #tpu.memory_space<hbm>>
          %dma_wait3A_1290 = tpu.memref_squeeze %dma_wait3A_1289 : memref<1x50x64xf32, #tpu.memory_space<hbm>> -> memref<50x64xf32, #tpu.memory_space<hbm>>
          %dma_wait3A_1291 = arith.constant 0 : i32
          %dma_wait3A_1292 = arith.constant 0 : i32
          %dma_wait3A_1293 = tpu.memref_slice %arg4[%add3A_1283, %dma_wait3A_1291, %dma_wait3A_1292] : memref<16384x56x128xf32, #tpu.memory_space<hbm>> -> memref<1x50x64xf32, #tpu.memory_space<hbm>>
          %dma_wait3A_1294 = tpu.memref_squeeze %dma_wait3A_1293 : memref<1x50x64xf32, #tpu.memory_space<hbm>> -> memref<50x64xf32, #tpu.memory_space<hbm>>
          %dma_wait3A_1295 = arith.constant 50 : i32
          %dma_wait3A_1296 = arith.constant 0 : i32
          %dma_wait3A_1297 = tpu.memref_slice %arg9[%dma_wait3A_1295, %dma_wait3A_1296] : memref<400x64xf32, #tpu.memory_space<vmem>> -> memref<50x64xf32, #tpu.memory_space<vmem>>
          tpu.wait_dma2 semaphore(%arg17 : memref<!tpu.dma_semaphore, #tpu.memory_space<semaphore_mem>>) src(%dma_wait3A_1297 : memref<50x64xf32, #tpu.memory_space<vmem>>) dst(%dma_wait3A_1294 : memref<50x64xf32, #tpu.memory_space<hbm>>)
          %mul3A_1298 = arith.constant 8 : i32
          %mul3A_1299 = arith.muli %sub3A_1259, %mul3A_1298 : i32
          %add3A_1300 = arith.addi %mul3A_4, %mul3A_1299 : i32
          %add3A_1301 = arith.constant 2 : i32
          %add3A_1302 = arith.addi %add3A_1300, %add3A_1301 : i32
          %dma_wait3A_1303 = arith.constant 100 : i32
          %dma_wait3A_1304 = arith.constant 0 : i32
          %dma_wait3A_1305 = tpu.memref_slice %arg9[%dma_wait3A_1303, %dma_wait3A_1304] : memref<400x64xf32, #tpu.memory_space<vmem>> -> memref<50x64xf32, #tpu.memory_space<vmem>>
          %dma_wait3A_1306 = arith.constant 0 : i32
          %dma_wait3A_1307 = arith.constant 0 : i32
          %dma_wait3A_1308 = tpu.memref_slice %arg4[%add3A_1302, %dma_wait3A_1306, %dma_wait3A_1307] : memref<16384x56x128xf32, #tpu.memory_space<hbm>> -> memref<1x50x64xf32, #tpu.memory_space<hbm>>
          %dma_wait3A_1309 = tpu.memref_squeeze %dma_wait3A_1308 : memref<1x50x64xf32, #tpu.memory_space<hbm>> -> memref<50x64xf32, #tpu.memory_space<hbm>>
          %dma_wait3A_1310 = arith.constant 0 : i32
          %dma_wait3A_1311 = arith.constant 0 : i32
          %dma_wait3A_1312 = tpu.memref_slice %arg4[%add3A_1302, %dma_wait3A_1310, %dma_wait3A_1311] : memref<16384x56x128xf32, #tpu.memory_space<hbm>> -> memref<1x50x64xf32, #tpu.memory_space<hbm>>
          %dma_wait3A_1313 = tpu.memref_squeeze %dma_wait3A_1312 : memref<1x50x64xf32, #tpu.memory_space<hbm>> -> memref<50x64xf32, #tpu.memory_space<hbm>>
          %dma_wait3A_1314 = arith.constant 100 : i32
          %dma_wait3A_1315 = arith.constant 0 : i32
          %dma_wait3A_1316 = tpu.memref_slice %arg9[%dma_wait3A_1314, %dma_wait3A_1315] : memref<400x64xf32, #tpu.memory_space<vmem>> -> memref<50x64xf32, #tpu.memory_space<vmem>>
          tpu.wait_dma2 semaphore(%arg17 : memref<!tpu.dma_semaphore, #tpu.memory_space<semaphore_mem>>) src(%dma_wait3A_1316 : memref<50x64xf32, #tpu.memory_space<vmem>>) dst(%dma_wait3A_1313 : memref<50x64xf32, #tpu.memory_space<hbm>>)
          %mul3A_1317 = arith.constant 8 : i32
          %mul3A_1318 = arith.muli %sub3A_1259, %mul3A_1317 : i32
          %add3A_1319 = arith.addi %mul3A_4, %mul3A_1318 : i32
          %add3A_1320 = arith.constant 3 : i32
          %add3A_1321 = arith.addi %add3A_1319, %add3A_1320 : i32
          %dma_wait3A_1322 = arith.constant 150 : i32
          %dma_wait3A_1323 = arith.constant 0 : i32
          %dma_wait3A_1324 = tpu.memref_slice %arg9[%dma_wait3A_1322, %dma_wait3A_1323] : memref<400x64xf32, #tpu.memory_space<vmem>> -> memref<50x64xf32, #tpu.memory_space<vmem>>
          %dma_wait3A_1325 = arith.constant 0 : i32
          %dma_wait3A_1326 = arith.constant 0 : i32
          %dma_wait3A_1327 = tpu.memref_slice %arg4[%add3A_1321, %dma_wait3A_1325, %dma_wait3A_1326] : memref<16384x56x128xf32, #tpu.memory_space<hbm>> -> memref<1x50x64xf32, #tpu.memory_space<hbm>>
          %dma_wait3A_1328 = tpu.memref_squeeze %dma_wait3A_1327 : memref<1x50x64xf32, #tpu.memory_space<hbm>> -> memref<50x64xf32, #tpu.memory_space<hbm>>
          %dma_wait3A_1329 = arith.constant 0 : i32
          %dma_wait3A_1330 = arith.constant 0 : i32
          %dma_wait3A_1331 = tpu.memref_slice %arg4[%add3A_1321, %dma_wait3A_1329, %dma_wait3A_1330] : memref<16384x56x128xf32, #tpu.memory_space<hbm>> -> memref<1x50x64xf32, #tpu.memory_space<hbm>>
          %dma_wait3A_1332 = tpu.memref_squeeze %dma_wait3A_1331 : memref<1x50x64xf32, #tpu.memory_space<hbm>> -> memref<50x64xf32, #tpu.memory_space<hbm>>
          %dma_wait3A_1333 = arith.constant 150 : i32
          %dma_wait3A_1334 = arith.constant 0 : i32
          %dma_wait3A_1335 = tpu.memref_slice %arg9[%dma_wait3A_1333, %dma_wait3A_1334] : memref<400x64xf32, #tpu.memory_space<vmem>> -> memref<50x64xf32, #tpu.memory_space<vmem>>
          tpu.wait_dma2 semaphore(%arg17 : memref<!tpu.dma_semaphore, #tpu.memory_space<semaphore_mem>>) src(%dma_wait3A_1335 : memref<50x64xf32, #tpu.memory_space<vmem>>) dst(%dma_wait3A_1332 : memref<50x64xf32, #tpu.memory_space<hbm>>)
          %mul3A_1336 = arith.constant 8 : i32
          %mul3A_1337 = arith.muli %sub3A_1259, %mul3A_1336 : i32
          %add3A_1338 = arith.addi %mul3A_4, %mul3A_1337 : i32
          %add3A_1339 = arith.constant 4 : i32
          %add3A_1340 = arith.addi %add3A_1338, %add3A_1339 : i32
          %dma_wait3A_1341 = arith.constant 200 : i32
          %dma_wait3A_1342 = arith.constant 0 : i32
          %dma_wait3A_1343 = tpu.memref_slice %arg9[%dma_wait3A_1341, %dma_wait3A_1342] : memref<400x64xf32, #tpu.memory_space<vmem>> -> memref<50x64xf32, #tpu.memory_space<vmem>>
          %dma_wait3A_1344 = arith.constant 0 : i32
          %dma_wait3A_1345 = arith.constant 0 : i32
          %dma_wait3A_1346 = tpu.memref_slice %arg4[%add3A_1340, %dma_wait3A_1344, %dma_wait3A_1345] : memref<16384x56x128xf32, #tpu.memory_space<hbm>> -> memref<1x50x64xf32, #tpu.memory_space<hbm>>
          %dma_wait3A_1347 = tpu.memref_squeeze %dma_wait3A_1346 : memref<1x50x64xf32, #tpu.memory_space<hbm>> -> memref<50x64xf32, #tpu.memory_space<hbm>>
          %dma_wait3A_1348 = arith.constant 0 : i32
          %dma_wait3A_1349 = arith.constant 0 : i32
          %dma_wait3A_1350 = tpu.memref_slice %arg4[%add3A_1340, %dma_wait3A_1348, %dma_wait3A_1349] : memref<16384x56x128xf32, #tpu.memory_space<hbm>> -> memref<1x50x64xf32, #tpu.memory_space<hbm>>
          %dma_wait3A_1351 = tpu.memref_squeeze %dma_wait3A_1350 : memref<1x50x64xf32, #tpu.memory_space<hbm>> -> memref<50x64xf32, #tpu.memory_space<hbm>>
          %dma_wait3A_1352 = arith.constant 200 : i32
          %dma_wait3A_1353 = arith.constant 0 : i32
          %dma_wait3A_1354 = tpu.memref_slice %arg9[%dma_wait3A_1352, %dma_wait3A_1353] : memref<400x64xf32, #tpu.memory_space<vmem>> -> memref<50x64xf32, #tpu.memory_space<vmem>>
          tpu.wait_dma2 semaphore(%arg17 : memref<!tpu.dma_semaphore, #tpu.memory_space<semaphore_mem>>) src(%dma_wait3A_1354 : memref<50x64xf32, #tpu.memory_space<vmem>>) dst(%dma_wait3A_1351 : memref<50x64xf32, #tpu.memory_space<hbm>>)
          %mul3A_1355 = arith.constant 8 : i32
          %mul3A_1356 = arith.muli %sub3A_1259, %mul3A_1355 : i32
          %add3A_1357 = arith.addi %mul3A_4, %mul3A_1356 : i32
          %add3A_1358 = arith.constant 5 : i32
          %add3A_1359 = arith.addi %add3A_1357, %add3A_1358 : i32
          %dma_wait3A_1360 = arith.constant 250 : i32
          %dma_wait3A_1361 = arith.constant 0 : i32
          %dma_wait3A_1362 = tpu.memref_slice %arg9[%dma_wait3A_1360, %dma_wait3A_1361] : memref<400x64xf32, #tpu.memory_space<vmem>> -> memref<50x64xf32, #tpu.memory_space<vmem>>
          %dma_wait3A_1363 = arith.constant 0 : i32
          %dma_wait3A_1364 = arith.constant 0 : i32
          %dma_wait3A_1365 = tpu.memref_slice %arg4[%add3A_1359, %dma_wait3A_1363, %dma_wait3A_1364] : memref<16384x56x128xf32, #tpu.memory_space<hbm>> -> memref<1x50x64xf32, #tpu.memory_space<hbm>>
          %dma_wait3A_1366 = tpu.memref_squeeze %dma_wait3A_1365 : memref<1x50x64xf32, #tpu.memory_space<hbm>> -> memref<50x64xf32, #tpu.memory_space<hbm>>
          %dma_wait3A_1367 = arith.constant 0 : i32
          %dma_wait3A_1368 = arith.constant 0 : i32
          %dma_wait3A_1369 = tpu.memref_slice %arg4[%add3A_1359, %dma_wait3A_1367, %dma_wait3A_1368] : memref<16384x56x128xf32, #tpu.memory_space<hbm>> -> memref<1x50x64xf32, #tpu.memory_space<hbm>>
          %dma_wait3A_1370 = tpu.memref_squeeze %dma_wait3A_1369 : memref<1x50x64xf32, #tpu.memory_space<hbm>> -> memref<50x64xf32, #tpu.memory_space<hbm>>
          %dma_wait3A_1371 = arith.constant 250 : i32
          %dma_wait3A_1372 = arith.constant 0 : i32
          %dma_wait3A_1373 = tpu.memref_slice %arg9[%dma_wait3A_1371, %dma_wait3A_1372] : memref<400x64xf32, #tpu.memory_space<vmem>> -> memref<50x64xf32, #tpu.memory_space<vmem>>
          tpu.wait_dma2 semaphore(%arg17 : memref<!tpu.dma_semaphore, #tpu.memory_space<semaphore_mem>>) src(%dma_wait3A_1373 : memref<50x64xf32, #tpu.memory_space<vmem>>) dst(%dma_wait3A_1370 : memref<50x64xf32, #tpu.memory_space<hbm>>)
          %mul3A_1374 = arith.constant 8 : i32
          %mul3A_1375 = arith.muli %sub3A_1259, %mul3A_1374 : i32
          %add3A_1376 = arith.addi %mul3A_4, %mul3A_1375 : i32
          %add3A_1377 = arith.constant 6 : i32
          %add3A_1378 = arith.addi %add3A_1376, %add3A_1377 : i32
          %dma_wait3A_1379 = arith.constant 300 : i32
          %dma_wait3A_1380 = arith.constant 0 : i32
          %dma_wait3A_1381 = tpu.memref_slice %arg9[%dma_wait3A_1379, %dma_wait3A_1380] : memref<400x64xf32, #tpu.memory_space<vmem>> -> memref<50x64xf32, #tpu.memory_space<vmem>>
          %dma_wait3A_1382 = arith.constant 0 : i32
          %dma_wait3A_1383 = arith.constant 0 : i32
          %dma_wait3A_1384 = tpu.memref_slice %arg4[%add3A_1378, %dma_wait3A_1382, %dma_wait3A_1383] : memref<16384x56x128xf32, #tpu.memory_space<hbm>> -> memref<1x50x64xf32, #tpu.memory_space<hbm>>
          %dma_wait3A_1385 = tpu.memref_squeeze %dma_wait3A_1384 : memref<1x50x64xf32, #tpu.memory_space<hbm>> -> memref<50x64xf32, #tpu.memory_space<hbm>>
          %dma_wait3A_1386 = arith.constant 0 : i32
          %dma_wait3A_1387 = arith.constant 0 : i32
          %dma_wait3A_1388 = tpu.memref_slice %arg4[%add3A_1378, %dma_wait3A_1386, %dma_wait3A_1387] : memref<16384x56x128xf32, #tpu.memory_space<hbm>> -> memref<1x50x64xf32, #tpu.memory_space<hbm>>
          %dma_wait3A_1389 = tpu.memref_squeeze %dma_wait3A_1388 : memref<1x50x64xf32, #tpu.memory_space<hbm>> -> memref<50x64xf32, #tpu.memory_space<hbm>>
          %dma_wait3A_1390 = arith.constant 300 : i32
          %dma_wait3A_1391 = arith.constant 0 : i32
          %dma_wait3A_1392 = tpu.memref_slice %arg9[%dma_wait3A_1390, %dma_wait3A_1391] : memref<400x64xf32, #tpu.memory_space<vmem>> -> memref<50x64xf32, #tpu.memory_space<vmem>>
          tpu.wait_dma2 semaphore(%arg17 : memref<!tpu.dma_semaphore, #tpu.memory_space<semaphore_mem>>) src(%dma_wait3A_1392 : memref<50x64xf32, #tpu.memory_space<vmem>>) dst(%dma_wait3A_1389 : memref<50x64xf32, #tpu.memory_space<hbm>>)
          %mul3A_1393 = arith.constant 8 : i32
          %mul3A_1394 = arith.muli %sub3A_1259, %mul3A_1393 : i32
          %add3A_1395 = arith.addi %mul3A_4, %mul3A_1394 : i32
          %add3A_1396 = arith.constant 7 : i32
          %add3A_1397 = arith.addi %add3A_1395, %add3A_1396 : i32
          %dma_wait3A_1398 = arith.constant 350 : i32
          %dma_wait3A_1399 = arith.constant 0 : i32
          %dma_wait3A_1400 = tpu.memref_slice %arg9[%dma_wait3A_1398, %dma_wait3A_1399] : memref<400x64xf32, #tpu.memory_space<vmem>> -> memref<50x64xf32, #tpu.memory_space<vmem>>
          %dma_wait3A_1401 = arith.constant 0 : i32
          %dma_wait3A_1402 = arith.constant 0 : i32
          %dma_wait3A_1403 = tpu.memref_slice %arg4[%add3A_1397, %dma_wait3A_1401, %dma_wait3A_1402] : memref<16384x56x128xf32, #tpu.memory_space<hbm>> -> memref<1x50x64xf32, #tpu.memory_space<hbm>>
          %dma_wait3A_1404 = tpu.memref_squeeze %dma_wait3A_1403 : memref<1x50x64xf32, #tpu.memory_space<hbm>> -> memref<50x64xf32, #tpu.memory_space<hbm>>
          %dma_wait3A_1405 = arith.constant 0 : i32
          %dma_wait3A_1406 = arith.constant 0 : i32
          %dma_wait3A_1407 = tpu.memref_slice %arg4[%add3A_1397, %dma_wait3A_1405, %dma_wait3A_1406] : memref<16384x56x128xf32, #tpu.memory_space<hbm>> -> memref<1x50x64xf32, #tpu.memory_space<hbm>>
          %dma_wait3A_1408 = tpu.memref_squeeze %dma_wait3A_1407 : memref<1x50x64xf32, #tpu.memory_space<hbm>> -> memref<50x64xf32, #tpu.memory_space<hbm>>
          %dma_wait3A_1409 = arith.constant 350 : i32
          %dma_wait3A_1410 = arith.constant 0 : i32
          %dma_wait3A_1411 = tpu.memref_slice %arg9[%dma_wait3A_1409, %dma_wait3A_1410] : memref<400x64xf32, #tpu.memory_space<vmem>> -> memref<50x64xf32, #tpu.memory_space<vmem>>
          tpu.wait_dma2 semaphore(%arg17 : memref<!tpu.dma_semaphore, #tpu.memory_space<semaphore_mem>>) src(%dma_wait3A_1411 : memref<50x64xf32, #tpu.memory_space<vmem>>) dst(%dma_wait3A_1408 : memref<50x64xf32, #tpu.memory_space<hbm>>)
        } else {
        }
        %mul3A_1253 = arith.constant 400 : i32
        %mul3A_1254 = arith.muli %add3A_924, %mul3A_1253 : i32
        %add3A_1255 = arith.addi %mul3A_2, %mul3A_1254 : i32
        "tpu.region"() ({
          %run_scoped3A = tpu.sem_alloc : memref<!tpu.dma_semaphore, #tpu.memory_space<semaphore_mem>>
          %dma_start3A_1259 = tpu.memref_slice %arg2[%add3A_1255] : memref<819200xi32, #tpu.memory_space<hbm>> -> memref<400xi32, #tpu.memory_space<hbm>>
          %dma_start3A_1260 = tpu.memref_slice %arg2[%add3A_1255] : memref<819200xi32, #tpu.memory_space<hbm>> -> memref<400xi32, #tpu.memory_space<hbm>>
          tpu.enqueue_dma source(%dma_start3A_1260 : memref<400xi32, #tpu.memory_space<hbm>>) target(%arg5 : memref<400xi32, #tpu.memory_space<vmem>>) target_semaphore(%run_scoped3A : memref<!tpu.dma_semaphore, #tpu.memory_space<semaphore_mem>>)
          %dma_wait3A_1261 = tpu.memref_slice %arg2[%add3A_1255] : memref<819200xi32, #tpu.memory_space<hbm>> -> memref<400xi32, #tpu.memory_space<hbm>>
          %dma_wait3A_1262 = tpu.memref_slice %arg2[%add3A_1255] : memref<819200xi32, #tpu.memory_space<hbm>> -> memref<400xi32, #tpu.memory_space<hbm>>
          tpu.wait_dma2 semaphore(%run_scoped3A : memref<!tpu.dma_semaphore, #tpu.memory_space<semaphore_mem>>) src(%dma_wait3A_1262 : memref<400xi32, #tpu.memory_space<hbm>>) dst(%arg5 : memref<400xi32, #tpu.memory_space<vmem>>)
          tpu.yield
        }) : () -> ()
        %dma_start3A_1256 = arith.constant 0 : i32
        %dma_start3A_1257 = arith.constant 0 : i32
        %dma_start3A_1258 = tpu.memref_slice %arg3[%dma_start3A_1256, %dma_start3A_1257] : memref<1000000x64xf32, #tpu.memory_space<hbm>> -> memref<1000000x64xf32, #tpu.memory_space<hbm>>
        tpu.enqueue_indirect_dma source(%dma_start3A_1258 : memref<1000000x64xf32, #tpu.memory_space<hbm>>) target(%arg9 : memref<400x64xf32, #tpu.memory_space<vmem>>) offsets(%arg5 : memref<400xi32, #tpu.memory_space<vmem>>) semaphore(%arg13 : memref<!tpu.dma_semaphore, #tpu.memory_space<semaphore_mem>>)
      } else {
      }
      %dma_wait3A_930 = arith.constant 0 : i32
      %dma_wait3A_931 = arith.constant 0 : i32
      %dma_wait3A_932 = tpu.memref_slice %arg3[%dma_wait3A_930, %dma_wait3A_931] : memref<1000000x64xf32, #tpu.memory_space<hbm>> -> memref<1000000x64xf32, #tpu.memory_space<hbm>>
      tpu.wait_indirect_dma semaphore(%arg15 : memref<!tpu.dma_semaphore, #tpu.memory_space<semaphore_mem>>) src(%dma_wait3A_932 : memref<1000000x64xf32, #tpu.memory_space<hbm>>) dst(%arg11 : memref<400x64xf32, #tpu.memory_space<vmem>>)
      %mul3A_933 = arith.constant 8 : i32
      %mul3A_934 = arith.muli %add3A_922, %mul3A_933 : i32
      %add3A_935 = arith.addi %mul3A_4, %mul3A_934 : i32
      %add3A_936 = arith.constant 0 : i32
      %add3A_937 = arith.addi %add3A_935, %add3A_936 : i32
      %dma_start3A_938 = arith.constant 0 : i32
      %dma_start3A_939 = arith.constant 0 : i32
      %dma_start3A_940 = tpu.memref_slice %arg11[%dma_start3A_938, %dma_start3A_939] : memref<400x64xf32, #tpu.memory_space<vmem>> -> memref<50x64xf32, #tpu.memory_space<vmem>>
      %dma_start3A_941 = arith.constant 0 : i32
      %dma_start3A_942 = arith.constant 0 : i32
      %dma_start3A_943 = tpu.memref_slice %arg4[%add3A_937, %dma_start3A_941, %dma_start3A_942] : memref<16384x56x128xf32, #tpu.memory_space<hbm>> -> memref<1x50x64xf32, #tpu.memory_space<hbm>>
      %dma_start3A_944 = tpu.memref_squeeze %dma_start3A_943 : memref<1x50x64xf32, #tpu.memory_space<hbm>> -> memref<50x64xf32, #tpu.memory_space<hbm>>
      %dma_start3A_945 = arith.constant 0 : i32
      %dma_start3A_946 = arith.constant 0 : i32
      %dma_start3A_947 = tpu.memref_slice %arg4[%add3A_937, %dma_start3A_945, %dma_start3A_946] : memref<16384x56x128xf32, #tpu.memory_space<hbm>> -> memref<1x50x64xf32, #tpu.memory_space<hbm>>
      %dma_start3A_948 = tpu.memref_squeeze %dma_start3A_947 : memref<1x50x64xf32, #tpu.memory_space<hbm>> -> memref<50x64xf32, #tpu.memory_space<hbm>>
      %dma_start3A_949 = arith.constant 0 : i32
      %dma_start3A_950 = arith.constant 0 : i32
      %dma_start3A_951 = tpu.memref_slice %arg11[%dma_start3A_949, %dma_start3A_950] : memref<400x64xf32, #tpu.memory_space<vmem>> -> memref<50x64xf32, #tpu.memory_space<vmem>>
      tpu.enqueue_dma source(%dma_start3A_951 : memref<50x64xf32, #tpu.memory_space<vmem>>) target(%dma_start3A_948 : memref<50x64xf32, #tpu.memory_space<hbm>>) target_semaphore(%arg19 : memref<!tpu.dma_semaphore, #tpu.memory_space<semaphore_mem>>)
      %mul3A_952 = arith.constant 8 : i32
      %mul3A_953 = arith.muli %add3A_922, %mul3A_952 : i32
      %add3A_954 = arith.addi %mul3A_4, %mul3A_953 : i32
      %add3A_955 = arith.constant 1 : i32
      %add3A_956 = arith.addi %add3A_954, %add3A_955 : i32
      %dma_start3A_957 = arith.constant 50 : i32
      %dma_start3A_958 = arith.constant 0 : i32
      %dma_start3A_959 = tpu.memref_slice %arg11[%dma_start3A_957, %dma_start3A_958] : memref<400x64xf32, #tpu.memory_space<vmem>> -> memref<50x64xf32, #tpu.memory_space<vmem>>
      %dma_start3A_960 = arith.constant 0 : i32
      %dma_start3A_961 = arith.constant 0 : i32
      %dma_start3A_962 = tpu.memref_slice %arg4[%add3A_956, %dma_start3A_960, %dma_start3A_961] : memref<16384x56x128xf32, #tpu.memory_space<hbm>> -> memref<1x50x64xf32, #tpu.memory_space<hbm>>
      %dma_start3A_963 = tpu.memref_squeeze %dma_start3A_962 : memref<1x50x64xf32, #tpu.memory_space<hbm>> -> memref<50x64xf32, #tpu.memory_space<hbm>>
      %dma_start3A_964 = arith.constant 0 : i32
      %dma_start3A_965 = arith.constant 0 : i32
      %dma_start3A_966 = tpu.memref_slice %arg4[%add3A_956, %dma_start3A_964, %dma_start3A_965] : memref<16384x56x128xf32, #tpu.memory_space<hbm>> -> memref<1x50x64xf32, #tpu.memory_space<hbm>>
      %dma_start3A_967 = tpu.memref_squeeze %dma_start3A_966 : memref<1x50x64xf32, #tpu.memory_space<hbm>> -> memref<50x64xf32, #tpu.memory_space<hbm>>
      %dma_start3A_968 = arith.constant 50 : i32
      %dma_start3A_969 = arith.constant 0 : i32
      %dma_start3A_970 = tpu.memref_slice %arg11[%dma_start3A_968, %dma_start3A_969] : memref<400x64xf32, #tpu.memory_space<vmem>> -> memref<50x64xf32, #tpu.memory_space<vmem>>
      tpu.enqueue_dma source(%dma_start3A_970 : memref<50x64xf32, #tpu.memory_space<vmem>>) target(%dma_start3A_967 : memref<50x64xf32, #tpu.memory_space<hbm>>) target_semaphore(%arg19 : memref<!tpu.dma_semaphore, #tpu.memory_space<semaphore_mem>>)
      %mul3A_971 = arith.constant 8 : i32
      %mul3A_972 = arith.muli %add3A_922, %mul3A_971 : i32
      %add3A_973 = arith.addi %mul3A_4, %mul3A_972 : i32
      %add3A_974 = arith.constant 2 : i32
      %add3A_975 = arith.addi %add3A_973, %add3A_974 : i32
      %dma_start3A_976 = arith.constant 100 : i32
      %dma_start3A_977 = arith.constant 0 : i32
      %dma_start3A_978 = tpu.memref_slice %arg11[%dma_start3A_976, %dma_start3A_977] : memref<400x64xf32, #tpu.memory_space<vmem>> -> memref<50x64xf32, #tpu.memory_space<vmem>>
      %dma_start3A_979 = arith.constant 0 : i32
      %dma_start3A_980 = arith.constant 0 : i32
      %dma_start3A_981 = tpu.memref_slice %arg4[%add3A_975, %dma_start3A_979, %dma_start3A_980] : memref<16384x56x128xf32, #tpu.memory_space<hbm>> -> memref<1x50x64xf32, #tpu.memory_space<hbm>>
      %dma_start3A_982 = tpu.memref_squeeze %dma_start3A_981 : memref<1x50x64xf32, #tpu.memory_space<hbm>> -> memref<50x64xf32, #tpu.memory_space<hbm>>
      %dma_start3A_983 = arith.constant 0 : i32
      %dma_start3A_984 = arith.constant 0 : i32
      %dma_start3A_985 = tpu.memref_slice %arg4[%add3A_975, %dma_start3A_983, %dma_start3A_984] : memref<16384x56x128xf32, #tpu.memory_space<hbm>> -> memref<1x50x64xf32, #tpu.memory_space<hbm>>
      %dma_start3A_986 = tpu.memref_squeeze %dma_start3A_985 : memref<1x50x64xf32, #tpu.memory_space<hbm>> -> memref<50x64xf32, #tpu.memory_space<hbm>>
      %dma_start3A_987 = arith.constant 100 : i32
      %dma_start3A_988 = arith.constant 0 : i32
      %dma_start3A_989 = tpu.memref_slice %arg11[%dma_start3A_987, %dma_start3A_988] : memref<400x64xf32, #tpu.memory_space<vmem>> -> memref<50x64xf32, #tpu.memory_space<vmem>>
      tpu.enqueue_dma source(%dma_start3A_989 : memref<50x64xf32, #tpu.memory_space<vmem>>) target(%dma_start3A_986 : memref<50x64xf32, #tpu.memory_space<hbm>>) target_semaphore(%arg19 : memref<!tpu.dma_semaphore, #tpu.memory_space<semaphore_mem>>)
      %mul3A_990 = arith.constant 8 : i32
      %mul3A_991 = arith.muli %add3A_922, %mul3A_990 : i32
      %add3A_992 = arith.addi %mul3A_4, %mul3A_991 : i32
      %add3A_993 = arith.constant 3 : i32
      %add3A_994 = arith.addi %add3A_992, %add3A_993 : i32
      %dma_start3A_995 = arith.constant 150 : i32
      %dma_start3A_996 = arith.constant 0 : i32
      %dma_start3A_997 = tpu.memref_slice %arg11[%dma_start3A_995, %dma_start3A_996] : memref<400x64xf32, #tpu.memory_space<vmem>> -> memref<50x64xf32, #tpu.memory_space<vmem>>
      %dma_start3A_998 = arith.constant 0 : i32
      %dma_start3A_999 = arith.constant 0 : i32
      %dma_start3A_1000 = tpu.memref_slice %arg4[%add3A_994, %dma_start3A_998, %dma_start3A_999] : memref<16384x56x128xf32, #tpu.memory_space<hbm>> -> memref<1x50x64xf32, #tpu.memory_space<hbm>>
      %dma_start3A_1001 = tpu.memref_squeeze %dma_start3A_1000 : memref<1x50x64xf32, #tpu.memory_space<hbm>> -> memref<50x64xf32, #tpu.memory_space<hbm>>
      %dma_start3A_1002 = arith.constant 0 : i32
      %dma_start3A_1003 = arith.constant 0 : i32
      %dma_start3A_1004 = tpu.memref_slice %arg4[%add3A_994, %dma_start3A_1002, %dma_start3A_1003] : memref<16384x56x128xf32, #tpu.memory_space<hbm>> -> memref<1x50x64xf32, #tpu.memory_space<hbm>>
      %dma_start3A_1005 = tpu.memref_squeeze %dma_start3A_1004 : memref<1x50x64xf32, #tpu.memory_space<hbm>> -> memref<50x64xf32, #tpu.memory_space<hbm>>
      %dma_start3A_1006 = arith.constant 150 : i32
      %dma_start3A_1007 = arith.constant 0 : i32
      %dma_start3A_1008 = tpu.memref_slice %arg11[%dma_start3A_1006, %dma_start3A_1007] : memref<400x64xf32, #tpu.memory_space<vmem>> -> memref<50x64xf32, #tpu.memory_space<vmem>>
      tpu.enqueue_dma source(%dma_start3A_1008 : memref<50x64xf32, #tpu.memory_space<vmem>>) target(%dma_start3A_1005 : memref<50x64xf32, #tpu.memory_space<hbm>>) target_semaphore(%arg19 : memref<!tpu.dma_semaphore, #tpu.memory_space<semaphore_mem>>)
      %mul3A_1009 = arith.constant 8 : i32
      %mul3A_1010 = arith.muli %add3A_922, %mul3A_1009 : i32
      %add3A_1011 = arith.addi %mul3A_4, %mul3A_1010 : i32
      %add3A_1012 = arith.constant 4 : i32
      %add3A_1013 = arith.addi %add3A_1011, %add3A_1012 : i32
      %dma_start3A_1014 = arith.constant 200 : i32
      %dma_start3A_1015 = arith.constant 0 : i32
      %dma_start3A_1016 = tpu.memref_slice %arg11[%dma_start3A_1014, %dma_start3A_1015] : memref<400x64xf32, #tpu.memory_space<vmem>> -> memref<50x64xf32, #tpu.memory_space<vmem>>
      %dma_start3A_1017 = arith.constant 0 : i32
      %dma_start3A_1018 = arith.constant 0 : i32
      %dma_start3A_1019 = tpu.memref_slice %arg4[%add3A_1013, %dma_start3A_1017, %dma_start3A_1018] : memref<16384x56x128xf32, #tpu.memory_space<hbm>> -> memref<1x50x64xf32, #tpu.memory_space<hbm>>
      %dma_start3A_1020 = tpu.memref_squeeze %dma_start3A_1019 : memref<1x50x64xf32, #tpu.memory_space<hbm>> -> memref<50x64xf32, #tpu.memory_space<hbm>>
      %dma_start3A_1021 = arith.constant 0 : i32
      %dma_start3A_1022 = arith.constant 0 : i32
      %dma_start3A_1023 = tpu.memref_slice %arg4[%add3A_1013, %dma_start3A_1021, %dma_start3A_1022] : memref<16384x56x128xf32, #tpu.memory_space<hbm>> -> memref<1x50x64xf32, #tpu.memory_space<hbm>>
      %dma_start3A_1024 = tpu.memref_squeeze %dma_start3A_1023 : memref<1x50x64xf32, #tpu.memory_space<hbm>> -> memref<50x64xf32, #tpu.memory_space<hbm>>
      %dma_start3A_1025 = arith.constant 200 : i32
      %dma_start3A_1026 = arith.constant 0 : i32
      %dma_start3A_1027 = tpu.memref_slice %arg11[%dma_start3A_1025, %dma_start3A_1026] : memref<400x64xf32, #tpu.memory_space<vmem>> -> memref<50x64xf32, #tpu.memory_space<vmem>>
      tpu.enqueue_dma source(%dma_start3A_1027 : memref<50x64xf32, #tpu.memory_space<vmem>>) target(%dma_start3A_1024 : memref<50x64xf32, #tpu.memory_space<hbm>>) target_semaphore(%arg19 : memref<!tpu.dma_semaphore, #tpu.memory_space<semaphore_mem>>)
      %mul3A_1028 = arith.constant 8 : i32
      %mul3A_1029 = arith.muli %add3A_922, %mul3A_1028 : i32
      %add3A_1030 = arith.addi %mul3A_4, %mul3A_1029 : i32
      %add3A_1031 = arith.constant 5 : i32
      %add3A_1032 = arith.addi %add3A_1030, %add3A_1031 : i32
      %dma_start3A_1033 = arith.constant 250 : i32
      %dma_start3A_1034 = arith.constant 0 : i32
      %dma_start3A_1035 = tpu.memref_slice %arg11[%dma_start3A_1033, %dma_start3A_1034] : memref<400x64xf32, #tpu.memory_space<vmem>> -> memref<50x64xf32, #tpu.memory_space<vmem>>
      %dma_start3A_1036 = arith.constant 0 : i32
      %dma_start3A_1037 = arith.constant 0 : i32
      %dma_start3A_1038 = tpu.memref_slice %arg4[%add3A_1032, %dma_start3A_1036, %dma_start3A_1037] : memref<16384x56x128xf32, #tpu.memory_space<hbm>> -> memref<1x50x64xf32, #tpu.memory_space<hbm>>
      %dma_start3A_1039 = tpu.memref_squeeze %dma_start3A_1038 : memref<1x50x64xf32, #tpu.memory_space<hbm>> -> memref<50x64xf32, #tpu.memory_space<hbm>>
      %dma_start3A_1040 = arith.constant 0 : i32
      %dma_start3A_1041 = arith.constant 0 : i32
      %dma_start3A_1042 = tpu.memref_slice %arg4[%add3A_1032, %dma_start3A_1040, %dma_start3A_1041] : memref<16384x56x128xf32, #tpu.memory_space<hbm>> -> memref<1x50x64xf32, #tpu.memory_space<hbm>>
      %dma_start3A_1043 = tpu.memref_squeeze %dma_start3A_1042 : memref<1x50x64xf32, #tpu.memory_space<hbm>> -> memref<50x64xf32, #tpu.memory_space<hbm>>
      %dma_start3A_1044 = arith.constant 250 : i32
      %dma_start3A_1045 = arith.constant 0 : i32
      %dma_start3A_1046 = tpu.memref_slice %arg11[%dma_start3A_1044, %dma_start3A_1045] : memref<400x64xf32, #tpu.memory_space<vmem>> -> memref<50x64xf32, #tpu.memory_space<vmem>>
      tpu.enqueue_dma source(%dma_start3A_1046 : memref<50x64xf32, #tpu.memory_space<vmem>>) target(%dma_start3A_1043 : memref<50x64xf32, #tpu.memory_space<hbm>>) target_semaphore(%arg19 : memref<!tpu.dma_semaphore, #tpu.memory_space<semaphore_mem>>)
      %mul3A_1047 = arith.constant 8 : i32
      %mul3A_1048 = arith.muli %add3A_922, %mul3A_1047 : i32
      %add3A_1049 = arith.addi %mul3A_4, %mul3A_1048 : i32
      %add3A_1050 = arith.constant 6 : i32
      %add3A_1051 = arith.addi %add3A_1049, %add3A_1050 : i32
      %dma_start3A_1052 = arith.constant 300 : i32
      %dma_start3A_1053 = arith.constant 0 : i32
      %dma_start3A_1054 = tpu.memref_slice %arg11[%dma_start3A_1052, %dma_start3A_1053] : memref<400x64xf32, #tpu.memory_space<vmem>> -> memref<50x64xf32, #tpu.memory_space<vmem>>
      %dma_start3A_1055 = arith.constant 0 : i32
      %dma_start3A_1056 = arith.constant 0 : i32
      %dma_start3A_1057 = tpu.memref_slice %arg4[%add3A_1051, %dma_start3A_1055, %dma_start3A_1056] : memref<16384x56x128xf32, #tpu.memory_space<hbm>> -> memref<1x50x64xf32, #tpu.memory_space<hbm>>
      %dma_start3A_1058 = tpu.memref_squeeze %dma_start3A_1057 : memref<1x50x64xf32, #tpu.memory_space<hbm>> -> memref<50x64xf32, #tpu.memory_space<hbm>>
      %dma_start3A_1059 = arith.constant 0 : i32
      %dma_start3A_1060 = arith.constant 0 : i32
      %dma_start3A_1061 = tpu.memref_slice %arg4[%add3A_1051, %dma_start3A_1059, %dma_start3A_1060] : memref<16384x56x128xf32, #tpu.memory_space<hbm>> -> memref<1x50x64xf32, #tpu.memory_space<hbm>>
      %dma_start3A_1062 = tpu.memref_squeeze %dma_start3A_1061 : memref<1x50x64xf32, #tpu.memory_space<hbm>> -> memref<50x64xf32, #tpu.memory_space<hbm>>
      %dma_start3A_1063 = arith.constant 300 : i32
      %dma_start3A_1064 = arith.constant 0 : i32
      %dma_start3A_1065 = tpu.memref_slice %arg11[%dma_start3A_1063, %dma_start3A_1064] : memref<400x64xf32, #tpu.memory_space<vmem>> -> memref<50x64xf32, #tpu.memory_space<vmem>>
      tpu.enqueue_dma source(%dma_start3A_1065 : memref<50x64xf32, #tpu.memory_space<vmem>>) target(%dma_start3A_1062 : memref<50x64xf32, #tpu.memory_space<hbm>>) target_semaphore(%arg19 : memref<!tpu.dma_semaphore, #tpu.memory_space<semaphore_mem>>)
      %mul3A_1066 = arith.constant 8 : i32
      %mul3A_1067 = arith.muli %add3A_922, %mul3A_1066 : i32
      %add3A_1068 = arith.addi %mul3A_4, %mul3A_1067 : i32
      %add3A_1069 = arith.constant 7 : i32
      %add3A_1070 = arith.addi %add3A_1068, %add3A_1069 : i32
      %dma_start3A_1071 = arith.constant 350 : i32
      %dma_start3A_1072 = arith.constant 0 : i32
      %dma_start3A_1073 = tpu.memref_slice %arg11[%dma_start3A_1071, %dma_start3A_1072] : memref<400x64xf32, #tpu.memory_space<vmem>> -> memref<50x64xf32, #tpu.memory_space<vmem>>
      %dma_start3A_1074 = arith.constant 0 : i32
      %dma_start3A_1075 = arith.constant 0 : i32
      %dma_start3A_1076 = tpu.memref_slice %arg4[%add3A_1070, %dma_start3A_1074, %dma_start3A_1075] : memref<16384x56x128xf32, #tpu.memory_space<hbm>> -> memref<1x50x64xf32, #tpu.memory_space<hbm>>
      %dma_start3A_1077 = tpu.memref_squeeze %dma_start3A_1076 : memref<1x50x64xf32, #tpu.memory_space<hbm>> -> memref<50x64xf32, #tpu.memory_space<hbm>>
      %dma_start3A_1078 = arith.constant 0 : i32
      %dma_start3A_1079 = arith.constant 0 : i32
      %dma_start3A_1080 = tpu.memref_slice %arg4[%add3A_1070, %dma_start3A_1078, %dma_start3A_1079] : memref<16384x56x128xf32, #tpu.memory_space<hbm>> -> memref<1x50x64xf32, #tpu.memory_space<hbm>>
      %dma_start3A_1081 = tpu.memref_squeeze %dma_start3A_1080 : memref<1x50x64xf32, #tpu.memory_space<hbm>> -> memref<50x64xf32, #tpu.memory_space<hbm>>
      %dma_start3A_1082 = arith.constant 350 : i32
      %dma_start3A_1083 = arith.constant 0 : i32
      %dma_start3A_1084 = tpu.memref_slice %arg11[%dma_start3A_1082, %dma_start3A_1083] : memref<400x64xf32, #tpu.memory_space<vmem>> -> memref<50x64xf32, #tpu.memory_space<vmem>>
      tpu.enqueue_dma source(%dma_start3A_1084 : memref<50x64xf32, #tpu.memory_space<vmem>>) target(%dma_start3A_1081 : memref<50x64xf32, #tpu.memory_space<hbm>>) target_semaphore(%arg19 : memref<!tpu.dma_semaphore, #tpu.memory_space<semaphore_mem>>)
      %add3A_1085 = arith.constant 3 : i32
      %add3A_1086 = arith.addi %mul3A_595, %add3A_1085 : i32
      %add3A_1087 = arith.constant 2 : i32
      %add3A_1088 = arith.addi %add3A_1086, %add3A_1087 : i32
      %lt3A_1089 = arith.constant 64 : i32
      %lt3A_1090 = arith.cmpi slt, %add3A_1088, %lt3A_1089 : i32
      %convert_element_type3A_1091 = arith.extui %lt3A_1090 : i1 to i32
      %cond3A_1092 = arith.constant 0 : i32
      %cond3A_1093 = arith.cmpi ne, %convert_element_type3A_1091, %cond3A_1092 : i32
      scf.if %cond3A_1093 {
        %ge3A = arith.constant 4 : i32
        %ge3A_1249 = arith.cmpi sge, %add3A_1088, %ge3A : i32
        %convert_element_type3A_1250 = arith.extui %ge3A_1249 : i1 to i32
        %cond3A_1251 = arith.constant 0 : i32
        %cond3A_1252 = arith.cmpi ne, %convert_element_type3A_1250, %cond3A_1251 : i32
        scf.if %cond3A_1252 {
          %sub3A = arith.constant 4 : i32
          %sub3A_1259 = arith.subi %add3A_1088, %sub3A : i32
          %mul3A_1260 = arith.constant 8 : i32
          %mul3A_1261 = arith.muli %sub3A_1259, %mul3A_1260 : i32
          %add3A_1262 = arith.addi %mul3A_4, %mul3A_1261 : i32
          %add3A_1263 = arith.constant 0 : i32
          %add3A_1264 = arith.addi %add3A_1262, %add3A_1263 : i32
          %dma_wait3A_1265 = arith.constant 0 : i32
          %dma_wait3A_1266 = arith.constant 0 : i32
          %dma_wait3A_1267 = tpu.memref_slice %arg10[%dma_wait3A_1265, %dma_wait3A_1266] : memref<400x64xf32, #tpu.memory_space<vmem>> -> memref<50x64xf32, #tpu.memory_space<vmem>>
          %dma_wait3A_1268 = arith.constant 0 : i32
          %dma_wait3A_1269 = arith.constant 0 : i32
          %dma_wait3A_1270 = tpu.memref_slice %arg4[%add3A_1264, %dma_wait3A_1268, %dma_wait3A_1269] : memref<16384x56x128xf32, #tpu.memory_space<hbm>> -> memref<1x50x64xf32, #tpu.memory_space<hbm>>
          %dma_wait3A_1271 = tpu.memref_squeeze %dma_wait3A_1270 : memref<1x50x64xf32, #tpu.memory_space<hbm>> -> memref<50x64xf32, #tpu.memory_space<hbm>>
          %dma_wait3A_1272 = arith.constant 0 : i32
          %dma_wait3A_1273 = arith.constant 0 : i32
          %dma_wait3A_1274 = tpu.memref_slice %arg4[%add3A_1264, %dma_wait3A_1272, %dma_wait3A_1273] : memref<16384x56x128xf32, #tpu.memory_space<hbm>> -> memref<1x50x64xf32, #tpu.memory_space<hbm>>
          %dma_wait3A_1275 = tpu.memref_squeeze %dma_wait3A_1274 : memref<1x50x64xf32, #tpu.memory_space<hbm>> -> memref<50x64xf32, #tpu.memory_space<hbm>>
          %dma_wait3A_1276 = arith.constant 0 : i32
          %dma_wait3A_1277 = arith.constant 0 : i32
          %dma_wait3A_1278 = tpu.memref_slice %arg10[%dma_wait3A_1276, %dma_wait3A_1277] : memref<400x64xf32, #tpu.memory_space<vmem>> -> memref<50x64xf32, #tpu.memory_space<vmem>>
          tpu.wait_dma2 semaphore(%arg18 : memref<!tpu.dma_semaphore, #tpu.memory_space<semaphore_mem>>) src(%dma_wait3A_1278 : memref<50x64xf32, #tpu.memory_space<vmem>>) dst(%dma_wait3A_1275 : memref<50x64xf32, #tpu.memory_space<hbm>>)
          %mul3A_1279 = arith.constant 8 : i32
          %mul3A_1280 = arith.muli %sub3A_1259, %mul3A_1279 : i32
          %add3A_1281 = arith.addi %mul3A_4, %mul3A_1280 : i32
          %add3A_1282 = arith.constant 1 : i32
          %add3A_1283 = arith.addi %add3A_1281, %add3A_1282 : i32
          %dma_wait3A_1284 = arith.constant 50 : i32
          %dma_wait3A_1285 = arith.constant 0 : i32
          %dma_wait3A_1286 = tpu.memref_slice %arg10[%dma_wait3A_1284, %dma_wait3A_1285] : memref<400x64xf32, #tpu.memory_space<vmem>> -> memref<50x64xf32, #tpu.memory_space<vmem>>
          %dma_wait3A_1287 = arith.constant 0 : i32
          %dma_wait3A_1288 = arith.constant 0 : i32
          %dma_wait3A_1289 = tpu.memref_slice %arg4[%add3A_1283, %dma_wait3A_1287, %dma_wait3A_1288] : memref<16384x56x128xf32, #tpu.memory_space<hbm>> -> memref<1x50x64xf32, #tpu.memory_space<hbm>>
          %dma_wait3A_1290 = tpu.memref_squeeze %dma_wait3A_1289 : memref<1x50x64xf32, #tpu.memory_space<hbm>> -> memref<50x64xf32, #tpu.memory_space<hbm>>
          %dma_wait3A_1291 = arith.constant 0 : i32
          %dma_wait3A_1292 = arith.constant 0 : i32
          %dma_wait3A_1293 = tpu.memref_slice %arg4[%add3A_1283, %dma_wait3A_1291, %dma_wait3A_1292] : memref<16384x56x128xf32, #tpu.memory_space<hbm>> -> memref<1x50x64xf32, #tpu.memory_space<hbm>>
          %dma_wait3A_1294 = tpu.memref_squeeze %dma_wait3A_1293 : memref<1x50x64xf32, #tpu.memory_space<hbm>> -> memref<50x64xf32, #tpu.memory_space<hbm>>
          %dma_wait3A_1295 = arith.constant 50 : i32
          %dma_wait3A_1296 = arith.constant 0 : i32
          %dma_wait3A_1297 = tpu.memref_slice %arg10[%dma_wait3A_1295, %dma_wait3A_1296] : memref<400x64xf32, #tpu.memory_space<vmem>> -> memref<50x64xf32, #tpu.memory_space<vmem>>
          tpu.wait_dma2 semaphore(%arg18 : memref<!tpu.dma_semaphore, #tpu.memory_space<semaphore_mem>>) src(%dma_wait3A_1297 : memref<50x64xf32, #tpu.memory_space<vmem>>) dst(%dma_wait3A_1294 : memref<50x64xf32, #tpu.memory_space<hbm>>)
          %mul3A_1298 = arith.constant 8 : i32
          %mul3A_1299 = arith.muli %sub3A_1259, %mul3A_1298 : i32
          %add3A_1300 = arith.addi %mul3A_4, %mul3A_1299 : i32
          %add3A_1301 = arith.constant 2 : i32
          %add3A_1302 = arith.addi %add3A_1300, %add3A_1301 : i32
          %dma_wait3A_1303 = arith.constant 100 : i32
          %dma_wait3A_1304 = arith.constant 0 : i32
          %dma_wait3A_1305 = tpu.memref_slice %arg10[%dma_wait3A_1303, %dma_wait3A_1304] : memref<400x64xf32, #tpu.memory_space<vmem>> -> memref<50x64xf32, #tpu.memory_space<vmem>>
          %dma_wait3A_1306 = arith.constant 0 : i32
          %dma_wait3A_1307 = arith.constant 0 : i32
          %dma_wait3A_1308 = tpu.memref_slice %arg4[%add3A_1302, %dma_wait3A_1306, %dma_wait3A_1307] : memref<16384x56x128xf32, #tpu.memory_space<hbm>> -> memref<1x50x64xf32, #tpu.memory_space<hbm>>
          %dma_wait3A_1309 = tpu.memref_squeeze %dma_wait3A_1308 : memref<1x50x64xf32, #tpu.memory_space<hbm>> -> memref<50x64xf32, #tpu.memory_space<hbm>>
          %dma_wait3A_1310 = arith.constant 0 : i32
          %dma_wait3A_1311 = arith.constant 0 : i32
          %dma_wait3A_1312 = tpu.memref_slice %arg4[%add3A_1302, %dma_wait3A_1310, %dma_wait3A_1311] : memref<16384x56x128xf32, #tpu.memory_space<hbm>> -> memref<1x50x64xf32, #tpu.memory_space<hbm>>
          %dma_wait3A_1313 = tpu.memref_squeeze %dma_wait3A_1312 : memref<1x50x64xf32, #tpu.memory_space<hbm>> -> memref<50x64xf32, #tpu.memory_space<hbm>>
          %dma_wait3A_1314 = arith.constant 100 : i32
          %dma_wait3A_1315 = arith.constant 0 : i32
          %dma_wait3A_1316 = tpu.memref_slice %arg10[%dma_wait3A_1314, %dma_wait3A_1315] : memref<400x64xf32, #tpu.memory_space<vmem>> -> memref<50x64xf32, #tpu.memory_space<vmem>>
          tpu.wait_dma2 semaphore(%arg18 : memref<!tpu.dma_semaphore, #tpu.memory_space<semaphore_mem>>) src(%dma_wait3A_1316 : memref<50x64xf32, #tpu.memory_space<vmem>>) dst(%dma_wait3A_1313 : memref<50x64xf32, #tpu.memory_space<hbm>>)
          %mul3A_1317 = arith.constant 8 : i32
          %mul3A_1318 = arith.muli %sub3A_1259, %mul3A_1317 : i32
          %add3A_1319 = arith.addi %mul3A_4, %mul3A_1318 : i32
          %add3A_1320 = arith.constant 3 : i32
          %add3A_1321 = arith.addi %add3A_1319, %add3A_1320 : i32
          %dma_wait3A_1322 = arith.constant 150 : i32
          %dma_wait3A_1323 = arith.constant 0 : i32
          %dma_wait3A_1324 = tpu.memref_slice %arg10[%dma_wait3A_1322, %dma_wait3A_1323] : memref<400x64xf32, #tpu.memory_space<vmem>> -> memref<50x64xf32, #tpu.memory_space<vmem>>
          %dma_wait3A_1325 = arith.constant 0 : i32
          %dma_wait3A_1326 = arith.constant 0 : i32
          %dma_wait3A_1327 = tpu.memref_slice %arg4[%add3A_1321, %dma_wait3A_1325, %dma_wait3A_1326] : memref<16384x56x128xf32, #tpu.memory_space<hbm>> -> memref<1x50x64xf32, #tpu.memory_space<hbm>>
          %dma_wait3A_1328 = tpu.memref_squeeze %dma_wait3A_1327 : memref<1x50x64xf32, #tpu.memory_space<hbm>> -> memref<50x64xf32, #tpu.memory_space<hbm>>
          %dma_wait3A_1329 = arith.constant 0 : i32
          %dma_wait3A_1330 = arith.constant 0 : i32
          %dma_wait3A_1331 = tpu.memref_slice %arg4[%add3A_1321, %dma_wait3A_1329, %dma_wait3A_1330] : memref<16384x56x128xf32, #tpu.memory_space<hbm>> -> memref<1x50x64xf32, #tpu.memory_space<hbm>>
          %dma_wait3A_1332 = tpu.memref_squeeze %dma_wait3A_1331 : memref<1x50x64xf32, #tpu.memory_space<hbm>> -> memref<50x64xf32, #tpu.memory_space<hbm>>
          %dma_wait3A_1333 = arith.constant 150 : i32
          %dma_wait3A_1334 = arith.constant 0 : i32
          %dma_wait3A_1335 = tpu.memref_slice %arg10[%dma_wait3A_1333, %dma_wait3A_1334] : memref<400x64xf32, #tpu.memory_space<vmem>> -> memref<50x64xf32, #tpu.memory_space<vmem>>
          tpu.wait_dma2 semaphore(%arg18 : memref<!tpu.dma_semaphore, #tpu.memory_space<semaphore_mem>>) src(%dma_wait3A_1335 : memref<50x64xf32, #tpu.memory_space<vmem>>) dst(%dma_wait3A_1332 : memref<50x64xf32, #tpu.memory_space<hbm>>)
          %mul3A_1336 = arith.constant 8 : i32
          %mul3A_1337 = arith.muli %sub3A_1259, %mul3A_1336 : i32
          %add3A_1338 = arith.addi %mul3A_4, %mul3A_1337 : i32
          %add3A_1339 = arith.constant 4 : i32
          %add3A_1340 = arith.addi %add3A_1338, %add3A_1339 : i32
          %dma_wait3A_1341 = arith.constant 200 : i32
          %dma_wait3A_1342 = arith.constant 0 : i32
          %dma_wait3A_1343 = tpu.memref_slice %arg10[%dma_wait3A_1341, %dma_wait3A_1342] : memref<400x64xf32, #tpu.memory_space<vmem>> -> memref<50x64xf32, #tpu.memory_space<vmem>>
          %dma_wait3A_1344 = arith.constant 0 : i32
          %dma_wait3A_1345 = arith.constant 0 : i32
          %dma_wait3A_1346 = tpu.memref_slice %arg4[%add3A_1340, %dma_wait3A_1344, %dma_wait3A_1345] : memref<16384x56x128xf32, #tpu.memory_space<hbm>> -> memref<1x50x64xf32, #tpu.memory_space<hbm>>
          %dma_wait3A_1347 = tpu.memref_squeeze %dma_wait3A_1346 : memref<1x50x64xf32, #tpu.memory_space<hbm>> -> memref<50x64xf32, #tpu.memory_space<hbm>>
          %dma_wait3A_1348 = arith.constant 0 : i32
          %dma_wait3A_1349 = arith.constant 0 : i32
          %dma_wait3A_1350 = tpu.memref_slice %arg4[%add3A_1340, %dma_wait3A_1348, %dma_wait3A_1349] : memref<16384x56x128xf32, #tpu.memory_space<hbm>> -> memref<1x50x64xf32, #tpu.memory_space<hbm>>
          %dma_wait3A_1351 = tpu.memref_squeeze %dma_wait3A_1350 : memref<1x50x64xf32, #tpu.memory_space<hbm>> -> memref<50x64xf32, #tpu.memory_space<hbm>>
          %dma_wait3A_1352 = arith.constant 200 : i32
          %dma_wait3A_1353 = arith.constant 0 : i32
          %dma_wait3A_1354 = tpu.memref_slice %arg10[%dma_wait3A_1352, %dma_wait3A_1353] : memref<400x64xf32, #tpu.memory_space<vmem>> -> memref<50x64xf32, #tpu.memory_space<vmem>>
          tpu.wait_dma2 semaphore(%arg18 : memref<!tpu.dma_semaphore, #tpu.memory_space<semaphore_mem>>) src(%dma_wait3A_1354 : memref<50x64xf32, #tpu.memory_space<vmem>>) dst(%dma_wait3A_1351 : memref<50x64xf32, #tpu.memory_space<hbm>>)
          %mul3A_1355 = arith.constant 8 : i32
          %mul3A_1356 = arith.muli %sub3A_1259, %mul3A_1355 : i32
          %add3A_1357 = arith.addi %mul3A_4, %mul3A_1356 : i32
          %add3A_1358 = arith.constant 5 : i32
          %add3A_1359 = arith.addi %add3A_1357, %add3A_1358 : i32
          %dma_wait3A_1360 = arith.constant 250 : i32
          %dma_wait3A_1361 = arith.constant 0 : i32
          %dma_wait3A_1362 = tpu.memref_slice %arg10[%dma_wait3A_1360, %dma_wait3A_1361] : memref<400x64xf32, #tpu.memory_space<vmem>> -> memref<50x64xf32, #tpu.memory_space<vmem>>
          %dma_wait3A_1363 = arith.constant 0 : i32
          %dma_wait3A_1364 = arith.constant 0 : i32
          %dma_wait3A_1365 = tpu.memref_slice %arg4[%add3A_1359, %dma_wait3A_1363, %dma_wait3A_1364] : memref<16384x56x128xf32, #tpu.memory_space<hbm>> -> memref<1x50x64xf32, #tpu.memory_space<hbm>>
          %dma_wait3A_1366 = tpu.memref_squeeze %dma_wait3A_1365 : memref<1x50x64xf32, #tpu.memory_space<hbm>> -> memref<50x64xf32, #tpu.memory_space<hbm>>
          %dma_wait3A_1367 = arith.constant 0 : i32
          %dma_wait3A_1368 = arith.constant 0 : i32
          %dma_wait3A_1369 = tpu.memref_slice %arg4[%add3A_1359, %dma_wait3A_1367, %dma_wait3A_1368] : memref<16384x56x128xf32, #tpu.memory_space<hbm>> -> memref<1x50x64xf32, #tpu.memory_space<hbm>>
          %dma_wait3A_1370 = tpu.memref_squeeze %dma_wait3A_1369 : memref<1x50x64xf32, #tpu.memory_space<hbm>> -> memref<50x64xf32, #tpu.memory_space<hbm>>
          %dma_wait3A_1371 = arith.constant 250 : i32
          %dma_wait3A_1372 = arith.constant 0 : i32
          %dma_wait3A_1373 = tpu.memref_slice %arg10[%dma_wait3A_1371, %dma_wait3A_1372] : memref<400x64xf32, #tpu.memory_space<vmem>> -> memref<50x64xf32, #tpu.memory_space<vmem>>
          tpu.wait_dma2 semaphore(%arg18 : memref<!tpu.dma_semaphore, #tpu.memory_space<semaphore_mem>>) src(%dma_wait3A_1373 : memref<50x64xf32, #tpu.memory_space<vmem>>) dst(%dma_wait3A_1370 : memref<50x64xf32, #tpu.memory_space<hbm>>)
          %mul3A_1374 = arith.constant 8 : i32
          %mul3A_1375 = arith.muli %sub3A_1259, %mul3A_1374 : i32
          %add3A_1376 = arith.addi %mul3A_4, %mul3A_1375 : i32
          %add3A_1377 = arith.constant 6 : i32
          %add3A_1378 = arith.addi %add3A_1376, %add3A_1377 : i32
          %dma_wait3A_1379 = arith.constant 300 : i32
          %dma_wait3A_1380 = arith.constant 0 : i32
          %dma_wait3A_1381 = tpu.memref_slice %arg10[%dma_wait3A_1379, %dma_wait3A_1380] : memref<400x64xf32, #tpu.memory_space<vmem>> -> memref<50x64xf32, #tpu.memory_space<vmem>>
          %dma_wait3A_1382 = arith.constant 0 : i32
          %dma_wait3A_1383 = arith.constant 0 : i32
          %dma_wait3A_1384 = tpu.memref_slice %arg4[%add3A_1378, %dma_wait3A_1382, %dma_wait3A_1383] : memref<16384x56x128xf32, #tpu.memory_space<hbm>> -> memref<1x50x64xf32, #tpu.memory_space<hbm>>
          %dma_wait3A_1385 = tpu.memref_squeeze %dma_wait3A_1384 : memref<1x50x64xf32, #tpu.memory_space<hbm>> -> memref<50x64xf32, #tpu.memory_space<hbm>>
          %dma_wait3A_1386 = arith.constant 0 : i32
          %dma_wait3A_1387 = arith.constant 0 : i32
          %dma_wait3A_1388 = tpu.memref_slice %arg4[%add3A_1378, %dma_wait3A_1386, %dma_wait3A_1387] : memref<16384x56x128xf32, #tpu.memory_space<hbm>> -> memref<1x50x64xf32, #tpu.memory_space<hbm>>
          %dma_wait3A_1389 = tpu.memref_squeeze %dma_wait3A_1388 : memref<1x50x64xf32, #tpu.memory_space<hbm>> -> memref<50x64xf32, #tpu.memory_space<hbm>>
          %dma_wait3A_1390 = arith.constant 300 : i32
          %dma_wait3A_1391 = arith.constant 0 : i32
          %dma_wait3A_1392 = tpu.memref_slice %arg10[%dma_wait3A_1390, %dma_wait3A_1391] : memref<400x64xf32, #tpu.memory_space<vmem>> -> memref<50x64xf32, #tpu.memory_space<vmem>>
          tpu.wait_dma2 semaphore(%arg18 : memref<!tpu.dma_semaphore, #tpu.memory_space<semaphore_mem>>) src(%dma_wait3A_1392 : memref<50x64xf32, #tpu.memory_space<vmem>>) dst(%dma_wait3A_1389 : memref<50x64xf32, #tpu.memory_space<hbm>>)
          %mul3A_1393 = arith.constant 8 : i32
          %mul3A_1394 = arith.muli %sub3A_1259, %mul3A_1393 : i32
          %add3A_1395 = arith.addi %mul3A_4, %mul3A_1394 : i32
          %add3A_1396 = arith.constant 7 : i32
          %add3A_1397 = arith.addi %add3A_1395, %add3A_1396 : i32
          %dma_wait3A_1398 = arith.constant 350 : i32
          %dma_wait3A_1399 = arith.constant 0 : i32
          %dma_wait3A_1400 = tpu.memref_slice %arg10[%dma_wait3A_1398, %dma_wait3A_1399] : memref<400x64xf32, #tpu.memory_space<vmem>> -> memref<50x64xf32, #tpu.memory_space<vmem>>
          %dma_wait3A_1401 = arith.constant 0 : i32
          %dma_wait3A_1402 = arith.constant 0 : i32
          %dma_wait3A_1403 = tpu.memref_slice %arg4[%add3A_1397, %dma_wait3A_1401, %dma_wait3A_1402] : memref<16384x56x128xf32, #tpu.memory_space<hbm>> -> memref<1x50x64xf32, #tpu.memory_space<hbm>>
          %dma_wait3A_1404 = tpu.memref_squeeze %dma_wait3A_1403 : memref<1x50x64xf32, #tpu.memory_space<hbm>> -> memref<50x64xf32, #tpu.memory_space<hbm>>
          %dma_wait3A_1405 = arith.constant 0 : i32
          %dma_wait3A_1406 = arith.constant 0 : i32
          %dma_wait3A_1407 = tpu.memref_slice %arg4[%add3A_1397, %dma_wait3A_1405, %dma_wait3A_1406] : memref<16384x56x128xf32, #tpu.memory_space<hbm>> -> memref<1x50x64xf32, #tpu.memory_space<hbm>>
          %dma_wait3A_1408 = tpu.memref_squeeze %dma_wait3A_1407 : memref<1x50x64xf32, #tpu.memory_space<hbm>> -> memref<50x64xf32, #tpu.memory_space<hbm>>
          %dma_wait3A_1409 = arith.constant 350 : i32
          %dma_wait3A_1410 = arith.constant 0 : i32
          %dma_wait3A_1411 = tpu.memref_slice %arg10[%dma_wait3A_1409, %dma_wait3A_1410] : memref<400x64xf32, #tpu.memory_space<vmem>> -> memref<50x64xf32, #tpu.memory_space<vmem>>
          tpu.wait_dma2 semaphore(%arg18 : memref<!tpu.dma_semaphore, #tpu.memory_space<semaphore_mem>>) src(%dma_wait3A_1411 : memref<50x64xf32, #tpu.memory_space<vmem>>) dst(%dma_wait3A_1408 : memref<50x64xf32, #tpu.memory_space<hbm>>)
        } else {
        }
        %mul3A_1253 = arith.constant 400 : i32
        %mul3A_1254 = arith.muli %add3A_1088, %mul3A_1253 : i32
        %add3A_1255 = arith.addi %mul3A_2, %mul3A_1254 : i32
        "tpu.region"() ({
          %run_scoped3A = tpu.sem_alloc : memref<!tpu.dma_semaphore, #tpu.memory_space<semaphore_mem>>
          %dma_start3A_1259 = tpu.memref_slice %arg2[%add3A_1255] : memref<819200xi32, #tpu.memory_space<hbm>> -> memref<400xi32, #tpu.memory_space<hbm>>
          %dma_start3A_1260 = tpu.memref_slice %arg2[%add3A_1255] : memref<819200xi32, #tpu.memory_space<hbm>> -> memref<400xi32, #tpu.memory_space<hbm>>
          tpu.enqueue_dma source(%dma_start3A_1260 : memref<400xi32, #tpu.memory_space<hbm>>) target(%arg6 : memref<400xi32, #tpu.memory_space<vmem>>) target_semaphore(%run_scoped3A : memref<!tpu.dma_semaphore, #tpu.memory_space<semaphore_mem>>)
          %dma_wait3A_1261 = tpu.memref_slice %arg2[%add3A_1255] : memref<819200xi32, #tpu.memory_space<hbm>> -> memref<400xi32, #tpu.memory_space<hbm>>
          %dma_wait3A_1262 = tpu.memref_slice %arg2[%add3A_1255] : memref<819200xi32, #tpu.memory_space<hbm>> -> memref<400xi32, #tpu.memory_space<hbm>>
          tpu.wait_dma2 semaphore(%run_scoped3A : memref<!tpu.dma_semaphore, #tpu.memory_space<semaphore_mem>>) src(%dma_wait3A_1262 : memref<400xi32, #tpu.memory_space<hbm>>) dst(%arg6 : memref<400xi32, #tpu.memory_space<vmem>>)
          tpu.yield
        }) : () -> ()
        %dma_start3A_1256 = arith.constant 0 : i32
        %dma_start3A_1257 = arith.constant 0 : i32
        %dma_start3A_1258 = tpu.memref_slice %arg3[%dma_start3A_1256, %dma_start3A_1257] : memref<1000000x64xf32, #tpu.memory_space<hbm>> -> memref<1000000x64xf32, #tpu.memory_space<hbm>>
        tpu.enqueue_indirect_dma source(%dma_start3A_1258 : memref<1000000x64xf32, #tpu.memory_space<hbm>>) target(%arg10 : memref<400x64xf32, #tpu.memory_space<vmem>>) offsets(%arg6 : memref<400xi32, #tpu.memory_space<vmem>>) semaphore(%arg14 : memref<!tpu.dma_semaphore, #tpu.memory_space<semaphore_mem>>)
      } else {
      }
      %dma_wait3A_1094 = arith.constant 0 : i32
      %dma_wait3A_1095 = arith.constant 0 : i32
      %dma_wait3A_1096 = tpu.memref_slice %arg3[%dma_wait3A_1094, %dma_wait3A_1095] : memref<1000000x64xf32, #tpu.memory_space<hbm>> -> memref<1000000x64xf32, #tpu.memory_space<hbm>>
      tpu.wait_indirect_dma semaphore(%arg16 : memref<!tpu.dma_semaphore, #tpu.memory_space<semaphore_mem>>) src(%dma_wait3A_1096 : memref<1000000x64xf32, #tpu.memory_space<hbm>>) dst(%arg12 : memref<400x64xf32, #tpu.memory_space<vmem>>)
      %mul3A_1097 = arith.constant 8 : i32
      %mul3A_1098 = arith.muli %add3A_1086, %mul3A_1097 : i32
      %add3A_1099 = arith.addi %mul3A_4, %mul3A_1098 : i32
      %add3A_1100 = arith.constant 0 : i32
      %add3A_1101 = arith.addi %add3A_1099, %add3A_1100 : i32
      %dma_start3A_1102 = arith.constant 0 : i32
      %dma_start3A_1103 = arith.constant 0 : i32
      %dma_start3A_1104 = tpu.memref_slice %arg12[%dma_start3A_1102, %dma_start3A_1103] : memref<400x64xf32, #tpu.memory_space<vmem>> -> memref<50x64xf32, #tpu.memory_space<vmem>>
      %dma_start3A_1105 = arith.constant 0 : i32
      %dma_start3A_1106 = arith.constant 0 : i32
      %dma_start3A_1107 = tpu.memref_slice %arg4[%add3A_1101, %dma_start3A_1105, %dma_start3A_1106] : memref<16384x56x128xf32, #tpu.memory_space<hbm>> -> memref<1x50x64xf32, #tpu.memory_space<hbm>>
      %dma_start3A_1108 = tpu.memref_squeeze %dma_start3A_1107 : memref<1x50x64xf32, #tpu.memory_space<hbm>> -> memref<50x64xf32, #tpu.memory_space<hbm>>
      %dma_start3A_1109 = arith.constant 0 : i32
      %dma_start3A_1110 = arith.constant 0 : i32
      %dma_start3A_1111 = tpu.memref_slice %arg4[%add3A_1101, %dma_start3A_1109, %dma_start3A_1110] : memref<16384x56x128xf32, #tpu.memory_space<hbm>> -> memref<1x50x64xf32, #tpu.memory_space<hbm>>
      %dma_start3A_1112 = tpu.memref_squeeze %dma_start3A_1111 : memref<1x50x64xf32, #tpu.memory_space<hbm>> -> memref<50x64xf32, #tpu.memory_space<hbm>>
      %dma_start3A_1113 = arith.constant 0 : i32
      %dma_start3A_1114 = arith.constant 0 : i32
      %dma_start3A_1115 = tpu.memref_slice %arg12[%dma_start3A_1113, %dma_start3A_1114] : memref<400x64xf32, #tpu.memory_space<vmem>> -> memref<50x64xf32, #tpu.memory_space<vmem>>
      tpu.enqueue_dma source(%dma_start3A_1115 : memref<50x64xf32, #tpu.memory_space<vmem>>) target(%dma_start3A_1112 : memref<50x64xf32, #tpu.memory_space<hbm>>) target_semaphore(%arg20 : memref<!tpu.dma_semaphore, #tpu.memory_space<semaphore_mem>>)
      %mul3A_1116 = arith.constant 8 : i32
      %mul3A_1117 = arith.muli %add3A_1086, %mul3A_1116 : i32
      %add3A_1118 = arith.addi %mul3A_4, %mul3A_1117 : i32
      %add3A_1119 = arith.constant 1 : i32
      %add3A_1120 = arith.addi %add3A_1118, %add3A_1119 : i32
      %dma_start3A_1121 = arith.constant 50 : i32
      %dma_start3A_1122 = arith.constant 0 : i32
      %dma_start3A_1123 = tpu.memref_slice %arg12[%dma_start3A_1121, %dma_start3A_1122] : memref<400x64xf32, #tpu.memory_space<vmem>> -> memref<50x64xf32, #tpu.memory_space<vmem>>
      %dma_start3A_1124 = arith.constant 0 : i32
      %dma_start3A_1125 = arith.constant 0 : i32
      %dma_start3A_1126 = tpu.memref_slice %arg4[%add3A_1120, %dma_start3A_1124, %dma_start3A_1125] : memref<16384x56x128xf32, #tpu.memory_space<hbm>> -> memref<1x50x64xf32, #tpu.memory_space<hbm>>
      %dma_start3A_1127 = tpu.memref_squeeze %dma_start3A_1126 : memref<1x50x64xf32, #tpu.memory_space<hbm>> -> memref<50x64xf32, #tpu.memory_space<hbm>>
      %dma_start3A_1128 = arith.constant 0 : i32
      %dma_start3A_1129 = arith.constant 0 : i32
      %dma_start3A_1130 = tpu.memref_slice %arg4[%add3A_1120, %dma_start3A_1128, %dma_start3A_1129] : memref<16384x56x128xf32, #tpu.memory_space<hbm>> -> memref<1x50x64xf32, #tpu.memory_space<hbm>>
      %dma_start3A_1131 = tpu.memref_squeeze %dma_start3A_1130 : memref<1x50x64xf32, #tpu.memory_space<hbm>> -> memref<50x64xf32, #tpu.memory_space<hbm>>
      %dma_start3A_1132 = arith.constant 50 : i32
      %dma_start3A_1133 = arith.constant 0 : i32
      %dma_start3A_1134 = tpu.memref_slice %arg12[%dma_start3A_1132, %dma_start3A_1133] : memref<400x64xf32, #tpu.memory_space<vmem>> -> memref<50x64xf32, #tpu.memory_space<vmem>>
      tpu.enqueue_dma source(%dma_start3A_1134 : memref<50x64xf32, #tpu.memory_space<vmem>>) target(%dma_start3A_1131 : memref<50x64xf32, #tpu.memory_space<hbm>>) target_semaphore(%arg20 : memref<!tpu.dma_semaphore, #tpu.memory_space<semaphore_mem>>)
      %mul3A_1135 = arith.constant 8 : i32
      %mul3A_1136 = arith.muli %add3A_1086, %mul3A_1135 : i32
      %add3A_1137 = arith.addi %mul3A_4, %mul3A_1136 : i32
      %add3A_1138 = arith.constant 2 : i32
      %add3A_1139 = arith.addi %add3A_1137, %add3A_1138 : i32
      %dma_start3A_1140 = arith.constant 100 : i32
      %dma_start3A_1141 = arith.constant 0 : i32
      %dma_start3A_1142 = tpu.memref_slice %arg12[%dma_start3A_1140, %dma_start3A_1141] : memref<400x64xf32, #tpu.memory_space<vmem>> -> memref<50x64xf32, #tpu.memory_space<vmem>>
      %dma_start3A_1143 = arith.constant 0 : i32
      %dma_start3A_1144 = arith.constant 0 : i32
      %dma_start3A_1145 = tpu.memref_slice %arg4[%add3A_1139, %dma_start3A_1143, %dma_start3A_1144] : memref<16384x56x128xf32, #tpu.memory_space<hbm>> -> memref<1x50x64xf32, #tpu.memory_space<hbm>>
      %dma_start3A_1146 = tpu.memref_squeeze %dma_start3A_1145 : memref<1x50x64xf32, #tpu.memory_space<hbm>> -> memref<50x64xf32, #tpu.memory_space<hbm>>
      %dma_start3A_1147 = arith.constant 0 : i32
      %dma_start3A_1148 = arith.constant 0 : i32
      %dma_start3A_1149 = tpu.memref_slice %arg4[%add3A_1139, %dma_start3A_1147, %dma_start3A_1148] : memref<16384x56x128xf32, #tpu.memory_space<hbm>> -> memref<1x50x64xf32, #tpu.memory_space<hbm>>
      %dma_start3A_1150 = tpu.memref_squeeze %dma_start3A_1149 : memref<1x50x64xf32, #tpu.memory_space<hbm>> -> memref<50x64xf32, #tpu.memory_space<hbm>>
      %dma_start3A_1151 = arith.constant 100 : i32
      %dma_start3A_1152 = arith.constant 0 : i32
      %dma_start3A_1153 = tpu.memref_slice %arg12[%dma_start3A_1151, %dma_start3A_1152] : memref<400x64xf32, #tpu.memory_space<vmem>> -> memref<50x64xf32, #tpu.memory_space<vmem>>
      tpu.enqueue_dma source(%dma_start3A_1153 : memref<50x64xf32, #tpu.memory_space<vmem>>) target(%dma_start3A_1150 : memref<50x64xf32, #tpu.memory_space<hbm>>) target_semaphore(%arg20 : memref<!tpu.dma_semaphore, #tpu.memory_space<semaphore_mem>>)
      %mul3A_1154 = arith.constant 8 : i32
      %mul3A_1155 = arith.muli %add3A_1086, %mul3A_1154 : i32
      %add3A_1156 = arith.addi %mul3A_4, %mul3A_1155 : i32
      %add3A_1157 = arith.constant 3 : i32
      %add3A_1158 = arith.addi %add3A_1156, %add3A_1157 : i32
      %dma_start3A_1159 = arith.constant 150 : i32
      %dma_start3A_1160 = arith.constant 0 : i32
      %dma_start3A_1161 = tpu.memref_slice %arg12[%dma_start3A_1159, %dma_start3A_1160] : memref<400x64xf32, #tpu.memory_space<vmem>> -> memref<50x64xf32, #tpu.memory_space<vmem>>
      %dma_start3A_1162 = arith.constant 0 : i32
      %dma_start3A_1163 = arith.constant 0 : i32
      %dma_start3A_1164 = tpu.memref_slice %arg4[%add3A_1158, %dma_start3A_1162, %dma_start3A_1163] : memref<16384x56x128xf32, #tpu.memory_space<hbm>> -> memref<1x50x64xf32, #tpu.memory_space<hbm>>
      %dma_start3A_1165 = tpu.memref_squeeze %dma_start3A_1164 : memref<1x50x64xf32, #tpu.memory_space<hbm>> -> memref<50x64xf32, #tpu.memory_space<hbm>>
      %dma_start3A_1166 = arith.constant 0 : i32
      %dma_start3A_1167 = arith.constant 0 : i32
      %dma_start3A_1168 = tpu.memref_slice %arg4[%add3A_1158, %dma_start3A_1166, %dma_start3A_1167] : memref<16384x56x128xf32, #tpu.memory_space<hbm>> -> memref<1x50x64xf32, #tpu.memory_space<hbm>>
      %dma_start3A_1169 = tpu.memref_squeeze %dma_start3A_1168 : memref<1x50x64xf32, #tpu.memory_space<hbm>> -> memref<50x64xf32, #tpu.memory_space<hbm>>
      %dma_start3A_1170 = arith.constant 150 : i32
      %dma_start3A_1171 = arith.constant 0 : i32
      %dma_start3A_1172 = tpu.memref_slice %arg12[%dma_start3A_1170, %dma_start3A_1171] : memref<400x64xf32, #tpu.memory_space<vmem>> -> memref<50x64xf32, #tpu.memory_space<vmem>>
      tpu.enqueue_dma source(%dma_start3A_1172 : memref<50x64xf32, #tpu.memory_space<vmem>>) target(%dma_start3A_1169 : memref<50x64xf32, #tpu.memory_space<hbm>>) target_semaphore(%arg20 : memref<!tpu.dma_semaphore, #tpu.memory_space<semaphore_mem>>)
      %mul3A_1173 = arith.constant 8 : i32
      %mul3A_1174 = arith.muli %add3A_1086, %mul3A_1173 : i32
      %add3A_1175 = arith.addi %mul3A_4, %mul3A_1174 : i32
      %add3A_1176 = arith.constant 4 : i32
      %add3A_1177 = arith.addi %add3A_1175, %add3A_1176 : i32
      %dma_start3A_1178 = arith.constant 200 : i32
      %dma_start3A_1179 = arith.constant 0 : i32
      %dma_start3A_1180 = tpu.memref_slice %arg12[%dma_start3A_1178, %dma_start3A_1179] : memref<400x64xf32, #tpu.memory_space<vmem>> -> memref<50x64xf32, #tpu.memory_space<vmem>>
      %dma_start3A_1181 = arith.constant 0 : i32
      %dma_start3A_1182 = arith.constant 0 : i32
      %dma_start3A_1183 = tpu.memref_slice %arg4[%add3A_1177, %dma_start3A_1181, %dma_start3A_1182] : memref<16384x56x128xf32, #tpu.memory_space<hbm>> -> memref<1x50x64xf32, #tpu.memory_space<hbm>>
      %dma_start3A_1184 = tpu.memref_squeeze %dma_start3A_1183 : memref<1x50x64xf32, #tpu.memory_space<hbm>> -> memref<50x64xf32, #tpu.memory_space<hbm>>
      %dma_start3A_1185 = arith.constant 0 : i32
      %dma_start3A_1186 = arith.constant 0 : i32
      %dma_start3A_1187 = tpu.memref_slice %arg4[%add3A_1177, %dma_start3A_1185, %dma_start3A_1186] : memref<16384x56x128xf32, #tpu.memory_space<hbm>> -> memref<1x50x64xf32, #tpu.memory_space<hbm>>
      %dma_start3A_1188 = tpu.memref_squeeze %dma_start3A_1187 : memref<1x50x64xf32, #tpu.memory_space<hbm>> -> memref<50x64xf32, #tpu.memory_space<hbm>>
      %dma_start3A_1189 = arith.constant 200 : i32
      %dma_start3A_1190 = arith.constant 0 : i32
      %dma_start3A_1191 = tpu.memref_slice %arg12[%dma_start3A_1189, %dma_start3A_1190] : memref<400x64xf32, #tpu.memory_space<vmem>> -> memref<50x64xf32, #tpu.memory_space<vmem>>
      tpu.enqueue_dma source(%dma_start3A_1191 : memref<50x64xf32, #tpu.memory_space<vmem>>) target(%dma_start3A_1188 : memref<50x64xf32, #tpu.memory_space<hbm>>) target_semaphore(%arg20 : memref<!tpu.dma_semaphore, #tpu.memory_space<semaphore_mem>>)
      %mul3A_1192 = arith.constant 8 : i32
      %mul3A_1193 = arith.muli %add3A_1086, %mul3A_1192 : i32
      %add3A_1194 = arith.addi %mul3A_4, %mul3A_1193 : i32
      %add3A_1195 = arith.constant 5 : i32
      %add3A_1196 = arith.addi %add3A_1194, %add3A_1195 : i32
      %dma_start3A_1197 = arith.constant 250 : i32
      %dma_start3A_1198 = arith.constant 0 : i32
      %dma_start3A_1199 = tpu.memref_slice %arg12[%dma_start3A_1197, %dma_start3A_1198] : memref<400x64xf32, #tpu.memory_space<vmem>> -> memref<50x64xf32, #tpu.memory_space<vmem>>
      %dma_start3A_1200 = arith.constant 0 : i32
      %dma_start3A_1201 = arith.constant 0 : i32
      %dma_start3A_1202 = tpu.memref_slice %arg4[%add3A_1196, %dma_start3A_1200, %dma_start3A_1201] : memref<16384x56x128xf32, #tpu.memory_space<hbm>> -> memref<1x50x64xf32, #tpu.memory_space<hbm>>
      %dma_start3A_1203 = tpu.memref_squeeze %dma_start3A_1202 : memref<1x50x64xf32, #tpu.memory_space<hbm>> -> memref<50x64xf32, #tpu.memory_space<hbm>>
      %dma_start3A_1204 = arith.constant 0 : i32
      %dma_start3A_1205 = arith.constant 0 : i32
      %dma_start3A_1206 = tpu.memref_slice %arg4[%add3A_1196, %dma_start3A_1204, %dma_start3A_1205] : memref<16384x56x128xf32, #tpu.memory_space<hbm>> -> memref<1x50x64xf32, #tpu.memory_space<hbm>>
      %dma_start3A_1207 = tpu.memref_squeeze %dma_start3A_1206 : memref<1x50x64xf32, #tpu.memory_space<hbm>> -> memref<50x64xf32, #tpu.memory_space<hbm>>
      %dma_start3A_1208 = arith.constant 250 : i32
      %dma_start3A_1209 = arith.constant 0 : i32
      %dma_start3A_1210 = tpu.memref_slice %arg12[%dma_start3A_1208, %dma_start3A_1209] : memref<400x64xf32, #tpu.memory_space<vmem>> -> memref<50x64xf32, #tpu.memory_space<vmem>>
      tpu.enqueue_dma source(%dma_start3A_1210 : memref<50x64xf32, #tpu.memory_space<vmem>>) target(%dma_start3A_1207 : memref<50x64xf32, #tpu.memory_space<hbm>>) target_semaphore(%arg20 : memref<!tpu.dma_semaphore, #tpu.memory_space<semaphore_mem>>)
      %mul3A_1211 = arith.constant 8 : i32
      %mul3A_1212 = arith.muli %add3A_1086, %mul3A_1211 : i32
      %add3A_1213 = arith.addi %mul3A_4, %mul3A_1212 : i32
      %add3A_1214 = arith.constant 6 : i32
      %add3A_1215 = arith.addi %add3A_1213, %add3A_1214 : i32
      %dma_start3A_1216 = arith.constant 300 : i32
      %dma_start3A_1217 = arith.constant 0 : i32
      %dma_start3A_1218 = tpu.memref_slice %arg12[%dma_start3A_1216, %dma_start3A_1217] : memref<400x64xf32, #tpu.memory_space<vmem>> -> memref<50x64xf32, #tpu.memory_space<vmem>>
      %dma_start3A_1219 = arith.constant 0 : i32
      %dma_start3A_1220 = arith.constant 0 : i32
      %dma_start3A_1221 = tpu.memref_slice %arg4[%add3A_1215, %dma_start3A_1219, %dma_start3A_1220] : memref<16384x56x128xf32, #tpu.memory_space<hbm>> -> memref<1x50x64xf32, #tpu.memory_space<hbm>>
      %dma_start3A_1222 = tpu.memref_squeeze %dma_start3A_1221 : memref<1x50x64xf32, #tpu.memory_space<hbm>> -> memref<50x64xf32, #tpu.memory_space<hbm>>
      %dma_start3A_1223 = arith.constant 0 : i32
      %dma_start3A_1224 = arith.constant 0 : i32
      %dma_start3A_1225 = tpu.memref_slice %arg4[%add3A_1215, %dma_start3A_1223, %dma_start3A_1224] : memref<16384x56x128xf32, #tpu.memory_space<hbm>> -> memref<1x50x64xf32, #tpu.memory_space<hbm>>
      %dma_start3A_1226 = tpu.memref_squeeze %dma_start3A_1225 : memref<1x50x64xf32, #tpu.memory_space<hbm>> -> memref<50x64xf32, #tpu.memory_space<hbm>>
      %dma_start3A_1227 = arith.constant 300 : i32
      %dma_start3A_1228 = arith.constant 0 : i32
      %dma_start3A_1229 = tpu.memref_slice %arg12[%dma_start3A_1227, %dma_start3A_1228] : memref<400x64xf32, #tpu.memory_space<vmem>> -> memref<50x64xf32, #tpu.memory_space<vmem>>
      tpu.enqueue_dma source(%dma_start3A_1229 : memref<50x64xf32, #tpu.memory_space<vmem>>) target(%dma_start3A_1226 : memref<50x64xf32, #tpu.memory_space<hbm>>) target_semaphore(%arg20 : memref<!tpu.dma_semaphore, #tpu.memory_space<semaphore_mem>>)
      %mul3A_1230 = arith.constant 8 : i32
      %mul3A_1231 = arith.muli %add3A_1086, %mul3A_1230 : i32
      %add3A_1232 = arith.addi %mul3A_4, %mul3A_1231 : i32
      %add3A_1233 = arith.constant 7 : i32
      %add3A_1234 = arith.addi %add3A_1232, %add3A_1233 : i32
      %dma_start3A_1235 = arith.constant 350 : i32
      %dma_start3A_1236 = arith.constant 0 : i32
      %dma_start3A_1237 = tpu.memref_slice %arg12[%dma_start3A_1235, %dma_start3A_1236] : memref<400x64xf32, #tpu.memory_space<vmem>> -> memref<50x64xf32, #tpu.memory_space<vmem>>
      %dma_start3A_1238 = arith.constant 0 : i32
      %dma_start3A_1239 = arith.constant 0 : i32
      %dma_start3A_1240 = tpu.memref_slice %arg4[%add3A_1234, %dma_start3A_1238, %dma_start3A_1239] : memref<16384x56x128xf32, #tpu.memory_space<hbm>> -> memref<1x50x64xf32, #tpu.memory_space<hbm>>
      %dma_start3A_1241 = tpu.memref_squeeze %dma_start3A_1240 : memref<1x50x64xf32, #tpu.memory_space<hbm>> -> memref<50x64xf32, #tpu.memory_space<hbm>>
      %dma_start3A_1242 = arith.constant 0 : i32
      %dma_start3A_1243 = arith.constant 0 : i32
      %dma_start3A_1244 = tpu.memref_slice %arg4[%add3A_1234, %dma_start3A_1242, %dma_start3A_1243] : memref<16384x56x128xf32, #tpu.memory_space<hbm>> -> memref<1x50x64xf32, #tpu.memory_space<hbm>>
      %dma_start3A_1245 = tpu.memref_squeeze %dma_start3A_1244 : memref<1x50x64xf32, #tpu.memory_space<hbm>> -> memref<50x64xf32, #tpu.memory_space<hbm>>
      %dma_start3A_1246 = arith.constant 350 : i32
      %dma_start3A_1247 = arith.constant 0 : i32
      %dma_start3A_1248 = tpu.memref_slice %arg12[%dma_start3A_1246, %dma_start3A_1247] : memref<400x64xf32, #tpu.memory_space<vmem>> -> memref<50x64xf32, #tpu.memory_space<vmem>>
      tpu.enqueue_dma source(%dma_start3A_1248 : memref<50x64xf32, #tpu.memory_space<vmem>>) target(%dma_start3A_1245 : memref<50x64xf32, #tpu.memory_space<hbm>>) target_semaphore(%arg20 : memref<!tpu.dma_semaphore, #tpu.memory_space<semaphore_mem>>)
    }
    %scan3A_17 = arith.constant 16 : i32
    %add3A_18 = arith.constant 480 : i32
    %add3A_19 = arith.addi %mul3A_4, %add3A_18 : i32
    %add3A_20 = arith.constant 0 : i32
    %add3A_21 = arith.addi %add3A_19, %add3A_20 : i32
    %dma_wait3A = arith.constant 0 : i32
    %dma_wait3A_22 = arith.constant 0 : i32
    %dma_wait3A_23 = tpu.memref_slice %arg9[%dma_wait3A, %dma_wait3A_22] : memref<400x64xf32, #tpu.memory_space<vmem>> -> memref<50x64xf32, #tpu.memory_space<vmem>>
    %dma_wait3A_24 = arith.constant 0 : i32
    %dma_wait3A_25 = arith.constant 0 : i32
    %dma_wait3A_26 = tpu.memref_slice %arg4[%add3A_21, %dma_wait3A_24, %dma_wait3A_25] : memref<16384x56x128xf32, #tpu.memory_space<hbm>> -> memref<1x50x64xf32, #tpu.memory_space<hbm>>
    %dma_wait3A_27 = tpu.memref_squeeze %dma_wait3A_26 : memref<1x50x64xf32, #tpu.memory_space<hbm>> -> memref<50x64xf32, #tpu.memory_space<hbm>>
    %dma_wait3A_28 = arith.constant 0 : i32
    %dma_wait3A_29 = arith.constant 0 : i32
    %dma_wait3A_30 = tpu.memref_slice %arg4[%add3A_21, %dma_wait3A_28, %dma_wait3A_29] : memref<16384x56x128xf32, #tpu.memory_space<hbm>> -> memref<1x50x64xf32, #tpu.memory_space<hbm>>
    %dma_wait3A_31 = tpu.memref_squeeze %dma_wait3A_30 : memref<1x50x64xf32, #tpu.memory_space<hbm>> -> memref<50x64xf32, #tpu.memory_space<hbm>>
    %dma_wait3A_32 = arith.constant 0 : i32
    %dma_wait3A_33 = arith.constant 0 : i32
    %dma_wait3A_34 = tpu.memref_slice %arg9[%dma_wait3A_32, %dma_wait3A_33] : memref<400x64xf32, #tpu.memory_space<vmem>> -> memref<50x64xf32, #tpu.memory_space<vmem>>
    tpu.wait_dma2 semaphore(%arg17 : memref<!tpu.dma_semaphore, #tpu.memory_space<semaphore_mem>>) src(%dma_wait3A_34 : memref<50x64xf32, #tpu.memory_space<vmem>>) dst(%dma_wait3A_31 : memref<50x64xf32, #tpu.memory_space<hbm>>)
    %add3A_35 = arith.constant 480 : i32
    %add3A_36 = arith.addi %mul3A_4, %add3A_35 : i32
    %add3A_37 = arith.constant 1 : i32
    %add3A_38 = arith.addi %add3A_36, %add3A_37 : i32
    %dma_wait3A_39 = arith.constant 50 : i32
    %dma_wait3A_40 = arith.constant 0 : i32
    %dma_wait3A_41 = tpu.memref_slice %arg9[%dma_wait3A_39, %dma_wait3A_40] : memref<400x64xf32, #tpu.memory_space<vmem>> -> memref<50x64xf32, #tpu.memory_space<vmem>>
    %dma_wait3A_42 = arith.constant 0 : i32
    %dma_wait3A_43 = arith.constant 0 : i32
    %dma_wait3A_44 = tpu.memref_slice %arg4[%add3A_38, %dma_wait3A_42, %dma_wait3A_43] : memref<16384x56x128xf32, #tpu.memory_space<hbm>> -> memref<1x50x64xf32, #tpu.memory_space<hbm>>
    %dma_wait3A_45 = tpu.memref_squeeze %dma_wait3A_44 : memref<1x50x64xf32, #tpu.memory_space<hbm>> -> memref<50x64xf32, #tpu.memory_space<hbm>>
    %dma_wait3A_46 = arith.constant 0 : i32
    %dma_wait3A_47 = arith.constant 0 : i32
    %dma_wait3A_48 = tpu.memref_slice %arg4[%add3A_38, %dma_wait3A_46, %dma_wait3A_47] : memref<16384x56x128xf32, #tpu.memory_space<hbm>> -> memref<1x50x64xf32, #tpu.memory_space<hbm>>
    %dma_wait3A_49 = tpu.memref_squeeze %dma_wait3A_48 : memref<1x50x64xf32, #tpu.memory_space<hbm>> -> memref<50x64xf32, #tpu.memory_space<hbm>>
    %dma_wait3A_50 = arith.constant 50 : i32
    %dma_wait3A_51 = arith.constant 0 : i32
    %dma_wait3A_52 = tpu.memref_slice %arg9[%dma_wait3A_50, %dma_wait3A_51] : memref<400x64xf32, #tpu.memory_space<vmem>> -> memref<50x64xf32, #tpu.memory_space<vmem>>
    tpu.wait_dma2 semaphore(%arg17 : memref<!tpu.dma_semaphore, #tpu.memory_space<semaphore_mem>>) src(%dma_wait3A_52 : memref<50x64xf32, #tpu.memory_space<vmem>>) dst(%dma_wait3A_49 : memref<50x64xf32, #tpu.memory_space<hbm>>)
    %add3A_53 = arith.constant 480 : i32
    %add3A_54 = arith.addi %mul3A_4, %add3A_53 : i32
    %add3A_55 = arith.constant 2 : i32
    %add3A_56 = arith.addi %add3A_54, %add3A_55 : i32
    %dma_wait3A_57 = arith.constant 100 : i32
    %dma_wait3A_58 = arith.constant 0 : i32
    %dma_wait3A_59 = tpu.memref_slice %arg9[%dma_wait3A_57, %dma_wait3A_58] : memref<400x64xf32, #tpu.memory_space<vmem>> -> memref<50x64xf32, #tpu.memory_space<vmem>>
    %dma_wait3A_60 = arith.constant 0 : i32
    %dma_wait3A_61 = arith.constant 0 : i32
    %dma_wait3A_62 = tpu.memref_slice %arg4[%add3A_56, %dma_wait3A_60, %dma_wait3A_61] : memref<16384x56x128xf32, #tpu.memory_space<hbm>> -> memref<1x50x64xf32, #tpu.memory_space<hbm>>
    %dma_wait3A_63 = tpu.memref_squeeze %dma_wait3A_62 : memref<1x50x64xf32, #tpu.memory_space<hbm>> -> memref<50x64xf32, #tpu.memory_space<hbm>>
    %dma_wait3A_64 = arith.constant 0 : i32
    %dma_wait3A_65 = arith.constant 0 : i32
    %dma_wait3A_66 = tpu.memref_slice %arg4[%add3A_56, %dma_wait3A_64, %dma_wait3A_65] : memref<16384x56x128xf32, #tpu.memory_space<hbm>> -> memref<1x50x64xf32, #tpu.memory_space<hbm>>
    %dma_wait3A_67 = tpu.memref_squeeze %dma_wait3A_66 : memref<1x50x64xf32, #tpu.memory_space<hbm>> -> memref<50x64xf32, #tpu.memory_space<hbm>>
    %dma_wait3A_68 = arith.constant 100 : i32
    %dma_wait3A_69 = arith.constant 0 : i32
    %dma_wait3A_70 = tpu.memref_slice %arg9[%dma_wait3A_68, %dma_wait3A_69] : memref<400x64xf32, #tpu.memory_space<vmem>> -> memref<50x64xf32, #tpu.memory_space<vmem>>
    tpu.wait_dma2 semaphore(%arg17 : memref<!tpu.dma_semaphore, #tpu.memory_space<semaphore_mem>>) src(%dma_wait3A_70 : memref<50x64xf32, #tpu.memory_space<vmem>>) dst(%dma_wait3A_67 : memref<50x64xf32, #tpu.memory_space<hbm>>)
    %add3A_71 = arith.constant 480 : i32
    %add3A_72 = arith.addi %mul3A_4, %add3A_71 : i32
    %add3A_73 = arith.constant 3 : i32
    %add3A_74 = arith.addi %add3A_72, %add3A_73 : i32
    %dma_wait3A_75 = arith.constant 150 : i32
    %dma_wait3A_76 = arith.constant 0 : i32
    %dma_wait3A_77 = tpu.memref_slice %arg9[%dma_wait3A_75, %dma_wait3A_76] : memref<400x64xf32, #tpu.memory_space<vmem>> -> memref<50x64xf32, #tpu.memory_space<vmem>>
    %dma_wait3A_78 = arith.constant 0 : i32
    %dma_wait3A_79 = arith.constant 0 : i32
    %dma_wait3A_80 = tpu.memref_slice %arg4[%add3A_74, %dma_wait3A_78, %dma_wait3A_79] : memref<16384x56x128xf32, #tpu.memory_space<hbm>> -> memref<1x50x64xf32, #tpu.memory_space<hbm>>
    %dma_wait3A_81 = tpu.memref_squeeze %dma_wait3A_80 : memref<1x50x64xf32, #tpu.memory_space<hbm>> -> memref<50x64xf32, #tpu.memory_space<hbm>>
    %dma_wait3A_82 = arith.constant 0 : i32
    %dma_wait3A_83 = arith.constant 0 : i32
    %dma_wait3A_84 = tpu.memref_slice %arg4[%add3A_74, %dma_wait3A_82, %dma_wait3A_83] : memref<16384x56x128xf32, #tpu.memory_space<hbm>> -> memref<1x50x64xf32, #tpu.memory_space<hbm>>
    %dma_wait3A_85 = tpu.memref_squeeze %dma_wait3A_84 : memref<1x50x64xf32, #tpu.memory_space<hbm>> -> memref<50x64xf32, #tpu.memory_space<hbm>>
    %dma_wait3A_86 = arith.constant 150 : i32
    %dma_wait3A_87 = arith.constant 0 : i32
    %dma_wait3A_88 = tpu.memref_slice %arg9[%dma_wait3A_86, %dma_wait3A_87] : memref<400x64xf32, #tpu.memory_space<vmem>> -> memref<50x64xf32, #tpu.memory_space<vmem>>
    tpu.wait_dma2 semaphore(%arg17 : memref<!tpu.dma_semaphore, #tpu.memory_space<semaphore_mem>>) src(%dma_wait3A_88 : memref<50x64xf32, #tpu.memory_space<vmem>>) dst(%dma_wait3A_85 : memref<50x64xf32, #tpu.memory_space<hbm>>)
    %add3A_89 = arith.constant 480 : i32
    %add3A_90 = arith.addi %mul3A_4, %add3A_89 : i32
    %add3A_91 = arith.constant 4 : i32
    %add3A_92 = arith.addi %add3A_90, %add3A_91 : i32
    %dma_wait3A_93 = arith.constant 200 : i32
    %dma_wait3A_94 = arith.constant 0 : i32
    %dma_wait3A_95 = tpu.memref_slice %arg9[%dma_wait3A_93, %dma_wait3A_94] : memref<400x64xf32, #tpu.memory_space<vmem>> -> memref<50x64xf32, #tpu.memory_space<vmem>>
    %dma_wait3A_96 = arith.constant 0 : i32
    %dma_wait3A_97 = arith.constant 0 : i32
    %dma_wait3A_98 = tpu.memref_slice %arg4[%add3A_92, %dma_wait3A_96, %dma_wait3A_97] : memref<16384x56x128xf32, #tpu.memory_space<hbm>> -> memref<1x50x64xf32, #tpu.memory_space<hbm>>
    %dma_wait3A_99 = tpu.memref_squeeze %dma_wait3A_98 : memref<1x50x64xf32, #tpu.memory_space<hbm>> -> memref<50x64xf32, #tpu.memory_space<hbm>>
    %dma_wait3A_100 = arith.constant 0 : i32
    %dma_wait3A_101 = arith.constant 0 : i32
    %dma_wait3A_102 = tpu.memref_slice %arg4[%add3A_92, %dma_wait3A_100, %dma_wait3A_101] : memref<16384x56x128xf32, #tpu.memory_space<hbm>> -> memref<1x50x64xf32, #tpu.memory_space<hbm>>
    %dma_wait3A_103 = tpu.memref_squeeze %dma_wait3A_102 : memref<1x50x64xf32, #tpu.memory_space<hbm>> -> memref<50x64xf32, #tpu.memory_space<hbm>>
    %dma_wait3A_104 = arith.constant 200 : i32
    %dma_wait3A_105 = arith.constant 0 : i32
    %dma_wait3A_106 = tpu.memref_slice %arg9[%dma_wait3A_104, %dma_wait3A_105] : memref<400x64xf32, #tpu.memory_space<vmem>> -> memref<50x64xf32, #tpu.memory_space<vmem>>
    tpu.wait_dma2 semaphore(%arg17 : memref<!tpu.dma_semaphore, #tpu.memory_space<semaphore_mem>>) src(%dma_wait3A_106 : memref<50x64xf32, #tpu.memory_space<vmem>>) dst(%dma_wait3A_103 : memref<50x64xf32, #tpu.memory_space<hbm>>)
    %add3A_107 = arith.constant 480 : i32
    %add3A_108 = arith.addi %mul3A_4, %add3A_107 : i32
    %add3A_109 = arith.constant 5 : i32
    %add3A_110 = arith.addi %add3A_108, %add3A_109 : i32
    %dma_wait3A_111 = arith.constant 250 : i32
    %dma_wait3A_112 = arith.constant 0 : i32
    %dma_wait3A_113 = tpu.memref_slice %arg9[%dma_wait3A_111, %dma_wait3A_112] : memref<400x64xf32, #tpu.memory_space<vmem>> -> memref<50x64xf32, #tpu.memory_space<vmem>>
    %dma_wait3A_114 = arith.constant 0 : i32
    %dma_wait3A_115 = arith.constant 0 : i32
    %dma_wait3A_116 = tpu.memref_slice %arg4[%add3A_110, %dma_wait3A_114, %dma_wait3A_115] : memref<16384x56x128xf32, #tpu.memory_space<hbm>> -> memref<1x50x64xf32, #tpu.memory_space<hbm>>
    %dma_wait3A_117 = tpu.memref_squeeze %dma_wait3A_116 : memref<1x50x64xf32, #tpu.memory_space<hbm>> -> memref<50x64xf32, #tpu.memory_space<hbm>>
    %dma_wait3A_118 = arith.constant 0 : i32
    %dma_wait3A_119 = arith.constant 0 : i32
    %dma_wait3A_120 = tpu.memref_slice %arg4[%add3A_110, %dma_wait3A_118, %dma_wait3A_119] : memref<16384x56x128xf32, #tpu.memory_space<hbm>> -> memref<1x50x64xf32, #tpu.memory_space<hbm>>
    %dma_wait3A_121 = tpu.memref_squeeze %dma_wait3A_120 : memref<1x50x64xf32, #tpu.memory_space<hbm>> -> memref<50x64xf32, #tpu.memory_space<hbm>>
    %dma_wait3A_122 = arith.constant 250 : i32
    %dma_wait3A_123 = arith.constant 0 : i32
    %dma_wait3A_124 = tpu.memref_slice %arg9[%dma_wait3A_122, %dma_wait3A_123] : memref<400x64xf32, #tpu.memory_space<vmem>> -> memref<50x64xf32, #tpu.memory_space<vmem>>
    tpu.wait_dma2 semaphore(%arg17 : memref<!tpu.dma_semaphore, #tpu.memory_space<semaphore_mem>>) src(%dma_wait3A_124 : memref<50x64xf32, #tpu.memory_space<vmem>>) dst(%dma_wait3A_121 : memref<50x64xf32, #tpu.memory_space<hbm>>)
    %add3A_125 = arith.constant 480 : i32
    %add3A_126 = arith.addi %mul3A_4, %add3A_125 : i32
    %add3A_127 = arith.constant 6 : i32
    %add3A_128 = arith.addi %add3A_126, %add3A_127 : i32
    %dma_wait3A_129 = arith.constant 300 : i32
    %dma_wait3A_130 = arith.constant 0 : i32
    %dma_wait3A_131 = tpu.memref_slice %arg9[%dma_wait3A_129, %dma_wait3A_130] : memref<400x64xf32, #tpu.memory_space<vmem>> -> memref<50x64xf32, #tpu.memory_space<vmem>>
    %dma_wait3A_132 = arith.constant 0 : i32
    %dma_wait3A_133 = arith.constant 0 : i32
    %dma_wait3A_134 = tpu.memref_slice %arg4[%add3A_128, %dma_wait3A_132, %dma_wait3A_133] : memref<16384x56x128xf32, #tpu.memory_space<hbm>> -> memref<1x50x64xf32, #tpu.memory_space<hbm>>
    %dma_wait3A_135 = tpu.memref_squeeze %dma_wait3A_134 : memref<1x50x64xf32, #tpu.memory_space<hbm>> -> memref<50x64xf32, #tpu.memory_space<hbm>>
    %dma_wait3A_136 = arith.constant 0 : i32
    %dma_wait3A_137 = arith.constant 0 : i32
    %dma_wait3A_138 = tpu.memref_slice %arg4[%add3A_128, %dma_wait3A_136, %dma_wait3A_137] : memref<16384x56x128xf32, #tpu.memory_space<hbm>> -> memref<1x50x64xf32, #tpu.memory_space<hbm>>
    %dma_wait3A_139 = tpu.memref_squeeze %dma_wait3A_138 : memref<1x50x64xf32, #tpu.memory_space<hbm>> -> memref<50x64xf32, #tpu.memory_space<hbm>>
    %dma_wait3A_140 = arith.constant 300 : i32
    %dma_wait3A_141 = arith.constant 0 : i32
    %dma_wait3A_142 = tpu.memref_slice %arg9[%dma_wait3A_140, %dma_wait3A_141] : memref<400x64xf32, #tpu.memory_space<vmem>> -> memref<50x64xf32, #tpu.memory_space<vmem>>
    tpu.wait_dma2 semaphore(%arg17 : memref<!tpu.dma_semaphore, #tpu.memory_space<semaphore_mem>>) src(%dma_wait3A_142 : memref<50x64xf32, #tpu.memory_space<vmem>>) dst(%dma_wait3A_139 : memref<50x64xf32, #tpu.memory_space<hbm>>)
    %add3A_143 = arith.constant 480 : i32
    %add3A_144 = arith.addi %mul3A_4, %add3A_143 : i32
    %add3A_145 = arith.constant 7 : i32
    %add3A_146 = arith.addi %add3A_144, %add3A_145 : i32
    %dma_wait3A_147 = arith.constant 350 : i32
    %dma_wait3A_148 = arith.constant 0 : i32
    %dma_wait3A_149 = tpu.memref_slice %arg9[%dma_wait3A_147, %dma_wait3A_148] : memref<400x64xf32, #tpu.memory_space<vmem>> -> memref<50x64xf32, #tpu.memory_space<vmem>>
    %dma_wait3A_150 = arith.constant 0 : i32
    %dma_wait3A_151 = arith.constant 0 : i32
    %dma_wait3A_152 = tpu.memref_slice %arg4[%add3A_146, %dma_wait3A_150, %dma_wait3A_151] : memref<16384x56x128xf32, #tpu.memory_space<hbm>> -> memref<1x50x64xf32, #tpu.memory_space<hbm>>
    %dma_wait3A_153 = tpu.memref_squeeze %dma_wait3A_152 : memref<1x50x64xf32, #tpu.memory_space<hbm>> -> memref<50x64xf32, #tpu.memory_space<hbm>>
    %dma_wait3A_154 = arith.constant 0 : i32
    %dma_wait3A_155 = arith.constant 0 : i32
    %dma_wait3A_156 = tpu.memref_slice %arg4[%add3A_146, %dma_wait3A_154, %dma_wait3A_155] : memref<16384x56x128xf32, #tpu.memory_space<hbm>> -> memref<1x50x64xf32, #tpu.memory_space<hbm>>
    %dma_wait3A_157 = tpu.memref_squeeze %dma_wait3A_156 : memref<1x50x64xf32, #tpu.memory_space<hbm>> -> memref<50x64xf32, #tpu.memory_space<hbm>>
    %dma_wait3A_158 = arith.constant 350 : i32
    %dma_wait3A_159 = arith.constant 0 : i32
    %dma_wait3A_160 = tpu.memref_slice %arg9[%dma_wait3A_158, %dma_wait3A_159] : memref<400x64xf32, #tpu.memory_space<vmem>> -> memref<50x64xf32, #tpu.memory_space<vmem>>
    tpu.wait_dma2 semaphore(%arg17 : memref<!tpu.dma_semaphore, #tpu.memory_space<semaphore_mem>>) src(%dma_wait3A_160 : memref<50x64xf32, #tpu.memory_space<vmem>>) dst(%dma_wait3A_157 : memref<50x64xf32, #tpu.memory_space<hbm>>)
    %add3A_161 = arith.constant 488 : i32
    %add3A_162 = arith.addi %mul3A_4, %add3A_161 : i32
    %add3A_163 = arith.constant 0 : i32
    %add3A_164 = arith.addi %add3A_162, %add3A_163 : i32
    %dma_wait3A_165 = arith.constant 0 : i32
    %dma_wait3A_166 = arith.constant 0 : i32
    %dma_wait3A_167 = tpu.memref_slice %arg10[%dma_wait3A_165, %dma_wait3A_166] : memref<400x64xf32, #tpu.memory_space<vmem>> -> memref<50x64xf32, #tpu.memory_space<vmem>>
    %dma_wait3A_168 = arith.constant 0 : i32
    %dma_wait3A_169 = arith.constant 0 : i32
    %dma_wait3A_170 = tpu.memref_slice %arg4[%add3A_164, %dma_wait3A_168, %dma_wait3A_169] : memref<16384x56x128xf32, #tpu.memory_space<hbm>> -> memref<1x50x64xf32, #tpu.memory_space<hbm>>
    %dma_wait3A_171 = tpu.memref_squeeze %dma_wait3A_170 : memref<1x50x64xf32, #tpu.memory_space<hbm>> -> memref<50x64xf32, #tpu.memory_space<hbm>>
    %dma_wait3A_172 = arith.constant 0 : i32
    %dma_wait3A_173 = arith.constant 0 : i32
    %dma_wait3A_174 = tpu.memref_slice %arg4[%add3A_164, %dma_wait3A_172, %dma_wait3A_173] : memref<16384x56x128xf32, #tpu.memory_space<hbm>> -> memref<1x50x64xf32, #tpu.memory_space<hbm>>
    %dma_wait3A_175 = tpu.memref_squeeze %dma_wait3A_174 : memref<1x50x64xf32, #tpu.memory_space<hbm>> -> memref<50x64xf32, #tpu.memory_space<hbm>>
    %dma_wait3A_176 = arith.constant 0 : i32
    %dma_wait3A_177 = arith.constant 0 : i32
    %dma_wait3A_178 = tpu.memref_slice %arg10[%dma_wait3A_176, %dma_wait3A_177] : memref<400x64xf32, #tpu.memory_space<vmem>> -> memref<50x64xf32, #tpu.memory_space<vmem>>
    tpu.wait_dma2 semaphore(%arg18 : memref<!tpu.dma_semaphore, #tpu.memory_space<semaphore_mem>>) src(%dma_wait3A_178 : memref<50x64xf32, #tpu.memory_space<vmem>>) dst(%dma_wait3A_175 : memref<50x64xf32, #tpu.memory_space<hbm>>)
    %add3A_179 = arith.constant 488 : i32
    %add3A_180 = arith.addi %mul3A_4, %add3A_179 : i32
    %add3A_181 = arith.constant 1 : i32
    %add3A_182 = arith.addi %add3A_180, %add3A_181 : i32
    %dma_wait3A_183 = arith.constant 50 : i32
    %dma_wait3A_184 = arith.constant 0 : i32
    %dma_wait3A_185 = tpu.memref_slice %arg10[%dma_wait3A_183, %dma_wait3A_184] : memref<400x64xf32, #tpu.memory_space<vmem>> -> memref<50x64xf32, #tpu.memory_space<vmem>>
    %dma_wait3A_186 = arith.constant 0 : i32
    %dma_wait3A_187 = arith.constant 0 : i32
    %dma_wait3A_188 = tpu.memref_slice %arg4[%add3A_182, %dma_wait3A_186, %dma_wait3A_187] : memref<16384x56x128xf32, #tpu.memory_space<hbm>> -> memref<1x50x64xf32, #tpu.memory_space<hbm>>
    %dma_wait3A_189 = tpu.memref_squeeze %dma_wait3A_188 : memref<1x50x64xf32, #tpu.memory_space<hbm>> -> memref<50x64xf32, #tpu.memory_space<hbm>>
    %dma_wait3A_190 = arith.constant 0 : i32
    %dma_wait3A_191 = arith.constant 0 : i32
    %dma_wait3A_192 = tpu.memref_slice %arg4[%add3A_182, %dma_wait3A_190, %dma_wait3A_191] : memref<16384x56x128xf32, #tpu.memory_space<hbm>> -> memref<1x50x64xf32, #tpu.memory_space<hbm>>
    %dma_wait3A_193 = tpu.memref_squeeze %dma_wait3A_192 : memref<1x50x64xf32, #tpu.memory_space<hbm>> -> memref<50x64xf32, #tpu.memory_space<hbm>>
    %dma_wait3A_194 = arith.constant 50 : i32
    %dma_wait3A_195 = arith.constant 0 : i32
    %dma_wait3A_196 = tpu.memref_slice %arg10[%dma_wait3A_194, %dma_wait3A_195] : memref<400x64xf32, #tpu.memory_space<vmem>> -> memref<50x64xf32, #tpu.memory_space<vmem>>
    tpu.wait_dma2 semaphore(%arg18 : memref<!tpu.dma_semaphore, #tpu.memory_space<semaphore_mem>>) src(%dma_wait3A_196 : memref<50x64xf32, #tpu.memory_space<vmem>>) dst(%dma_wait3A_193 : memref<50x64xf32, #tpu.memory_space<hbm>>)
    %add3A_197 = arith.constant 488 : i32
    %add3A_198 = arith.addi %mul3A_4, %add3A_197 : i32
    %add3A_199 = arith.constant 2 : i32
    %add3A_200 = arith.addi %add3A_198, %add3A_199 : i32
    %dma_wait3A_201 = arith.constant 100 : i32
    %dma_wait3A_202 = arith.constant 0 : i32
    %dma_wait3A_203 = tpu.memref_slice %arg10[%dma_wait3A_201, %dma_wait3A_202] : memref<400x64xf32, #tpu.memory_space<vmem>> -> memref<50x64xf32, #tpu.memory_space<vmem>>
    %dma_wait3A_204 = arith.constant 0 : i32
    %dma_wait3A_205 = arith.constant 0 : i32
    %dma_wait3A_206 = tpu.memref_slice %arg4[%add3A_200, %dma_wait3A_204, %dma_wait3A_205] : memref<16384x56x128xf32, #tpu.memory_space<hbm>> -> memref<1x50x64xf32, #tpu.memory_space<hbm>>
    %dma_wait3A_207 = tpu.memref_squeeze %dma_wait3A_206 : memref<1x50x64xf32, #tpu.memory_space<hbm>> -> memref<50x64xf32, #tpu.memory_space<hbm>>
    %dma_wait3A_208 = arith.constant 0 : i32
    %dma_wait3A_209 = arith.constant 0 : i32
    %dma_wait3A_210 = tpu.memref_slice %arg4[%add3A_200, %dma_wait3A_208, %dma_wait3A_209] : memref<16384x56x128xf32, #tpu.memory_space<hbm>> -> memref<1x50x64xf32, #tpu.memory_space<hbm>>
    %dma_wait3A_211 = tpu.memref_squeeze %dma_wait3A_210 : memref<1x50x64xf32, #tpu.memory_space<hbm>> -> memref<50x64xf32, #tpu.memory_space<hbm>>
    %dma_wait3A_212 = arith.constant 100 : i32
    %dma_wait3A_213 = arith.constant 0 : i32
    %dma_wait3A_214 = tpu.memref_slice %arg10[%dma_wait3A_212, %dma_wait3A_213] : memref<400x64xf32, #tpu.memory_space<vmem>> -> memref<50x64xf32, #tpu.memory_space<vmem>>
    tpu.wait_dma2 semaphore(%arg18 : memref<!tpu.dma_semaphore, #tpu.memory_space<semaphore_mem>>) src(%dma_wait3A_214 : memref<50x64xf32, #tpu.memory_space<vmem>>) dst(%dma_wait3A_211 : memref<50x64xf32, #tpu.memory_space<hbm>>)
    %add3A_215 = arith.constant 488 : i32
    %add3A_216 = arith.addi %mul3A_4, %add3A_215 : i32
    %add3A_217 = arith.constant 3 : i32
    %add3A_218 = arith.addi %add3A_216, %add3A_217 : i32
    %dma_wait3A_219 = arith.constant 150 : i32
    %dma_wait3A_220 = arith.constant 0 : i32
    %dma_wait3A_221 = tpu.memref_slice %arg10[%dma_wait3A_219, %dma_wait3A_220] : memref<400x64xf32, #tpu.memory_space<vmem>> -> memref<50x64xf32, #tpu.memory_space<vmem>>
    %dma_wait3A_222 = arith.constant 0 : i32
    %dma_wait3A_223 = arith.constant 0 : i32
    %dma_wait3A_224 = tpu.memref_slice %arg4[%add3A_218, %dma_wait3A_222, %dma_wait3A_223] : memref<16384x56x128xf32, #tpu.memory_space<hbm>> -> memref<1x50x64xf32, #tpu.memory_space<hbm>>
    %dma_wait3A_225 = tpu.memref_squeeze %dma_wait3A_224 : memref<1x50x64xf32, #tpu.memory_space<hbm>> -> memref<50x64xf32, #tpu.memory_space<hbm>>
    %dma_wait3A_226 = arith.constant 0 : i32
    %dma_wait3A_227 = arith.constant 0 : i32
    %dma_wait3A_228 = tpu.memref_slice %arg4[%add3A_218, %dma_wait3A_226, %dma_wait3A_227] : memref<16384x56x128xf32, #tpu.memory_space<hbm>> -> memref<1x50x64xf32, #tpu.memory_space<hbm>>
    %dma_wait3A_229 = tpu.memref_squeeze %dma_wait3A_228 : memref<1x50x64xf32, #tpu.memory_space<hbm>> -> memref<50x64xf32, #tpu.memory_space<hbm>>
    %dma_wait3A_230 = arith.constant 150 : i32
    %dma_wait3A_231 = arith.constant 0 : i32
    %dma_wait3A_232 = tpu.memref_slice %arg10[%dma_wait3A_230, %dma_wait3A_231] : memref<400x64xf32, #tpu.memory_space<vmem>> -> memref<50x64xf32, #tpu.memory_space<vmem>>
    tpu.wait_dma2 semaphore(%arg18 : memref<!tpu.dma_semaphore, #tpu.memory_space<semaphore_mem>>) src(%dma_wait3A_232 : memref<50x64xf32, #tpu.memory_space<vmem>>) dst(%dma_wait3A_229 : memref<50x64xf32, #tpu.memory_space<hbm>>)
    %add3A_233 = arith.constant 488 : i32
    %add3A_234 = arith.addi %mul3A_4, %add3A_233 : i32
    %add3A_235 = arith.constant 4 : i32
    %add3A_236 = arith.addi %add3A_234, %add3A_235 : i32
    %dma_wait3A_237 = arith.constant 200 : i32
    %dma_wait3A_238 = arith.constant 0 : i32
    %dma_wait3A_239 = tpu.memref_slice %arg10[%dma_wait3A_237, %dma_wait3A_238] : memref<400x64xf32, #tpu.memory_space<vmem>> -> memref<50x64xf32, #tpu.memory_space<vmem>>
    %dma_wait3A_240 = arith.constant 0 : i32
    %dma_wait3A_241 = arith.constant 0 : i32
    %dma_wait3A_242 = tpu.memref_slice %arg4[%add3A_236, %dma_wait3A_240, %dma_wait3A_241] : memref<16384x56x128xf32, #tpu.memory_space<hbm>> -> memref<1x50x64xf32, #tpu.memory_space<hbm>>
    %dma_wait3A_243 = tpu.memref_squeeze %dma_wait3A_242 : memref<1x50x64xf32, #tpu.memory_space<hbm>> -> memref<50x64xf32, #tpu.memory_space<hbm>>
    %dma_wait3A_244 = arith.constant 0 : i32
    %dma_wait3A_245 = arith.constant 0 : i32
    %dma_wait3A_246 = tpu.memref_slice %arg4[%add3A_236, %dma_wait3A_244, %dma_wait3A_245] : memref<16384x56x128xf32, #tpu.memory_space<hbm>> -> memref<1x50x64xf32, #tpu.memory_space<hbm>>
    %dma_wait3A_247 = tpu.memref_squeeze %dma_wait3A_246 : memref<1x50x64xf32, #tpu.memory_space<hbm>> -> memref<50x64xf32, #tpu.memory_space<hbm>>
    %dma_wait3A_248 = arith.constant 200 : i32
    %dma_wait3A_249 = arith.constant 0 : i32
    %dma_wait3A_250 = tpu.memref_slice %arg10[%dma_wait3A_248, %dma_wait3A_249] : memref<400x64xf32, #tpu.memory_space<vmem>> -> memref<50x64xf32, #tpu.memory_space<vmem>>
    tpu.wait_dma2 semaphore(%arg18 : memref<!tpu.dma_semaphore, #tpu.memory_space<semaphore_mem>>) src(%dma_wait3A_250 : memref<50x64xf32, #tpu.memory_space<vmem>>) dst(%dma_wait3A_247 : memref<50x64xf32, #tpu.memory_space<hbm>>)
    %add3A_251 = arith.constant 488 : i32
    %add3A_252 = arith.addi %mul3A_4, %add3A_251 : i32
    %add3A_253 = arith.constant 5 : i32
    %add3A_254 = arith.addi %add3A_252, %add3A_253 : i32
    %dma_wait3A_255 = arith.constant 250 : i32
    %dma_wait3A_256 = arith.constant 0 : i32
    %dma_wait3A_257 = tpu.memref_slice %arg10[%dma_wait3A_255, %dma_wait3A_256] : memref<400x64xf32, #tpu.memory_space<vmem>> -> memref<50x64xf32, #tpu.memory_space<vmem>>
    %dma_wait3A_258 = arith.constant 0 : i32
    %dma_wait3A_259 = arith.constant 0 : i32
    %dma_wait3A_260 = tpu.memref_slice %arg4[%add3A_254, %dma_wait3A_258, %dma_wait3A_259] : memref<16384x56x128xf32, #tpu.memory_space<hbm>> -> memref<1x50x64xf32, #tpu.memory_space<hbm>>
    %dma_wait3A_261 = tpu.memref_squeeze %dma_wait3A_260 : memref<1x50x64xf32, #tpu.memory_space<hbm>> -> memref<50x64xf32, #tpu.memory_space<hbm>>
    %dma_wait3A_262 = arith.constant 0 : i32
    %dma_wait3A_263 = arith.constant 0 : i32
    %dma_wait3A_264 = tpu.memref_slice %arg4[%add3A_254, %dma_wait3A_262, %dma_wait3A_263] : memref<16384x56x128xf32, #tpu.memory_space<hbm>> -> memref<1x50x64xf32, #tpu.memory_space<hbm>>
    %dma_wait3A_265 = tpu.memref_squeeze %dma_wait3A_264 : memref<1x50x64xf32, #tpu.memory_space<hbm>> -> memref<50x64xf32, #tpu.memory_space<hbm>>
    %dma_wait3A_266 = arith.constant 250 : i32
    %dma_wait3A_267 = arith.constant 0 : i32
    %dma_wait3A_268 = tpu.memref_slice %arg10[%dma_wait3A_266, %dma_wait3A_267] : memref<400x64xf32, #tpu.memory_space<vmem>> -> memref<50x64xf32, #tpu.memory_space<vmem>>
    tpu.wait_dma2 semaphore(%arg18 : memref<!tpu.dma_semaphore, #tpu.memory_space<semaphore_mem>>) src(%dma_wait3A_268 : memref<50x64xf32, #tpu.memory_space<vmem>>) dst(%dma_wait3A_265 : memref<50x64xf32, #tpu.memory_space<hbm>>)
    %add3A_269 = arith.constant 488 : i32
    %add3A_270 = arith.addi %mul3A_4, %add3A_269 : i32
    %add3A_271 = arith.constant 6 : i32
    %add3A_272 = arith.addi %add3A_270, %add3A_271 : i32
    %dma_wait3A_273 = arith.constant 300 : i32
    %dma_wait3A_274 = arith.constant 0 : i32
    %dma_wait3A_275 = tpu.memref_slice %arg10[%dma_wait3A_273, %dma_wait3A_274] : memref<400x64xf32, #tpu.memory_space<vmem>> -> memref<50x64xf32, #tpu.memory_space<vmem>>
    %dma_wait3A_276 = arith.constant 0 : i32
    %dma_wait3A_277 = arith.constant 0 : i32
    %dma_wait3A_278 = tpu.memref_slice %arg4[%add3A_272, %dma_wait3A_276, %dma_wait3A_277] : memref<16384x56x128xf32, #tpu.memory_space<hbm>> -> memref<1x50x64xf32, #tpu.memory_space<hbm>>
    %dma_wait3A_279 = tpu.memref_squeeze %dma_wait3A_278 : memref<1x50x64xf32, #tpu.memory_space<hbm>> -> memref<50x64xf32, #tpu.memory_space<hbm>>
    %dma_wait3A_280 = arith.constant 0 : i32
    %dma_wait3A_281 = arith.constant 0 : i32
    %dma_wait3A_282 = tpu.memref_slice %arg4[%add3A_272, %dma_wait3A_280, %dma_wait3A_281] : memref<16384x56x128xf32, #tpu.memory_space<hbm>> -> memref<1x50x64xf32, #tpu.memory_space<hbm>>
    %dma_wait3A_283 = tpu.memref_squeeze %dma_wait3A_282 : memref<1x50x64xf32, #tpu.memory_space<hbm>> -> memref<50x64xf32, #tpu.memory_space<hbm>>
    %dma_wait3A_284 = arith.constant 300 : i32
    %dma_wait3A_285 = arith.constant 0 : i32
    %dma_wait3A_286 = tpu.memref_slice %arg10[%dma_wait3A_284, %dma_wait3A_285] : memref<400x64xf32, #tpu.memory_space<vmem>> -> memref<50x64xf32, #tpu.memory_space<vmem>>
    tpu.wait_dma2 semaphore(%arg18 : memref<!tpu.dma_semaphore, #tpu.memory_space<semaphore_mem>>) src(%dma_wait3A_286 : memref<50x64xf32, #tpu.memory_space<vmem>>) dst(%dma_wait3A_283 : memref<50x64xf32, #tpu.memory_space<hbm>>)
    %add3A_287 = arith.constant 488 : i32
    %add3A_288 = arith.addi %mul3A_4, %add3A_287 : i32
    %add3A_289 = arith.constant 7 : i32
    %add3A_290 = arith.addi %add3A_288, %add3A_289 : i32
    %dma_wait3A_291 = arith.constant 350 : i32
    %dma_wait3A_292 = arith.constant 0 : i32
    %dma_wait3A_293 = tpu.memref_slice %arg10[%dma_wait3A_291, %dma_wait3A_292] : memref<400x64xf32, #tpu.memory_space<vmem>> -> memref<50x64xf32, #tpu.memory_space<vmem>>
    %dma_wait3A_294 = arith.constant 0 : i32
    %dma_wait3A_295 = arith.constant 0 : i32
    %dma_wait3A_296 = tpu.memref_slice %arg4[%add3A_290, %dma_wait3A_294, %dma_wait3A_295] : memref<16384x56x128xf32, #tpu.memory_space<hbm>> -> memref<1x50x64xf32, #tpu.memory_space<hbm>>
    %dma_wait3A_297 = tpu.memref_squeeze %dma_wait3A_296 : memref<1x50x64xf32, #tpu.memory_space<hbm>> -> memref<50x64xf32, #tpu.memory_space<hbm>>
    %dma_wait3A_298 = arith.constant 0 : i32
    %dma_wait3A_299 = arith.constant 0 : i32
    %dma_wait3A_300 = tpu.memref_slice %arg4[%add3A_290, %dma_wait3A_298, %dma_wait3A_299] : memref<16384x56x128xf32, #tpu.memory_space<hbm>> -> memref<1x50x64xf32, #tpu.memory_space<hbm>>
    %dma_wait3A_301 = tpu.memref_squeeze %dma_wait3A_300 : memref<1x50x64xf32, #tpu.memory_space<hbm>> -> memref<50x64xf32, #tpu.memory_space<hbm>>
    %dma_wait3A_302 = arith.constant 350 : i32
    %dma_wait3A_303 = arith.constant 0 : i32
    %dma_wait3A_304 = tpu.memref_slice %arg10[%dma_wait3A_302, %dma_wait3A_303] : memref<400x64xf32, #tpu.memory_space<vmem>> -> memref<50x64xf32, #tpu.memory_space<vmem>>
    tpu.wait_dma2 semaphore(%arg18 : memref<!tpu.dma_semaphore, #tpu.memory_space<semaphore_mem>>) src(%dma_wait3A_304 : memref<50x64xf32, #tpu.memory_space<vmem>>) dst(%dma_wait3A_301 : memref<50x64xf32, #tpu.memory_space<hbm>>)
    %add3A_305 = arith.constant 496 : i32
    %add3A_306 = arith.addi %mul3A_4, %add3A_305 : i32
    %add3A_307 = arith.constant 0 : i32
    %add3A_308 = arith.addi %add3A_306, %add3A_307 : i32
    %dma_wait3A_309 = arith.constant 0 : i32
    %dma_wait3A_310 = arith.constant 0 : i32
    %dma_wait3A_311 = tpu.memref_slice %arg11[%dma_wait3A_309, %dma_wait3A_310] : memref<400x64xf32, #tpu.memory_space<vmem>> -> memref<50x64xf32, #tpu.memory_space<vmem>>
    %dma_wait3A_312 = arith.constant 0 : i32
    %dma_wait3A_313 = arith.constant 0 : i32
    %dma_wait3A_314 = tpu.memref_slice %arg4[%add3A_308, %dma_wait3A_312, %dma_wait3A_313] : memref<16384x56x128xf32, #tpu.memory_space<hbm>> -> memref<1x50x64xf32, #tpu.memory_space<hbm>>
    %dma_wait3A_315 = tpu.memref_squeeze %dma_wait3A_314 : memref<1x50x64xf32, #tpu.memory_space<hbm>> -> memref<50x64xf32, #tpu.memory_space<hbm>>
    %dma_wait3A_316 = arith.constant 0 : i32
    %dma_wait3A_317 = arith.constant 0 : i32
    %dma_wait3A_318 = tpu.memref_slice %arg4[%add3A_308, %dma_wait3A_316, %dma_wait3A_317] : memref<16384x56x128xf32, #tpu.memory_space<hbm>> -> memref<1x50x64xf32, #tpu.memory_space<hbm>>
    %dma_wait3A_319 = tpu.memref_squeeze %dma_wait3A_318 : memref<1x50x64xf32, #tpu.memory_space<hbm>> -> memref<50x64xf32, #tpu.memory_space<hbm>>
    %dma_wait3A_320 = arith.constant 0 : i32
    %dma_wait3A_321 = arith.constant 0 : i32
    %dma_wait3A_322 = tpu.memref_slice %arg11[%dma_wait3A_320, %dma_wait3A_321] : memref<400x64xf32, #tpu.memory_space<vmem>> -> memref<50x64xf32, #tpu.memory_space<vmem>>
    tpu.wait_dma2 semaphore(%arg19 : memref<!tpu.dma_semaphore, #tpu.memory_space<semaphore_mem>>) src(%dma_wait3A_322 : memref<50x64xf32, #tpu.memory_space<vmem>>) dst(%dma_wait3A_319 : memref<50x64xf32, #tpu.memory_space<hbm>>)
    %add3A_323 = arith.constant 496 : i32
    %add3A_324 = arith.addi %mul3A_4, %add3A_323 : i32
    %add3A_325 = arith.constant 1 : i32
    %add3A_326 = arith.addi %add3A_324, %add3A_325 : i32
    %dma_wait3A_327 = arith.constant 50 : i32
    %dma_wait3A_328 = arith.constant 0 : i32
    %dma_wait3A_329 = tpu.memref_slice %arg11[%dma_wait3A_327, %dma_wait3A_328] : memref<400x64xf32, #tpu.memory_space<vmem>> -> memref<50x64xf32, #tpu.memory_space<vmem>>
    %dma_wait3A_330 = arith.constant 0 : i32
    %dma_wait3A_331 = arith.constant 0 : i32
    %dma_wait3A_332 = tpu.memref_slice %arg4[%add3A_326, %dma_wait3A_330, %dma_wait3A_331] : memref<16384x56x128xf32, #tpu.memory_space<hbm>> -> memref<1x50x64xf32, #tpu.memory_space<hbm>>
    %dma_wait3A_333 = tpu.memref_squeeze %dma_wait3A_332 : memref<1x50x64xf32, #tpu.memory_space<hbm>> -> memref<50x64xf32, #tpu.memory_space<hbm>>
    %dma_wait3A_334 = arith.constant 0 : i32
    %dma_wait3A_335 = arith.constant 0 : i32
    %dma_wait3A_336 = tpu.memref_slice %arg4[%add3A_326, %dma_wait3A_334, %dma_wait3A_335] : memref<16384x56x128xf32, #tpu.memory_space<hbm>> -> memref<1x50x64xf32, #tpu.memory_space<hbm>>
    %dma_wait3A_337 = tpu.memref_squeeze %dma_wait3A_336 : memref<1x50x64xf32, #tpu.memory_space<hbm>> -> memref<50x64xf32, #tpu.memory_space<hbm>>
    %dma_wait3A_338 = arith.constant 50 : i32
    %dma_wait3A_339 = arith.constant 0 : i32
    %dma_wait3A_340 = tpu.memref_slice %arg11[%dma_wait3A_338, %dma_wait3A_339] : memref<400x64xf32, #tpu.memory_space<vmem>> -> memref<50x64xf32, #tpu.memory_space<vmem>>
    tpu.wait_dma2 semaphore(%arg19 : memref<!tpu.dma_semaphore, #tpu.memory_space<semaphore_mem>>) src(%dma_wait3A_340 : memref<50x64xf32, #tpu.memory_space<vmem>>) dst(%dma_wait3A_337 : memref<50x64xf32, #tpu.memory_space<hbm>>)
    %add3A_341 = arith.constant 496 : i32
    %add3A_342 = arith.addi %mul3A_4, %add3A_341 : i32
    %add3A_343 = arith.constant 2 : i32
    %add3A_344 = arith.addi %add3A_342, %add3A_343 : i32
    %dma_wait3A_345 = arith.constant 100 : i32
    %dma_wait3A_346 = arith.constant 0 : i32
    %dma_wait3A_347 = tpu.memref_slice %arg11[%dma_wait3A_345, %dma_wait3A_346] : memref<400x64xf32, #tpu.memory_space<vmem>> -> memref<50x64xf32, #tpu.memory_space<vmem>>
    %dma_wait3A_348 = arith.constant 0 : i32
    %dma_wait3A_349 = arith.constant 0 : i32
    %dma_wait3A_350 = tpu.memref_slice %arg4[%add3A_344, %dma_wait3A_348, %dma_wait3A_349] : memref<16384x56x128xf32, #tpu.memory_space<hbm>> -> memref<1x50x64xf32, #tpu.memory_space<hbm>>
    %dma_wait3A_351 = tpu.memref_squeeze %dma_wait3A_350 : memref<1x50x64xf32, #tpu.memory_space<hbm>> -> memref<50x64xf32, #tpu.memory_space<hbm>>
    %dma_wait3A_352 = arith.constant 0 : i32
    %dma_wait3A_353 = arith.constant 0 : i32
    %dma_wait3A_354 = tpu.memref_slice %arg4[%add3A_344, %dma_wait3A_352, %dma_wait3A_353] : memref<16384x56x128xf32, #tpu.memory_space<hbm>> -> memref<1x50x64xf32, #tpu.memory_space<hbm>>
    %dma_wait3A_355 = tpu.memref_squeeze %dma_wait3A_354 : memref<1x50x64xf32, #tpu.memory_space<hbm>> -> memref<50x64xf32, #tpu.memory_space<hbm>>
    %dma_wait3A_356 = arith.constant 100 : i32
    %dma_wait3A_357 = arith.constant 0 : i32
    %dma_wait3A_358 = tpu.memref_slice %arg11[%dma_wait3A_356, %dma_wait3A_357] : memref<400x64xf32, #tpu.memory_space<vmem>> -> memref<50x64xf32, #tpu.memory_space<vmem>>
    tpu.wait_dma2 semaphore(%arg19 : memref<!tpu.dma_semaphore, #tpu.memory_space<semaphore_mem>>) src(%dma_wait3A_358 : memref<50x64xf32, #tpu.memory_space<vmem>>) dst(%dma_wait3A_355 : memref<50x64xf32, #tpu.memory_space<hbm>>)
    %add3A_359 = arith.constant 496 : i32
    %add3A_360 = arith.addi %mul3A_4, %add3A_359 : i32
    %add3A_361 = arith.constant 3 : i32
    %add3A_362 = arith.addi %add3A_360, %add3A_361 : i32
    %dma_wait3A_363 = arith.constant 150 : i32
    %dma_wait3A_364 = arith.constant 0 : i32
    %dma_wait3A_365 = tpu.memref_slice %arg11[%dma_wait3A_363, %dma_wait3A_364] : memref<400x64xf32, #tpu.memory_space<vmem>> -> memref<50x64xf32, #tpu.memory_space<vmem>>
    %dma_wait3A_366 = arith.constant 0 : i32
    %dma_wait3A_367 = arith.constant 0 : i32
    %dma_wait3A_368 = tpu.memref_slice %arg4[%add3A_362, %dma_wait3A_366, %dma_wait3A_367] : memref<16384x56x128xf32, #tpu.memory_space<hbm>> -> memref<1x50x64xf32, #tpu.memory_space<hbm>>
    %dma_wait3A_369 = tpu.memref_squeeze %dma_wait3A_368 : memref<1x50x64xf32, #tpu.memory_space<hbm>> -> memref<50x64xf32, #tpu.memory_space<hbm>>
    %dma_wait3A_370 = arith.constant 0 : i32
    %dma_wait3A_371 = arith.constant 0 : i32
    %dma_wait3A_372 = tpu.memref_slice %arg4[%add3A_362, %dma_wait3A_370, %dma_wait3A_371] : memref<16384x56x128xf32, #tpu.memory_space<hbm>> -> memref<1x50x64xf32, #tpu.memory_space<hbm>>
    %dma_wait3A_373 = tpu.memref_squeeze %dma_wait3A_372 : memref<1x50x64xf32, #tpu.memory_space<hbm>> -> memref<50x64xf32, #tpu.memory_space<hbm>>
    %dma_wait3A_374 = arith.constant 150 : i32
    %dma_wait3A_375 = arith.constant 0 : i32
    %dma_wait3A_376 = tpu.memref_slice %arg11[%dma_wait3A_374, %dma_wait3A_375] : memref<400x64xf32, #tpu.memory_space<vmem>> -> memref<50x64xf32, #tpu.memory_space<vmem>>
    tpu.wait_dma2 semaphore(%arg19 : memref<!tpu.dma_semaphore, #tpu.memory_space<semaphore_mem>>) src(%dma_wait3A_376 : memref<50x64xf32, #tpu.memory_space<vmem>>) dst(%dma_wait3A_373 : memref<50x64xf32, #tpu.memory_space<hbm>>)
    %add3A_377 = arith.constant 496 : i32
    %add3A_378 = arith.addi %mul3A_4, %add3A_377 : i32
    %add3A_379 = arith.constant 4 : i32
    %add3A_380 = arith.addi %add3A_378, %add3A_379 : i32
    %dma_wait3A_381 = arith.constant 200 : i32
    %dma_wait3A_382 = arith.constant 0 : i32
    %dma_wait3A_383 = tpu.memref_slice %arg11[%dma_wait3A_381, %dma_wait3A_382] : memref<400x64xf32, #tpu.memory_space<vmem>> -> memref<50x64xf32, #tpu.memory_space<vmem>>
    %dma_wait3A_384 = arith.constant 0 : i32
    %dma_wait3A_385 = arith.constant 0 : i32
    %dma_wait3A_386 = tpu.memref_slice %arg4[%add3A_380, %dma_wait3A_384, %dma_wait3A_385] : memref<16384x56x128xf32, #tpu.memory_space<hbm>> -> memref<1x50x64xf32, #tpu.memory_space<hbm>>
    %dma_wait3A_387 = tpu.memref_squeeze %dma_wait3A_386 : memref<1x50x64xf32, #tpu.memory_space<hbm>> -> memref<50x64xf32, #tpu.memory_space<hbm>>
    %dma_wait3A_388 = arith.constant 0 : i32
    %dma_wait3A_389 = arith.constant 0 : i32
    %dma_wait3A_390 = tpu.memref_slice %arg4[%add3A_380, %dma_wait3A_388, %dma_wait3A_389] : memref<16384x56x128xf32, #tpu.memory_space<hbm>> -> memref<1x50x64xf32, #tpu.memory_space<hbm>>
    %dma_wait3A_391 = tpu.memref_squeeze %dma_wait3A_390 : memref<1x50x64xf32, #tpu.memory_space<hbm>> -> memref<50x64xf32, #tpu.memory_space<hbm>>
    %dma_wait3A_392 = arith.constant 200 : i32
    %dma_wait3A_393 = arith.constant 0 : i32
    %dma_wait3A_394 = tpu.memref_slice %arg11[%dma_wait3A_392, %dma_wait3A_393] : memref<400x64xf32, #tpu.memory_space<vmem>> -> memref<50x64xf32, #tpu.memory_space<vmem>>
    tpu.wait_dma2 semaphore(%arg19 : memref<!tpu.dma_semaphore, #tpu.memory_space<semaphore_mem>>) src(%dma_wait3A_394 : memref<50x64xf32, #tpu.memory_space<vmem>>) dst(%dma_wait3A_391 : memref<50x64xf32, #tpu.memory_space<hbm>>)
    %add3A_395 = arith.constant 496 : i32
    %add3A_396 = arith.addi %mul3A_4, %add3A_395 : i32
    %add3A_397 = arith.constant 5 : i32
    %add3A_398 = arith.addi %add3A_396, %add3A_397 : i32
    %dma_wait3A_399 = arith.constant 250 : i32
    %dma_wait3A_400 = arith.constant 0 : i32
    %dma_wait3A_401 = tpu.memref_slice %arg11[%dma_wait3A_399, %dma_wait3A_400] : memref<400x64xf32, #tpu.memory_space<vmem>> -> memref<50x64xf32, #tpu.memory_space<vmem>>
    %dma_wait3A_402 = arith.constant 0 : i32
    %dma_wait3A_403 = arith.constant 0 : i32
    %dma_wait3A_404 = tpu.memref_slice %arg4[%add3A_398, %dma_wait3A_402, %dma_wait3A_403] : memref<16384x56x128xf32, #tpu.memory_space<hbm>> -> memref<1x50x64xf32, #tpu.memory_space<hbm>>
    %dma_wait3A_405 = tpu.memref_squeeze %dma_wait3A_404 : memref<1x50x64xf32, #tpu.memory_space<hbm>> -> memref<50x64xf32, #tpu.memory_space<hbm>>
    %dma_wait3A_406 = arith.constant 0 : i32
    %dma_wait3A_407 = arith.constant 0 : i32
    %dma_wait3A_408 = tpu.memref_slice %arg4[%add3A_398, %dma_wait3A_406, %dma_wait3A_407] : memref<16384x56x128xf32, #tpu.memory_space<hbm>> -> memref<1x50x64xf32, #tpu.memory_space<hbm>>
    %dma_wait3A_409 = tpu.memref_squeeze %dma_wait3A_408 : memref<1x50x64xf32, #tpu.memory_space<hbm>> -> memref<50x64xf32, #tpu.memory_space<hbm>>
    %dma_wait3A_410 = arith.constant 250 : i32
    %dma_wait3A_411 = arith.constant 0 : i32
    %dma_wait3A_412 = tpu.memref_slice %arg11[%dma_wait3A_410, %dma_wait3A_411] : memref<400x64xf32, #tpu.memory_space<vmem>> -> memref<50x64xf32, #tpu.memory_space<vmem>>
    tpu.wait_dma2 semaphore(%arg19 : memref<!tpu.dma_semaphore, #tpu.memory_space<semaphore_mem>>) src(%dma_wait3A_412 : memref<50x64xf32, #tpu.memory_space<vmem>>) dst(%dma_wait3A_409 : memref<50x64xf32, #tpu.memory_space<hbm>>)
    %add3A_413 = arith.constant 496 : i32
    %add3A_414 = arith.addi %mul3A_4, %add3A_413 : i32
    %add3A_415 = arith.constant 6 : i32
    %add3A_416 = arith.addi %add3A_414, %add3A_415 : i32
    %dma_wait3A_417 = arith.constant 300 : i32
    %dma_wait3A_418 = arith.constant 0 : i32
    %dma_wait3A_419 = tpu.memref_slice %arg11[%dma_wait3A_417, %dma_wait3A_418] : memref<400x64xf32, #tpu.memory_space<vmem>> -> memref<50x64xf32, #tpu.memory_space<vmem>>
    %dma_wait3A_420 = arith.constant 0 : i32
    %dma_wait3A_421 = arith.constant 0 : i32
    %dma_wait3A_422 = tpu.memref_slice %arg4[%add3A_416, %dma_wait3A_420, %dma_wait3A_421] : memref<16384x56x128xf32, #tpu.memory_space<hbm>> -> memref<1x50x64xf32, #tpu.memory_space<hbm>>
    %dma_wait3A_423 = tpu.memref_squeeze %dma_wait3A_422 : memref<1x50x64xf32, #tpu.memory_space<hbm>> -> memref<50x64xf32, #tpu.memory_space<hbm>>
    %dma_wait3A_424 = arith.constant 0 : i32
    %dma_wait3A_425 = arith.constant 0 : i32
    %dma_wait3A_426 = tpu.memref_slice %arg4[%add3A_416, %dma_wait3A_424, %dma_wait3A_425] : memref<16384x56x128xf32, #tpu.memory_space<hbm>> -> memref<1x50x64xf32, #tpu.memory_space<hbm>>
    %dma_wait3A_427 = tpu.memref_squeeze %dma_wait3A_426 : memref<1x50x64xf32, #tpu.memory_space<hbm>> -> memref<50x64xf32, #tpu.memory_space<hbm>>
    %dma_wait3A_428 = arith.constant 300 : i32
    %dma_wait3A_429 = arith.constant 0 : i32
    %dma_wait3A_430 = tpu.memref_slice %arg11[%dma_wait3A_428, %dma_wait3A_429] : memref<400x64xf32, #tpu.memory_space<vmem>> -> memref<50x64xf32, #tpu.memory_space<vmem>>
    tpu.wait_dma2 semaphore(%arg19 : memref<!tpu.dma_semaphore, #tpu.memory_space<semaphore_mem>>) src(%dma_wait3A_430 : memref<50x64xf32, #tpu.memory_space<vmem>>) dst(%dma_wait3A_427 : memref<50x64xf32, #tpu.memory_space<hbm>>)
    %add3A_431 = arith.constant 496 : i32
    %add3A_432 = arith.addi %mul3A_4, %add3A_431 : i32
    %add3A_433 = arith.constant 7 : i32
    %add3A_434 = arith.addi %add3A_432, %add3A_433 : i32
    %dma_wait3A_435 = arith.constant 350 : i32
    %dma_wait3A_436 = arith.constant 0 : i32
    %dma_wait3A_437 = tpu.memref_slice %arg11[%dma_wait3A_435, %dma_wait3A_436] : memref<400x64xf32, #tpu.memory_space<vmem>> -> memref<50x64xf32, #tpu.memory_space<vmem>>
    %dma_wait3A_438 = arith.constant 0 : i32
    %dma_wait3A_439 = arith.constant 0 : i32
    %dma_wait3A_440 = tpu.memref_slice %arg4[%add3A_434, %dma_wait3A_438, %dma_wait3A_439] : memref<16384x56x128xf32, #tpu.memory_space<hbm>> -> memref<1x50x64xf32, #tpu.memory_space<hbm>>
    %dma_wait3A_441 = tpu.memref_squeeze %dma_wait3A_440 : memref<1x50x64xf32, #tpu.memory_space<hbm>> -> memref<50x64xf32, #tpu.memory_space<hbm>>
    %dma_wait3A_442 = arith.constant 0 : i32
    %dma_wait3A_443 = arith.constant 0 : i32
    %dma_wait3A_444 = tpu.memref_slice %arg4[%add3A_434, %dma_wait3A_442, %dma_wait3A_443] : memref<16384x56x128xf32, #tpu.memory_space<hbm>> -> memref<1x50x64xf32, #tpu.memory_space<hbm>>
    %dma_wait3A_445 = tpu.memref_squeeze %dma_wait3A_444 : memref<1x50x64xf32, #tpu.memory_space<hbm>> -> memref<50x64xf32, #tpu.memory_space<hbm>>
    %dma_wait3A_446 = arith.constant 350 : i32
    %dma_wait3A_447 = arith.constant 0 : i32
    %dma_wait3A_448 = tpu.memref_slice %arg11[%dma_wait3A_446, %dma_wait3A_447] : memref<400x64xf32, #tpu.memory_space<vmem>> -> memref<50x64xf32, #tpu.memory_space<vmem>>
    tpu.wait_dma2 semaphore(%arg19 : memref<!tpu.dma_semaphore, #tpu.memory_space<semaphore_mem>>) src(%dma_wait3A_448 : memref<50x64xf32, #tpu.memory_space<vmem>>) dst(%dma_wait3A_445 : memref<50x64xf32, #tpu.memory_space<hbm>>)
    %add3A_449 = arith.constant 504 : i32
    %add3A_450 = arith.addi %mul3A_4, %add3A_449 : i32
    %add3A_451 = arith.constant 0 : i32
    %add3A_452 = arith.addi %add3A_450, %add3A_451 : i32
    %dma_wait3A_453 = arith.constant 0 : i32
    %dma_wait3A_454 = arith.constant 0 : i32
    %dma_wait3A_455 = tpu.memref_slice %arg12[%dma_wait3A_453, %dma_wait3A_454] : memref<400x64xf32, #tpu.memory_space<vmem>> -> memref<50x64xf32, #tpu.memory_space<vmem>>
    %dma_wait3A_456 = arith.constant 0 : i32
    %dma_wait3A_457 = arith.constant 0 : i32
    %dma_wait3A_458 = tpu.memref_slice %arg4[%add3A_452, %dma_wait3A_456, %dma_wait3A_457] : memref<16384x56x128xf32, #tpu.memory_space<hbm>> -> memref<1x50x64xf32, #tpu.memory_space<hbm>>
    %dma_wait3A_459 = tpu.memref_squeeze %dma_wait3A_458 : memref<1x50x64xf32, #tpu.memory_space<hbm>> -> memref<50x64xf32, #tpu.memory_space<hbm>>
    %dma_wait3A_460 = arith.constant 0 : i32
    %dma_wait3A_461 = arith.constant 0 : i32
    %dma_wait3A_462 = tpu.memref_slice %arg4[%add3A_452, %dma_wait3A_460, %dma_wait3A_461] : memref<16384x56x128xf32, #tpu.memory_space<hbm>> -> memref<1x50x64xf32, #tpu.memory_space<hbm>>
    %dma_wait3A_463 = tpu.memref_squeeze %dma_wait3A_462 : memref<1x50x64xf32, #tpu.memory_space<hbm>> -> memref<50x64xf32, #tpu.memory_space<hbm>>
    %dma_wait3A_464 = arith.constant 0 : i32
    %dma_wait3A_465 = arith.constant 0 : i32
    %dma_wait3A_466 = tpu.memref_slice %arg12[%dma_wait3A_464, %dma_wait3A_465] : memref<400x64xf32, #tpu.memory_space<vmem>> -> memref<50x64xf32, #tpu.memory_space<vmem>>
    tpu.wait_dma2 semaphore(%arg20 : memref<!tpu.dma_semaphore, #tpu.memory_space<semaphore_mem>>) src(%dma_wait3A_466 : memref<50x64xf32, #tpu.memory_space<vmem>>) dst(%dma_wait3A_463 : memref<50x64xf32, #tpu.memory_space<hbm>>)
    %add3A_467 = arith.constant 504 : i32
    %add3A_468 = arith.addi %mul3A_4, %add3A_467 : i32
    %add3A_469 = arith.constant 1 : i32
    %add3A_470 = arith.addi %add3A_468, %add3A_469 : i32
    %dma_wait3A_471 = arith.constant 50 : i32
    %dma_wait3A_472 = arith.constant 0 : i32
    %dma_wait3A_473 = tpu.memref_slice %arg12[%dma_wait3A_471, %dma_wait3A_472] : memref<400x64xf32, #tpu.memory_space<vmem>> -> memref<50x64xf32, #tpu.memory_space<vmem>>
    %dma_wait3A_474 = arith.constant 0 : i32
    %dma_wait3A_475 = arith.constant 0 : i32
    %dma_wait3A_476 = tpu.memref_slice %arg4[%add3A_470, %dma_wait3A_474, %dma_wait3A_475] : memref<16384x56x128xf32, #tpu.memory_space<hbm>> -> memref<1x50x64xf32, #tpu.memory_space<hbm>>
    %dma_wait3A_477 = tpu.memref_squeeze %dma_wait3A_476 : memref<1x50x64xf32, #tpu.memory_space<hbm>> -> memref<50x64xf32, #tpu.memory_space<hbm>>
    %dma_wait3A_478 = arith.constant 0 : i32
    %dma_wait3A_479 = arith.constant 0 : i32
    %dma_wait3A_480 = tpu.memref_slice %arg4[%add3A_470, %dma_wait3A_478, %dma_wait3A_479] : memref<16384x56x128xf32, #tpu.memory_space<hbm>> -> memref<1x50x64xf32, #tpu.memory_space<hbm>>
    %dma_wait3A_481 = tpu.memref_squeeze %dma_wait3A_480 : memref<1x50x64xf32, #tpu.memory_space<hbm>> -> memref<50x64xf32, #tpu.memory_space<hbm>>
    %dma_wait3A_482 = arith.constant 50 : i32
    %dma_wait3A_483 = arith.constant 0 : i32
    %dma_wait3A_484 = tpu.memref_slice %arg12[%dma_wait3A_482, %dma_wait3A_483] : memref<400x64xf32, #tpu.memory_space<vmem>> -> memref<50x64xf32, #tpu.memory_space<vmem>>
    tpu.wait_dma2 semaphore(%arg20 : memref<!tpu.dma_semaphore, #tpu.memory_space<semaphore_mem>>) src(%dma_wait3A_484 : memref<50x64xf32, #tpu.memory_space<vmem>>) dst(%dma_wait3A_481 : memref<50x64xf32, #tpu.memory_space<hbm>>)
    %add3A_485 = arith.constant 504 : i32
    %add3A_486 = arith.addi %mul3A_4, %add3A_485 : i32
    %add3A_487 = arith.constant 2 : i32
    %add3A_488 = arith.addi %add3A_486, %add3A_487 : i32
    %dma_wait3A_489 = arith.constant 100 : i32
    %dma_wait3A_490 = arith.constant 0 : i32
    %dma_wait3A_491 = tpu.memref_slice %arg12[%dma_wait3A_489, %dma_wait3A_490] : memref<400x64xf32, #tpu.memory_space<vmem>> -> memref<50x64xf32, #tpu.memory_space<vmem>>
    %dma_wait3A_492 = arith.constant 0 : i32
    %dma_wait3A_493 = arith.constant 0 : i32
    %dma_wait3A_494 = tpu.memref_slice %arg4[%add3A_488, %dma_wait3A_492, %dma_wait3A_493] : memref<16384x56x128xf32, #tpu.memory_space<hbm>> -> memref<1x50x64xf32, #tpu.memory_space<hbm>>
    %dma_wait3A_495 = tpu.memref_squeeze %dma_wait3A_494 : memref<1x50x64xf32, #tpu.memory_space<hbm>> -> memref<50x64xf32, #tpu.memory_space<hbm>>
    %dma_wait3A_496 = arith.constant 0 : i32
    %dma_wait3A_497 = arith.constant 0 : i32
    %dma_wait3A_498 = tpu.memref_slice %arg4[%add3A_488, %dma_wait3A_496, %dma_wait3A_497] : memref<16384x56x128xf32, #tpu.memory_space<hbm>> -> memref<1x50x64xf32, #tpu.memory_space<hbm>>
    %dma_wait3A_499 = tpu.memref_squeeze %dma_wait3A_498 : memref<1x50x64xf32, #tpu.memory_space<hbm>> -> memref<50x64xf32, #tpu.memory_space<hbm>>
    %dma_wait3A_500 = arith.constant 100 : i32
    %dma_wait3A_501 = arith.constant 0 : i32
    %dma_wait3A_502 = tpu.memref_slice %arg12[%dma_wait3A_500, %dma_wait3A_501] : memref<400x64xf32, #tpu.memory_space<vmem>> -> memref<50x64xf32, #tpu.memory_space<vmem>>
    tpu.wait_dma2 semaphore(%arg20 : memref<!tpu.dma_semaphore, #tpu.memory_space<semaphore_mem>>) src(%dma_wait3A_502 : memref<50x64xf32, #tpu.memory_space<vmem>>) dst(%dma_wait3A_499 : memref<50x64xf32, #tpu.memory_space<hbm>>)
    %add3A_503 = arith.constant 504 : i32
    %add3A_504 = arith.addi %mul3A_4, %add3A_503 : i32
    %add3A_505 = arith.constant 3 : i32
    %add3A_506 = arith.addi %add3A_504, %add3A_505 : i32
    %dma_wait3A_507 = arith.constant 150 : i32
    %dma_wait3A_508 = arith.constant 0 : i32
    %dma_wait3A_509 = tpu.memref_slice %arg12[%dma_wait3A_507, %dma_wait3A_508] : memref<400x64xf32, #tpu.memory_space<vmem>> -> memref<50x64xf32, #tpu.memory_space<vmem>>
    %dma_wait3A_510 = arith.constant 0 : i32
    %dma_wait3A_511 = arith.constant 0 : i32
    %dma_wait3A_512 = tpu.memref_slice %arg4[%add3A_506, %dma_wait3A_510, %dma_wait3A_511] : memref<16384x56x128xf32, #tpu.memory_space<hbm>> -> memref<1x50x64xf32, #tpu.memory_space<hbm>>
    %dma_wait3A_513 = tpu.memref_squeeze %dma_wait3A_512 : memref<1x50x64xf32, #tpu.memory_space<hbm>> -> memref<50x64xf32, #tpu.memory_space<hbm>>
    %dma_wait3A_514 = arith.constant 0 : i32
    %dma_wait3A_515 = arith.constant 0 : i32
    %dma_wait3A_516 = tpu.memref_slice %arg4[%add3A_506, %dma_wait3A_514, %dma_wait3A_515] : memref<16384x56x128xf32, #tpu.memory_space<hbm>> -> memref<1x50x64xf32, #tpu.memory_space<hbm>>
    %dma_wait3A_517 = tpu.memref_squeeze %dma_wait3A_516 : memref<1x50x64xf32, #tpu.memory_space<hbm>> -> memref<50x64xf32, #tpu.memory_space<hbm>>
    %dma_wait3A_518 = arith.constant 150 : i32
    %dma_wait3A_519 = arith.constant 0 : i32
    %dma_wait3A_520 = tpu.memref_slice %arg12[%dma_wait3A_518, %dma_wait3A_519] : memref<400x64xf32, #tpu.memory_space<vmem>> -> memref<50x64xf32, #tpu.memory_space<vmem>>
    tpu.wait_dma2 semaphore(%arg20 : memref<!tpu.dma_semaphore, #tpu.memory_space<semaphore_mem>>) src(%dma_wait3A_520 : memref<50x64xf32, #tpu.memory_space<vmem>>) dst(%dma_wait3A_517 : memref<50x64xf32, #tpu.memory_space<hbm>>)
    %add3A_521 = arith.constant 504 : i32
    %add3A_522 = arith.addi %mul3A_4, %add3A_521 : i32
    %add3A_523 = arith.constant 4 : i32
    %add3A_524 = arith.addi %add3A_522, %add3A_523 : i32
    %dma_wait3A_525 = arith.constant 200 : i32
    %dma_wait3A_526 = arith.constant 0 : i32
    %dma_wait3A_527 = tpu.memref_slice %arg12[%dma_wait3A_525, %dma_wait3A_526] : memref<400x64xf32, #tpu.memory_space<vmem>> -> memref<50x64xf32, #tpu.memory_space<vmem>>
    %dma_wait3A_528 = arith.constant 0 : i32
    %dma_wait3A_529 = arith.constant 0 : i32
    %dma_wait3A_530 = tpu.memref_slice %arg4[%add3A_524, %dma_wait3A_528, %dma_wait3A_529] : memref<16384x56x128xf32, #tpu.memory_space<hbm>> -> memref<1x50x64xf32, #tpu.memory_space<hbm>>
    %dma_wait3A_531 = tpu.memref_squeeze %dma_wait3A_530 : memref<1x50x64xf32, #tpu.memory_space<hbm>> -> memref<50x64xf32, #tpu.memory_space<hbm>>
    %dma_wait3A_532 = arith.constant 0 : i32
    %dma_wait3A_533 = arith.constant 0 : i32
    %dma_wait3A_534 = tpu.memref_slice %arg4[%add3A_524, %dma_wait3A_532, %dma_wait3A_533] : memref<16384x56x128xf32, #tpu.memory_space<hbm>> -> memref<1x50x64xf32, #tpu.memory_space<hbm>>
    %dma_wait3A_535 = tpu.memref_squeeze %dma_wait3A_534 : memref<1x50x64xf32, #tpu.memory_space<hbm>> -> memref<50x64xf32, #tpu.memory_space<hbm>>
    %dma_wait3A_536 = arith.constant 200 : i32
    %dma_wait3A_537 = arith.constant 0 : i32
    %dma_wait3A_538 = tpu.memref_slice %arg12[%dma_wait3A_536, %dma_wait3A_537] : memref<400x64xf32, #tpu.memory_space<vmem>> -> memref<50x64xf32, #tpu.memory_space<vmem>>
    tpu.wait_dma2 semaphore(%arg20 : memref<!tpu.dma_semaphore, #tpu.memory_space<semaphore_mem>>) src(%dma_wait3A_538 : memref<50x64xf32, #tpu.memory_space<vmem>>) dst(%dma_wait3A_535 : memref<50x64xf32, #tpu.memory_space<hbm>>)
    %add3A_539 = arith.constant 504 : i32
    %add3A_540 = arith.addi %mul3A_4, %add3A_539 : i32
    %add3A_541 = arith.constant 5 : i32
    %add3A_542 = arith.addi %add3A_540, %add3A_541 : i32
    %dma_wait3A_543 = arith.constant 250 : i32
    %dma_wait3A_544 = arith.constant 0 : i32
    %dma_wait3A_545 = tpu.memref_slice %arg12[%dma_wait3A_543, %dma_wait3A_544] : memref<400x64xf32, #tpu.memory_space<vmem>> -> memref<50x64xf32, #tpu.memory_space<vmem>>
    %dma_wait3A_546 = arith.constant 0 : i32
    %dma_wait3A_547 = arith.constant 0 : i32
    %dma_wait3A_548 = tpu.memref_slice %arg4[%add3A_542, %dma_wait3A_546, %dma_wait3A_547] : memref<16384x56x128xf32, #tpu.memory_space<hbm>> -> memref<1x50x64xf32, #tpu.memory_space<hbm>>
    %dma_wait3A_549 = tpu.memref_squeeze %dma_wait3A_548 : memref<1x50x64xf32, #tpu.memory_space<hbm>> -> memref<50x64xf32, #tpu.memory_space<hbm>>
    %dma_wait3A_550 = arith.constant 0 : i32
    %dma_wait3A_551 = arith.constant 0 : i32
    %dma_wait3A_552 = tpu.memref_slice %arg4[%add3A_542, %dma_wait3A_550, %dma_wait3A_551] : memref<16384x56x128xf32, #tpu.memory_space<hbm>> -> memref<1x50x64xf32, #tpu.memory_space<hbm>>
    %dma_wait3A_553 = tpu.memref_squeeze %dma_wait3A_552 : memref<1x50x64xf32, #tpu.memory_space<hbm>> -> memref<50x64xf32, #tpu.memory_space<hbm>>
    %dma_wait3A_554 = arith.constant 250 : i32
    %dma_wait3A_555 = arith.constant 0 : i32
    %dma_wait3A_556 = tpu.memref_slice %arg12[%dma_wait3A_554, %dma_wait3A_555] : memref<400x64xf32, #tpu.memory_space<vmem>> -> memref<50x64xf32, #tpu.memory_space<vmem>>
    tpu.wait_dma2 semaphore(%arg20 : memref<!tpu.dma_semaphore, #tpu.memory_space<semaphore_mem>>) src(%dma_wait3A_556 : memref<50x64xf32, #tpu.memory_space<vmem>>) dst(%dma_wait3A_553 : memref<50x64xf32, #tpu.memory_space<hbm>>)
    %add3A_557 = arith.constant 504 : i32
    %add3A_558 = arith.addi %mul3A_4, %add3A_557 : i32
    %add3A_559 = arith.constant 6 : i32
    %add3A_560 = arith.addi %add3A_558, %add3A_559 : i32
    %dma_wait3A_561 = arith.constant 300 : i32
    %dma_wait3A_562 = arith.constant 0 : i32
    %dma_wait3A_563 = tpu.memref_slice %arg12[%dma_wait3A_561, %dma_wait3A_562] : memref<400x64xf32, #tpu.memory_space<vmem>> -> memref<50x64xf32, #tpu.memory_space<vmem>>
    %dma_wait3A_564 = arith.constant 0 : i32
    %dma_wait3A_565 = arith.constant 0 : i32
    %dma_wait3A_566 = tpu.memref_slice %arg4[%add3A_560, %dma_wait3A_564, %dma_wait3A_565] : memref<16384x56x128xf32, #tpu.memory_space<hbm>> -> memref<1x50x64xf32, #tpu.memory_space<hbm>>
    %dma_wait3A_567 = tpu.memref_squeeze %dma_wait3A_566 : memref<1x50x64xf32, #tpu.memory_space<hbm>> -> memref<50x64xf32, #tpu.memory_space<hbm>>
    %dma_wait3A_568 = arith.constant 0 : i32
    %dma_wait3A_569 = arith.constant 0 : i32
    %dma_wait3A_570 = tpu.memref_slice %arg4[%add3A_560, %dma_wait3A_568, %dma_wait3A_569] : memref<16384x56x128xf32, #tpu.memory_space<hbm>> -> memref<1x50x64xf32, #tpu.memory_space<hbm>>
    %dma_wait3A_571 = tpu.memref_squeeze %dma_wait3A_570 : memref<1x50x64xf32, #tpu.memory_space<hbm>> -> memref<50x64xf32, #tpu.memory_space<hbm>>
    %dma_wait3A_572 = arith.constant 300 : i32
    %dma_wait3A_573 = arith.constant 0 : i32
    %dma_wait3A_574 = tpu.memref_slice %arg12[%dma_wait3A_572, %dma_wait3A_573] : memref<400x64xf32, #tpu.memory_space<vmem>> -> memref<50x64xf32, #tpu.memory_space<vmem>>
    tpu.wait_dma2 semaphore(%arg20 : memref<!tpu.dma_semaphore, #tpu.memory_space<semaphore_mem>>) src(%dma_wait3A_574 : memref<50x64xf32, #tpu.memory_space<vmem>>) dst(%dma_wait3A_571 : memref<50x64xf32, #tpu.memory_space<hbm>>)
    %add3A_575 = arith.constant 504 : i32
    %add3A_576 = arith.addi %mul3A_4, %add3A_575 : i32
    %add3A_577 = arith.constant 7 : i32
    %add3A_578 = arith.addi %add3A_576, %add3A_577 : i32
    %dma_wait3A_579 = arith.constant 350 : i32
    %dma_wait3A_580 = arith.constant 0 : i32
    %dma_wait3A_581 = tpu.memref_slice %arg12[%dma_wait3A_579, %dma_wait3A_580] : memref<400x64xf32, #tpu.memory_space<vmem>> -> memref<50x64xf32, #tpu.memory_space<vmem>>
    %dma_wait3A_582 = arith.constant 0 : i32
    %dma_wait3A_583 = arith.constant 0 : i32
    %dma_wait3A_584 = tpu.memref_slice %arg4[%add3A_578, %dma_wait3A_582, %dma_wait3A_583] : memref<16384x56x128xf32, #tpu.memory_space<hbm>> -> memref<1x50x64xf32, #tpu.memory_space<hbm>>
    %dma_wait3A_585 = tpu.memref_squeeze %dma_wait3A_584 : memref<1x50x64xf32, #tpu.memory_space<hbm>> -> memref<50x64xf32, #tpu.memory_space<hbm>>
    %dma_wait3A_586 = arith.constant 0 : i32
    %dma_wait3A_587 = arith.constant 0 : i32
    %dma_wait3A_588 = tpu.memref_slice %arg4[%add3A_578, %dma_wait3A_586, %dma_wait3A_587] : memref<16384x56x128xf32, #tpu.memory_space<hbm>> -> memref<1x50x64xf32, #tpu.memory_space<hbm>>
    %dma_wait3A_589 = tpu.memref_squeeze %dma_wait3A_588 : memref<1x50x64xf32, #tpu.memory_space<hbm>> -> memref<50x64xf32, #tpu.memory_space<hbm>>
    %dma_wait3A_590 = arith.constant 350 : i32
    %dma_wait3A_591 = arith.constant 0 : i32
    %dma_wait3A_592 = tpu.memref_slice %arg12[%dma_wait3A_590, %dma_wait3A_591] : memref<400x64xf32, #tpu.memory_space<vmem>> -> memref<50x64xf32, #tpu.memory_space<vmem>>
    tpu.wait_dma2 semaphore(%arg20 : memref<!tpu.dma_semaphore, #tpu.memory_space<semaphore_mem>>) src(%dma_wait3A_592 : memref<50x64xf32, #tpu.memory_space<vmem>>) dst(%dma_wait3A_589 : memref<50x64xf32, #tpu.memory_space<hbm>>)
    return
  }
}

</mosaic_0001>

<sc_bundles>
// kernel: kernel.3.cloned.1.call-start
scs
__scs_entry_jumppad:
0x0: {  	(pc) =	sbr.rel $0x88, $3  }
0x1: {  	(tag) =	ssettag $0x0;
	lr =	simm.s32 $0x1  }
0x2: {  	[smem:$0x3F9F] =	sst lr;
	_ =	strace $0xD0000000  }
0x3: {  	_ = 	snop  }
0x4: {  	_ = 	snop  }
0x5: {  	_ = 	snop  }
0x6: {  	_ = 	snop  }
0x7: {  	_ = 	snop  }
__scs_overlays_trampoline_lowered:
0x8: {  	[smem:$0x3FAE] =	sst s0  }
0x9: {  	[smem:$0x3FAF] =	sst s1  }
0xa: {  	[smem:$0x3FB0] =	sst s2  }
0xb: {  	[smem:$0x3FB1] =	sst s3  }
0xc: {  	[smem:$0x3FB2] =	sst s4  }
0xd: {  	[smem:$0x3FB3] =	sst s5  }
0xe: {  	[smem:$0x3FB4] =	sst s6  }
0xf: {  	[smem:$0x3FB5] =	sst s7  }
0x10: {  	[smem:$0x3FB6] =	sst s8  }
0x11: {  	[smem:$0x3FB7] =	sst s9;
	s0 =	simm.s32 @!p0 $0x0  }
0x12: {  	s1 =	sld [smem:$0x3F9D];
	s0 =	simm.s32 @p0 $0x1  }
0x13: {  	[smem:$0x3FB8] =	sst s0;
	s0 =	simm.s32 @!p1 $0x0  }
0x14: {  	s2 =	sld [smem:$0x3F9C];
	s0 =	simm.s32 @p1 $0x1  }
0x15: {  	[smem:$0x3FB9] =	sst s0;
	s0 =	simm.s32 @!p2 $0x0  }
0x16: {  	s3 =	sld [smem:$0x3FDB];
	s0 =	simm.s32 @p2 $0x1  }
0x17: {  	s4 =	simm.s32 $0x1BF5;
	[smem:$0x3FBB] =	sst s0  }
0x18: {  	s0 =	sld [smem:$0x3F9E];
	_ =	swait.ge [sflag:s4], $0x0  }
0x19: {  	s7 =	sld [smem:$0x3F9F]  }
0x1a: {  	s8 =	sadd.s32 $0xFFFFE003, lr  }
0x1b: {  	s9 =	sadd.s32 $0xFFFFFEF7, lr;
	s5 =	simm.s32 $0xFFFFFFFF;
	p2 =	slt.u32 s8, $0xFFFFF086  }
0x1c: {  	p1 =	slt.u32 s9, $0xF7A;
	s5 =	simm.s32 @!p2 $0x0  }
0x1d: {  	s5 =	simm.s32 @p1 $0x1;
	p0 =	seq.s32 s7, s2  }
0x1e: {  	s7 =	smul.u32 @!p0 $0xF7A, s2;
	p2 =	seq.s32 @!p0 s5, $0x0  }
0x1f: {  	s9 =	smul.u32 $0xF7A, s1;
	s8 =	simm.s32 @!p0 $0x1BF5;
	p2 =	por !p2, p0  }
0x20: {  	[sflag:s8] =	ssyncset.s32 @!p0 $0xFFFFF086;
	s6 =	sadd.s32 @!p0 s3, s7;
	s7 =	simm.s32 @!p0 $0x108  }
0x21: {  	s3 =	sadd.s32 s3, s9;
	s6 =	sadd.s32 @!p0 $0x88, s6;
	s7 =	simm.s32 @p2 $0x1082  }
0x22: {  	[simem:s7], [sflag:s8] =	dma.local @!p0 [hbm:s6], $0xF7A  }
0x23: {  	s9 =	sor.u32 $0xD0000000, s2;
	s6 =	simm.s32 $0x108;
	_ =	swait.ge @!p0 [sflag:s8], $0x0  }
0x24: {  	s3 =	sadd.s32 $0x88, s3;
	s6 =	simm.s32 @!p1 $0x1082;
	[sflag:s4] =	ssyncset.s32 $0xFFFFF086  }
0x25: {  	[simem:s6], [sflag:s4] =	dma.local [hbm:s3], $0xF7A  }
0x26: {  	[smem:$0x3F9F] =	sst s1;
	(tag) =	ssettag s2;
	_ =	strace s9  }
0x27: {  	s1 =	sld [smem:$0x3FAF]  }
0x28: {  	s2 =	sld [smem:$0x3FB0]  }
0x29: {  	s4 =	sld [smem:$0x3FB2]  }
0x2a: {  	p0 =	seq.s32 s5, $0x0;
	s5 =	sld [smem:$0x3FB3]  }
0x2b: {  	s6 =	sld [smem:$0x3FB4]  }
0x2c: {  	s7 =	sld [smem:$0x3FB5]  }
0x2d: {  	s3 =	simm.s32 $0x108;
	s8 =	sld [smem:$0x3FB6]  }
0x2e: {  	s3 =	simm.s32 @!p0 $0x1082;
	s9 =	sld [smem:$0x3FB7]  }
0x2f: {  	lr =	sadd.s32 s0, s3;
	s0 =	sld [smem:$0x3FAE]  }
0x30: {  	s3 =	sld [smem:$0x3FB1]  }
0x31: {  	[smem:$0x3FBA] =	sst s10  }
0x32: {  	s10 =	sld [smem:$0x3FB8];
	_ =	sdelay $0x3  }
0x33: {  	p0 =	seq.s32 s10, $0x1;
	s10 =	sld [smem:$0x3FBA];
	_ =	sdelay $0x3  }
0x34: {  	[smem:$0x3FBA] =	sst s10  }
0x35: {  	s10 =	sld [smem:$0x3FB9];
	_ =	sdelay $0x3  }
0x36: {  	p1 =	seq.s32 s10, $0x1;
	s10 =	sld [smem:$0x3FBA];
	_ =	sdelay $0x3  }
0x37: {  	[smem:$0x3FBA] =	sst s10  }
0x38: {  	s10 =	sld [smem:$0x3FBB]  }
0x39: {  	_ = 	snop;
	(pc) =	sbr.ind lr, $3  }
0x3a: {  	_ = 	snop  }
0x3b: {  	_ = 	snop  }
0x3c: {  	p2 =	seq.s32 s10, $0x1;
	s10 =	sld [smem:$0x3FBA]  }
0x3d: {  	_ =	shalt  }
0x3e: {  	_ =	shalt  }
0x3f: {  	_ =	shalt  }
0x40: {  	_ =	shalt  }
0x41: {  	_ =	shalt  }
0x42: {  	_ =	shalt  }
0x43: {  	_ =	shalt  }
0x44: {  	_ =	shalt  }
0x45: {  	_ =	shalt  }
0x46: {  	_ =	shalt  }
0x47: {  	_ =	shalt  }
0x48: {  	_ =	shalt  }
0x49: {  	_ =	shalt  }
0x4a: {  	_ =	shalt  }
0x4b: {  	_ =	shalt  }
0x4c: {  	_ =	shalt  }
0x4d: {  	_ =	shalt  }
0x4e: {  	_ =	shalt  }
0x4f: {  	_ =	shalt  }
0x50: {  	_ =	shalt  }
0x51: {  	_ =	shalt  }
0x52: {  	_ =	shalt  }
0x53: {  	_ =	shalt  }
0x54: {  	_ =	shalt  }
0x55: {  	_ =	shalt  }
0x56: {  	_ =	shalt  }
0x57: {  	_ =	shalt  }
0x58: {  	_ =	shalt  }
0x59: {  	_ =	shalt  }
0x5a: {  	_ =	shalt  }
0x5b: {  	_ =	shalt  }
0x5c: {  	_ =	shalt  }
0x5d: {  	_ =	shalt  }
0x5e: {  	_ =	shalt  }
0x5f: {  	_ =	shalt  }
0x60: {  	_ =	shalt  }
0x61: {  	_ =	shalt  }
0x62: {  	_ =	shalt  }
0x63: {  	_ =	shalt  }
0x64: {  	_ =	shalt  }
0x65: {  	_ =	shalt  }
0x66: {  	_ =	shalt  }
0x67: {  	_ =	shalt  }
0x68: {  	_ =	shalt  }
0x69: {  	_ =	shalt  }
0x6a: {  	_ =	shalt  }
0x6b: {  	_ =	shalt  }
0x6c: {  	_ =	shalt  }
0x6d: {  	_ =	shalt  }
0x6e: {  	_ =	shalt  }
0x6f: {  	_ =	shalt  }
0x70: {  	_ =	shalt  }
0x71: {  	_ =	shalt  }
0x72: {  	_ =	shalt  }
0x73: {  	_ =	shalt  }
0x74: {  	_ =	shalt  }
0x75: {  	_ =	shalt  }
0x76: {  	_ =	shalt  }
0x77: {  	_ =	shalt  }
0x78: {  	_ =	shalt  }
0x79: {  	_ =	shalt  }
0x7a: {  	_ =	shalt  }
0x7b: {  	_ =	shalt  }
0x7c: {  	_ =	shalt  }
0x7d: {  	_ =	shalt  }
0x7e: {  	_ =	shalt  }
0x7f: {  	_ =	shalt  }
0x80: {  	_ =	shalt  }
0x81: {  	_ =	shalt  }
0x82: {  	_ =	shalt  }
0x83: {  	_ =	shalt  }
0x84: {  	_ =	shalt  }
0x85: {  	_ =	shalt  }
0x86: {  	_ =	shalt  }
0x87: {  	_ =	shalt  }
.Lfunc_end0:
.L_simem_size_0:
called_computation.1_lowered:
.L_overlay_start_0:
0x88: {  	s2 =	sld [smem:$0x3FD9]  }
0x89: {  	s3 =	sld [smem:$0x3FFE];
	_ =	sdelay $0x1  }
0x8a: {  	s1 =	srdreg.scid  }
0x8b: {  	s0 =	sand.u32 $0x1, s1  }
0x8c: {  	s17 =	sshll.u32 s0, $0xA;
	s2 =	sadd.s32 s3, s2  }
0x8d: {  	s2 =	sadd.s32 s2, s17  }
0x8e: {  	[smem:$0x3FC6] =	sst s2  }
0x8f: {  	_ = 	snop  }
0x90: {  	s2 =	sld [smem:$0x3FD0];
	(tm) =	ssettm $0x1  }
0x91: {  	s18 =	sld [smem:$0x3FFB];
	_ =	sdelay $0x3  }
0x92: {  	_ =	strace s18  }
0x93: {  	s3 =	sld [smem:$0x3FFC];
	_ =	sdelay $0x3  }
0x94: {  	_ =	strace s3  }
0x95: {  	s3 =	sld [smem:$0x3FFD];
	_ =	sdelay $0x3  }
0x96: {  	_ =	strace s3  }
0x97: {  	_ =	strace $0x8FFFFFFF  }
0x98: {  	s19 =	sld [smem:$0x3FDB];
	_ =	sdelay $0x1  }
0x99: {  	s4 =	simm.s32 $_scs_section_size  }
0x9a: {  	s5 =	simm.s32 $_size__tile_overlayer_lowered;
	s6 =	simm.s32 $_tile_overlayer_lowered  }
0x9b: {  	s22 =	simm.s32 $0x1BFF;
	s21 =	sshll.u32 s6, $0x1;
	s3 =	sadd.s32 s4, s19  }
0x9c: {  	s7 =	simm.s32 $0x0;
	s20 =	sshll.u32 s5, $0x1;
	s5 =	sadd.s32 s21, s3  }
0x9d: {  	[timem:s7], [sflag:s22] =	dma.local [hbm:s5], s20  }
0x9e: {  	_ =	swait.ge [sflag:s22], s20  }
0x9f: {  	s4 =	ssub.s32 $0x0, s20;
	[sflag:s22] =	ssyncset.done $0x0  }
0xa0: {  	[sflag:s22] =	ssyncadd.s32 s4;
	_ =	sdelay $0x1  }
0xa1: {  	s23 =	simm.s32 $0x1B8B  }
0xa2: {  	_ =	swait.ge [sflag:s23], $0x1  }
0xa3: {  	[sflag:s23] =	ssyncset.done $0x0  }
0xa4: {  	s25 =	simm.s32 $0x1B8E;
	s24 =	sld [smem:$0x3FFE];
	[sflag:s23] =	ssyncadd.s32 $0xFFFFFFFF  }
0xa5: {  	s26 =	simm.s32 $execute0_lowered;
	[smem:$0x3FD2] =	sst s25  }
0xa6: {  	s5 =	sshll.u32 s26, $0x1;
	_ =	strace $0x80000046;
	[dreg:$0x1] =	wrdreg $0xFFFFFFFF  }
0xa7: {  	s28 =	simm.s32 $_size_execute0_lowered;
	s3 =	sadd.s32 s3, s5;
	[dreg:$0x0] =	wrdreg $0x0  }
0xa8: {  	s5 =	sshll.u32 s28, $0x1;
	[dreg:$0x2] =	wrdreg s3  }
0xa9: {  	[dreg:$0x3] =	wrdreg s5  }
0xaa: {  	[dreg:$0x4] =	wrdreg $0xC0  }
0xab: {  	_ =	task [dreg:s7], $0x5FFFF  }
0xac: {  	[dreg:$0x1] =	wrdreg $0xFFFFFFFF  }
0xad: {  	[dreg:$0x0] =	wrdreg $0x60  }
0xae: {  	[dreg:$0x2] =	wrdreg s2  }
0xaf: {  	[dreg:$0x3] =	wrdreg s24  }
0xb0: {  	[dreg:$0x4] =	wrdreg $0x9  }
0xb1: {  	_ =	task.clear_ibuf [dreg:s7], $0x5FFFF;
	_ =	strace $0x90000046  }
0xb2: {  	s29 =	simm.s32 $0x9;
	_ =	strace $0x80000048  }
0xb3: {  	_ =	swait.ge [sflag:s29], $0x1  }
0xb4: {  	[sflag:s29] =	ssyncadd.s32 $0xFFFFFFFF  }
0xb5: {  	_ =	strace $0x90000048  }
0xb6: {  	_ =	sfence  }
0xb7: {  	s30 =	sld [smem:$0x0];
	_ =	sdelay $0x2  }
0xb8: {  	s31 =	sshll.u32 s1, $0xD;
	s1 =	sshrl.u32 s1, $0x2  }
0xb9: {  	s3 =	sand.u32 $0x4000, s31;
	s1 =	sadd.s32 s1, s30  }
0xba: {  	s0 =	sor.u32 s3, s0;
	s1 =	sshll.u32 s1, $0x11  }
0xbb: {  	s0 =	sor.u32 s1, s0  }
0xbc: {  	s0 =	sadd.s32 $0x8F2B, s0  }
0xbd: {  	[sflag:s0] =	ssyncadd.remote.s32 $0x1  }
0xbe: {  	_ =	sfence.sel $0xFFFF  }
0xbf: {  	[dreg:$0x0] =	wrdreg $0xFFFFFFFF;
	(pc) =	sbr.abs _section_cstart, $3  }
0xc0: {  	[dreg:$0x1] =	wrdreg $0xFFFFFFFF  }
0xc1: {  	_ =	task.clear_ibuf [dreg:s7], $0x2FFFF;
	_ =	strace $0x9FFFFFFF  }
0xc2: {  	(tm) =	ssettm $0x7FFFFFFF  }
0xc3: {  	_ =	shalt  }
tec
execute0_lowered:
.L_overlay_start_1:
0x0: {  	(tag) =	ssettag $0x1  }
0x1: {  	s13 =	rddreg [dreg:$0x0];
	s0 =	srdreg.scid  }
0x2: {  	s2 =	stileid.u32;
	s1 =	rddreg [dreg:$0x1];
	s15 =	simm.s32 $0x0  }
0x3: {  	s0 =	sand.u32 $0x1, s0;
	s5 =	smul.u32 $0x700000, s2;
	[smem:$0x7FF] =	sst s15  }
0x4: {  	s4 =	sadd.s32 $0xF42E00, s1;
	s1 =	sadd.s32 $0xA00, s1;
	s6 =	smul.u32 $0x380000, s0  }
0x5: {  	s9 =	sshll.u32 s2, $0x1;
	s28 =	smul.u32 $0xE0000, s2;
	_ =	strace $0x80000047  }
0x6: {  	s9 =	sor.u32 s0, s9;
	s30 =	smul.u32 $0x70000, s0;
	s7 =	sadd.s32 s6, s5  }
0x7: {  	s5 =	ssub.s32 $0x2, s0;
	s0 =	smul.u32 $0x6400, s0;
	s8 =	sor.u32 $0x1A400, s7  }
0x8: {  	s6 =	sshrl.u32 s5, $0x1;
	s10 =	sor.u32 $0x18800, s7;
	s21 =	sor.u32 $0x16C00, s7  }
0x9: {  	s11 =	sor.u32 $0x15000, s7;
	s24 =	sor.u32 $0x13400, s7;
	s26 =	sor.u32 $0x11800, s7  }
0xa: {  	s12 =	sor.u32 $0xC400, s7;
	s17 =	sor.u32 $0x36400, s7;
	s8 =	sshrl.u32 s8, $0x3  }
0xb: {  	s20 =	sshrl.u32 s10, $0x3;
	s10 =	sshrl.u32 s21, $0x3;
	s23 =	sshrl.u32 s11, $0x3  }
0xc: {  	s25 =	sshrl.u32 s24, $0x3;
	s29 =	sshrl.u32 s26, $0x3;
	s8 =	sadd.s32 s8, s1  }
0xd: {  	s11 =	sadd.s32 s28, s1;
	s22 =	sadd.s32 s10, s1;
	[dreg:$0x3] =	wrdreg s8  }
0xe: {  	s3 =	sshrl.u32 s12, $0x3;
	s10 =	sadd.s32 s23, s1;
	[dreg:$0x5] =	wrdreg s22  }
0xf: {  	s24 =	sor.u32 $0x31000, s7;
	s31 =	sadd.s32 s30, s11;
	[dreg:$0x6] =	wrdreg s10  }
0x10: {  	s11 =	sadd.s32 s3, s1;
	s26 =	sshrl.u32 s24, $0x3;
	[dreg:$0x9] =	wrdreg s31  }
0x11: {  	s24 =	smul.u32 $0xC800, s2;
	s2 =	simm.s32 $0x76C0;
	[dreg:$0xa] =	wrdreg s11  }
0x12: {  	s19 =	sshrl.u32 s17, $0x3;
	s8 =	sadd.s32 s20, s1;
	[dreg:$0x1e] =	wrdreg s2  }
0x13: {  	s16 =	sor.u32 $0x8C00, s7;
	s20 =	sadd.s32 s19, s1;
	[dreg:$0x4] =	wrdreg s8  }
0x14: {  	s21 =	sor.u32 $0x34800, s7;
	s28 =	sadd.s32 s26, s1;
	[dreg:$0xd] =	wrdreg s20  }
0x15: {  	s22 =	sshrl.u32 s21, $0x3;
	s21 =	simm.s32 $0x12C0;
	[dreg:$0x10] =	wrdreg s28  }
0x16: {  	s5 =	ssub.s32 s5, s6;
	s26 =	simm.s32 $0x44C0;
	[dreg:$0x17] =	wrdreg s21  }
0x17: {  	s10 =	sshrl.u32 s16, $0x3;
	s11 =	simm.s32 $0xA8C0;
	[dreg:$0x1b] =	wrdreg s26  }
0x18: {  	s8 =	smul.u32 $0x6400, s9;
	s9 =	sadd.s32 s25, s1;
	[smem:$0x7EB] =	sst s11  }
0x19: {  	s23 =	sor.u32 $0x32C00, s7;
	s18 =	sadd.s32 s10, s1;
	[dreg:$0x7] =	wrdreg s9  }
0x1a: {  	s10 =	sshrl.u32 s23, $0x3;
	s23 =	simm.s32 $0x2BC0;
	[dreg:$0xc] =	wrdreg s18  }
0x1b: {  	s16 =	sor.u32 $0x24C00, s7;
	s28 =	smax.u32 s5, $0x1;
	[dreg:$0x19] =	wrdreg s23  }
0x1c: {  	s17 =	sshrl.u32 s16, $0x3;
	s16 =	simm.s32 $0xC1C0;
	[smem:$0x7E6] =	sst s28  }
0x1d: {  	s21 =	simm.s32 $0x10CC0;
	[smem:$0x7EE] =	sst s16  }
0x1e: {  	s0 =	sadd.s32 s0, s24;
	s24 =	simm.s32 $0x13EC0;
	[smem:$0x7F4] =	sst s21  }
0x1f: {  	s26 =	simm.s32 $0x157C0;
	[smem:$0x7F7] =	sst s24  }
0x20: {  	s12 =	sor.u32 $0xA800, s7;
	s9 =	sadd.s32 s29, s1;
	[smem:$0x7F9] =	sst s26  }
0x21: {  	s14 =	sshrl.u32 s12, $0x3;
	s25 =	sadd.s32 s10, s1;
	[dreg:$0x8] =	wrdreg s9  }
0x22: {  	s3 =	sor.u32 $0x26800, s7;
	s23 =	simm.s32 $0x125C0;
	[dreg:$0xf] =	wrdreg s25  }
0x23: {  	s31 =	sor.u32 $0x28400, s7;
	s28 =	simm.s32 $0x16440;
	[smem:$0x7F6] =	sst s23  }
0x24: {  	s10 =	sshrl.u32 s31, $0x3;
	s9 =	sadd.s32 s14, s1;
	[smem:$0x7FA] =	sst s28  }
0x25: {  	s12 =	sshrl.u32 s3, $0x3;
	s10 =	sadd.s32 s10, s1;
	[dreg:$0xb] =	wrdreg s9  }
0x26: {  	s14 =	sadd.s32 s12, s1;
	[dreg:$0x12] =	wrdreg s10  }
0x27: {  	s29 =	sor.u32 $0x2D800, s7;
	s25 =	simm.s32 $0x3840;
	[dreg:$0x13] =	wrdreg s14  }
0x28: {  	s30 =	sshrl.u32 s29, $0x3;
	s29 =	simm.s32 $0x5140;
	[dreg:$0x1a] =	wrdreg s25  }
0x29: {  	s20 =	sshrl.u32 s8, $0x3;
	s8 =	sadd.s32 $0x640, s0;
	[dreg:$0x1c] =	wrdreg s29  }
0x2a: {  	s31 =	sadd.s32 $0x7D0, s0;
	s12 =	simm.s32 $0xB540;
	[smem:$0x7E8] =	sst s8  }
0x2b: {  	s5 =	sshrl.u32 s31, $0x3;
	s31 =	simm.s32 $0x189C0;
	[smem:$0x7ED] =	sst s12  }
0x2c: {  	s9 =	sadd.s32 s22, s1;
	[smem:$0x7FD] =	sst s31  }
0x2d: {  	s2 =	simm.s32 $0x640;
	s3 =	sadd.s32 s13, s20;
	[dreg:$0xe] =	wrdreg s9  }
0x2e: {  	s18 =	sor.u32 $0x23000, s7;
	s22 =	simm.s32 $0x1F40;
	[smem:$0x7E4] =	sst s3  }
0x2f: {  	s7 =	sor.u32 $0x21400, s7;
	s6 =	sadd.s32 s5, s13;
	[dreg:$0x18] =	wrdreg s22  }
0x30: {  	s10 =	sshrl.u32 s18, $0x3;
	s18 =	simm.s32 $0xE740;
	[smem:$0x7E7] =	sst s6  }
0x31: {  	s16 =	simm.s32 $0x190;
	s20 =	simm.s32 $0x10040;
	[smem:$0x7F1] =	sst s18  }
0x32: {  	s21 =	simm.s32 $0x4B0;
	s25 =	simm.s32 $0x14B40;
	[smem:$0x7F3] =	sst s20  }
0x33: {  	s24 =	simm.s32 $0x3;
	s29 =	simm.s32 $0x170C0;
	[smem:$0x7F8] =	sst s25  }
0x34: {  	s7 =	sshrl.u32 s7, $0x3;
	s9 =	sadd.s32 s30, s1;
	[smem:$0x7FB] =	sst s29  }
0x35: {  	s23 =	simm.s32 $0x2;
	s19 =	sadd.s32 s10, s1;
	[dreg:$0x11] =	wrdreg s9  }
0x36: {  	s12 =	simm.s32 $0x9;
	s3 =	sadd.s32 $0x32, s3;
	[dreg:$0x15] =	wrdreg s19  }
0x37: {  	s30 =	simm.s32 $0x5DC0;
	s10 =	sadd.s32 $0x4B0, s0;
	[smem:$0x7E5] =	sst s3  }
0x38: {  	s0 =	sor.u32 $0x320, s0;
	s22 =	simm.s32 $0x11940;
	[dreg:$0x1d] =	wrdreg s30  }
0x39: {  	s18 =	simm.s32 $0x1;
	s9 =	sadd.s32 s17, s1;
	[smem:$0x7F5] =	sst s22  }
0x3a: {  	s20 =	simm.s32 $0x80;
	s1 =	sadd.s32 s7, s1;
	[dreg:$0x14] =	wrdreg s9  }
0x3b: {  	s25 =	simm.s32 $0x4;
	s3 =	simm.s32 $0x8340;
	[dreg:$0x16] =	wrdreg s1  }
0x3c: {  	s7 =	simm.s32 $0x8FC0;
	s5 =	sshrl.u32 s10, $0x3;
	[dreg:$0x1f] =	wrdreg s3  }
0x3d: {  	s17 =	simm.s32 $0xDAC0;
	s0 =	sshrl.u32 s0, $0x3;
	[smem:$0x7E9] =	sst s7  }
0x3e: {  	s19 =	simm.s32 $0xF3C0;
	s10 =	simm.s32 $0x6A40;
	[smem:$0x7EF] =	sst s17  }
0x3f: {  	s30 =	simm.s32 $0x17D40;
	s22 =	simm.s32 $0x4B0;
	[smem:$0x7F2] =	sst s19  }
0x40: {  	s9 =	simm.s32 $0x9C40;
	s14 =	sadd.s32 s5, s13;
	[smem:$0x7FC] =	sst s30  }
0x41: {  	s0 =	sadd.s32 s0, s13;
	s1 =	simm.s32 $0x320;
	[smem:$0x7EA] =	sst s9  }
0x42: {  	s19 =	simm.s32 $0x40;
	s17 =	simm.s32 $0x13240;
	[smem:$0x7EC] =	sst s14  }
0x43: {  	s3 =	simm.s32 $0x0;
	[smem:$0x7F0] =	sst s0;
	s14 =	simm.s32 $0xCE40  }
.LBB2_1:
0x44: {  	s0 =	sld [smem:$0x7E4];
	_ =	sdelay $0x1  }
0x45: {  	[smem:$0x7E3] =	sst s3  }
0x46: {  	[tilespmem:s15], [sflag:$0x9] =	stream.linear.gather [hbm4b:s0+s15], $0x190, $0x38;
	[tilespmem:$0x19640] =	vst v63  }
0x47: {  	_ =	swait.ge [sflag:s12], $0x190  }
0x48: {  	[sflag:s12] =	ssyncset.done $0x0  }
0x49: {  	s8 =	sld [smem:$0x7E5];
	[sflag:s12] =	ssyncadd.s32 $0xFFFFFE70  }
0x4a: {  	[tilespmem:s2], [sflag:$0x1] =	stream.indirect.gather [hbm4b:s4+s16], $0x40, s15, s16, $0xb8;
	[tilespmem:$0x19640] =	vst v63  }
0x4b: {  	_ = 	snop  }
0x4c: {  	[tilespmem:s16], [sflag:$0x9] =	stream.linear.gather [hbm4b:s8+s15], $0x190, $0x38;
	[tilespmem:$0x19640] =	vst v63  }
0x4d: {  	_ =	swait.ge [sflag:s12], $0x190  }
0x4e: {  	p0 =	por $0x1, $0x1;
	[sflag:s12] =	ssyncset.done $0x0  }
0x4f: {  	s0 =	simm.s32 @!p0 $0x7;
	[sflag:s12] =	ssyncadd.s32 $0xFFFFFE70  }
0x50: {  	[tilespmem:s10], [sflag:$0x2] =	stream.indirect.gather [hbm4b:s4+s16], $0x40, s16, s16, $0xb8;
	[tilespmem:$0x19640] =	vst v63  }
0x51: {  	_ =	swait.ge @!p0 [sflag:s0], $0xC80  }
0x52: {  	[sflag:s0] =	ssyncset.done @!p0 $0x0  }
0x53: {  	[sflag:s0] =	ssyncadd.s32 @!p0 $0xFFFFF380  }
0x54: {  	_ =	swait.ge @!p0 [sflag:s0], $0xC80  }
0x55: {  	[sflag:s0] =	ssyncset.done @!p0 $0x0  }
0x56: {  	[sflag:s0] =	ssyncadd.s32 @!p0 $0xFFFFF380  }
0x57: {  	_ =	swait.ge @!p0 [sflag:s0], $0xC80  }
0x58: {  	[sflag:s0] =	ssyncset.done @!p0 $0x0  }
0x59: {  	[sflag:s0] =	ssyncadd.s32 @!p0 $0xFFFFF380  }
0x5a: {  	_ =	swait.ge @!p0 [sflag:s0], $0xC80  }
0x5b: {  	[sflag:s0] =	ssyncset.done @!p0 $0x0  }
0x5c: {  	[sflag:s0] =	ssyncadd.s32 @!p0 $0xFFFFF380  }
0x5d: {  	_ =	swait.ge @!p0 [sflag:s0], $0xC80  }
0x5e: {  	[sflag:s0] =	ssyncset.done @!p0 $0x0  }
0x5f: {  	[sflag:s0] =	ssyncadd.s32 @!p0 $0xFFFFF380  }
0x60: {  	_ =	swait.ge @!p0 [sflag:s0], $0xC80  }
0x61: {  	[sflag:s0] =	ssyncset.done @!p0 $0x0  }
0x62: {  	[sflag:s0] =	ssyncadd.s32 @!p0 $0xFFFFF380  }
0x63: {  	_ =	swait.ge @!p0 [sflag:s0], $0xC80  }
0x64: {  	[sflag:s0] =	ssyncset.done @!p0 $0x0  }
0x65: {  	[sflag:s0] =	ssyncadd.s32 @!p0 $0xFFFFF380  }
0x66: {  	_ =	swait.ge @!p0 [sflag:s0], $0xC80  }
0x67: {  	s11 =	sld [smem:$0x7F0]  }
0x68: {  	[sflag:s0] =	ssyncset.done @!p0 $0x0  }
0x69: {  	[sflag:s0] =	ssyncadd.s32 @!p0 $0xFFFFF380  }
0x6a: {  	[tilespmem:s1], [sflag:$0x9] =	stream.linear.gather [hbm4b:s11+s15], $0x190, $0x38;
	[tilespmem:$0x19640] =	vst v63  }
0x6b: {  	_ =	swait.ge [sflag:s12], $0x190  }
0x6c: {  	[sflag:s12] =	ssyncset.done $0x0  }
0x6d: {  	[sflag:s12] =	ssyncadd.s32 $0xFFFFFE70  }
0x6e: {  	[tilespmem:s14], [sflag:$0x3] =	stream.indirect.gather [hbm4b:s4+s16], $0x40, s1, s16, $0xb8;
	[tilespmem:$0x19640] =	vst v63  }
0x6f: {  	_ =	swait.ge [sflag:s18], $0x6400  }
0x70: {  	s9 =	rddreg [dreg:$0x9]  }
0x71: {  	s5 =	rddreg [dreg:$0xc]  }
0x72: {  	s6 =	rddreg [dreg:$0x17];
	[sflag:s18] =	ssyncset.done $0x0  }
0x73: {  	s7 =	rddreg [dreg:$0xb];
	[sflag:s18] =	ssyncadd.s32 $0xFFFF9C00;
	s1 =	sadd.s32 $0x0, s9  }
0x74: {  	[hbm4b:s1+s19] =	stream.strided.scatter [tilespmem:s2], [sflag:$0x5], $0xC80, s20, s19, $0x38;
	[tilespmem:$0x19640] =	vst v63  }
0x75: {  	s26 =	rddreg [dreg:$0x18];
	s8 =	sadd.s32 $0x380, s1  }
0x76: {  	[hbm4b:s8+s19] =	stream.strided.scatter [tilespmem:s6], [sflag:$0x5], $0xC80, s20, s19, $0x38;
	[tilespmem:$0x19640] =	vst v63  }
0x77: {  	s29 =	rddreg [dreg:$0x1a];
	s28 =	sadd.s32 $0x700, s1  }
0x78: {  	[hbm4b:s28+s19] =	stream.strided.scatter [tilespmem:s26], [sflag:$0x5], $0xC80, s20, s19, $0x38;
	[tilespmem:$0x19640] =	vst v63  }
0x79: {  	s9 =	rddreg [dreg:$0x19];
	s30 =	sadd.s32 $0xA80, s1  }
0x7a: {  	[hbm4b:s30+s19] =	stream.strided.scatter [tilespmem:s9], [sflag:$0x5], $0xC80, s20, s19, $0x38;
	[tilespmem:$0x19640] =	vst v63  }
0x7b: {  	s31 =	rddreg [dreg:$0x1b];
	s2 =	sadd.s32 $0xE00, s1  }
0x7c: {  	[hbm4b:s2+s19] =	stream.strided.scatter [tilespmem:s29], [sflag:$0x5], $0xC80, s20, s19, $0x38;
	[tilespmem:$0x19640] =	vst v63  }
0x7d: {  	s3 =	rddreg [dreg:$0x1c];
	s5 =	sadd.s32 $0x0, s5  }
0x7e: {  	[hbm4b:s5+s19] =	stream.strided.scatter [tilespmem:s31], [sflag:$0x5], $0xC80, s20, s19, $0x38;
	[tilespmem:$0x19640] =	vst v63  }
0x7f: {  	s8 =	rddreg [dreg:$0xa];
	s26 =	sadd.s32 $0x0, s7  }
0x80: {  	[hbm4b:s26+s19] =	stream.strided.scatter [tilespmem:s3], [sflag:$0x5], $0xC80, s20, s19, $0x38;
	[tilespmem:$0x19640] =	vst v63  }
0x81: {  	s28 =	rddreg [dreg:$0x1d];
	s29 =	sadd.s32 $0x0, s8;
	s5 =	simm.s32 @!p0 $0x8  }
0x82: {  	[hbm4b:s29+s19] =	stream.strided.scatter [tilespmem:s28], [sflag:$0x5], $0xC80, s20, s19, $0x38;
	[tilespmem:$0x19640] =	vst v63  }
0x83: {  	_ =	swait.ge @!p0 [sflag:s5], $0xC80  }
0x84: {  	[sflag:s5] =	ssyncset.done @!p0 $0x0  }
0x85: {  	[sflag:s5] =	ssyncadd.s32 @!p0 $0xFFFFF380  }
0x86: {  	_ =	swait.ge @!p0 [sflag:s5], $0xC80  }
0x87: {  	[sflag:s5] =	ssyncset.done @!p0 $0x0  }
0x88: {  	[sflag:s5] =	ssyncadd.s32 @!p0 $0xFFFFF380  }
0x89: {  	_ =	swait.ge @!p0 [sflag:s5], $0xC80  }
0x8a: {  	[sflag:s5] =	ssyncset.done @!p0 $0x0  }
0x8b: {  	[sflag:s5] =	ssyncadd.s32 @!p0 $0xFFFFF380  }
0x8c: {  	_ =	swait.ge @!p0 [sflag:s5], $0xC80  }
0x8d: {  	[sflag:s5] =	ssyncset.done @!p0 $0x0  }
0x8e: {  	[sflag:s5] =	ssyncadd.s32 @!p0 $0xFFFFF380  }
0x8f: {  	_ =	swait.ge @!p0 [sflag:s5], $0xC80  }
0x90: {  	[sflag:s5] =	ssyncset.done @!p0 $0x0  }
0x91: {  	[sflag:s5] =	ssyncadd.s32 @!p0 $0xFFFFF380  }
0x92: {  	_ =	swait.ge @!p0 [sflag:s5], $0xC80  }
0x93: {  	[sflag:s5] =	ssyncset.done @!p0 $0x0  }
0x94: {  	[sflag:s5] =	ssyncadd.s32 @!p0 $0xFFFFF380  }
0x95: {  	_ =	swait.ge @!p0 [sflag:s5], $0xC80  }
0x96: {  	[sflag:s5] =	ssyncset.done @!p0 $0x0  }
0x97: {  	[sflag:s5] =	ssyncadd.s32 @!p0 $0xFFFFF380  }
0x98: {  	_ =	swait.ge @!p0 [sflag:s5], $0xC80  }
0x99: {  	s3 =	sld [smem:$0x7EC]  }
0x9a: {  	[sflag:s5] =	ssyncset.done @!p0 $0x0  }
0x9b: {  	[sflag:s5] =	ssyncadd.s32 @!p0 $0xFFFFF380  }
0x9c: {  	[tilespmem:s21], [sflag:$0x9] =	stream.linear.gather [hbm4b:s3+s15], $0x190, $0x38;
	[tilespmem:$0x19640] =	vst v63  }
0x9d: {  	_ =	swait.ge [sflag:s12], $0x190  }
0x9e: {  	[sflag:s12] =	ssyncset.done $0x0  }
0x9f: {  	[sflag:s12] =	ssyncadd.s32 $0xFFFFFE70  }
0xa0: {  	[tilespmem:s17], [sflag:$0x4] =	stream.indirect.gather [hbm4b:s4+s16], $0x40, s21, s16, $0xb8;
	[tilespmem:$0x19640] =	vst v63  }
0xa1: {  	_ =	swait.ge [sflag:s23], $0x6400  }
0xa2: {  	s0 =	rddreg [dreg:$0x6]  }
0xa3: {  	s5 =	sld [smem:$0x7E9]  }
0xa4: {  	s6 =	rddreg [dreg:$0x5]  }
0xa5: {  	s30 =	rddreg [dreg:$0x1f]  }
0xa6: {  	s2 =	rddreg [dreg:$0x1e]  }
0xa7: {  	[sflag:s23] =	ssyncset.done $0x0;
	s17 =	rddreg [dreg:$0x8]  }
0xa8: {  	s31 =	sadd.s32 $0x1C00, s1;
	s21 =	rddreg [dreg:$0x7];
	[sflag:s23] =	ssyncadd.s32 $0xFFFF9C00  }
0xa9: {  	[hbm4b:s31+s19] =	stream.strided.scatter [tilespmem:s10], [sflag:$0x6], $0xC80, s20, s19, $0x38;
	[tilespmem:$0x19640] =	vst v63  }
0xaa: {  	s26 =	rddreg [dreg:$0x4];
	s10 =	sadd.s32 $0x1F80, s1  }
0xab: {  	[hbm4b:s10+s19] =	stream.strided.scatter [tilespmem:s2], [sflag:$0x6], $0xC80, s20, s19, $0x38;
	[tilespmem:$0x19640] =	vst v63  }
0xac: {  	s28 =	rddreg [dreg:$0x3];
	s10 =	sadd.s32 $0x0, s17  }
0xad: {  	[hbm4b:s10+s19] =	stream.strided.scatter [tilespmem:s30], [sflag:$0x6], $0xC80, s20, s19, $0x38;
	[tilespmem:$0x19640] =	vst v63  }
0xae: {  	s29 =	sld [smem:$0x7EA];
	s8 =	sadd.s32 $0x0, s21  }
0xaf: {  	[hbm4b:s8+s19] =	stream.strided.scatter [tilespmem:s5], [sflag:$0x6], $0xC80, s20, s19, $0x38;
	[tilespmem:$0x19640] =	vst v63  }
0xb0: {  	s0 =	sadd.s32 $0x0, s0;
	s30 =	sld [smem:$0x7EB]  }
0xb1: {  	[hbm4b:s0+s19] =	stream.strided.scatter [tilespmem:s29], [sflag:$0x6], $0xC80, s20, s19, $0x38;
	[tilespmem:$0x19640] =	vst v63  }
0xb2: {  	s31 =	sadd.s32 $0x0, s6;
	s2 =	sld [smem:$0x7ED]  }
0xb3: {  	[hbm4b:s31+s19] =	stream.strided.scatter [tilespmem:s30], [sflag:$0x6], $0xC80, s20, s19, $0x38;
	[tilespmem:$0x19640] =	vst v63  }
0xb4: {  	p0 =	por $0x0, $0x0;
	s9 =	sld [smem:$0x7EE];
	s8 =	sadd.s32 $0x0, s26  }
0xb5: {  	[hbm4b:s8+s19] =	stream.strided.scatter [tilespmem:s2], [sflag:$0x6], $0xC80, s20, s19, $0x38;
	[tilespmem:$0x19640] =	vst v63  }
0xb6: {  	s10 =	sadd.s32 $0x0, s28;
	s0 =	simm.s32 @!p0 $0x5  }
0xb7: {  	[hbm4b:s10+s19] =	stream.strided.scatter [tilespmem:s9], [sflag:$0x6], $0xC80, s20, s19, $0x38;
	[tilespmem:$0x19640] =	vst v63  }
0xb8: {  	_ =	swait.ge @!p0 [sflag:s0], $0xC80  }
0xb9: {  	[sflag:s0] =	ssyncset.done @!p0 $0x0  }
0xba: {  	[sflag:s0] =	ssyncadd.s32 @!p0 $0xFFFFF380  }
0xbb: {  	_ =	swait.ge @!p0 [sflag:s0], $0xC80  }
0xbc: {  	[sflag:s0] =	ssyncset.done @!p0 $0x0  }
0xbd: {  	[sflag:s0] =	ssyncadd.s32 @!p0 $0xFFFFF380  }
0xbe: {  	_ =	swait.ge @!p0 [sflag:s0], $0xC80  }
0xbf: {  	[sflag:s0] =	ssyncset.done @!p0 $0x0  }
0xc0: {  	[sflag:s0] =	ssyncadd.s32 @!p0 $0xFFFFF380  }
0xc1: {  	_ =	swait.ge @!p0 [sflag:s0], $0xC80  }
0xc2: {  	[sflag:s0] =	ssyncset.done @!p0 $0x0  }
0xc3: {  	[sflag:s0] =	ssyncadd.s32 @!p0 $0xFFFFF380  }
0xc4: {  	_ =	swait.ge @!p0 [sflag:s0], $0xC80  }
0xc5: {  	[sflag:s0] =	ssyncset.done @!p0 $0x0  }
0xc6: {  	[sflag:s0] =	ssyncadd.s32 @!p0 $0xFFFFF380  }
0xc7: {  	_ =	swait.ge @!p0 [sflag:s0], $0xC80  }
0xc8: {  	[sflag:s0] =	ssyncset.done @!p0 $0x0  }
0xc9: {  	[sflag:s0] =	ssyncadd.s32 @!p0 $0xFFFFF380  }
0xca: {  	_ =	swait.ge @!p0 [sflag:s0], $0xC80  }
0xcb: {  	s2 =	sld [smem:$0x7E8]  }
0xcc: {  	[sflag:s0] =	ssyncset.done @!p0 $0x0  }
0xcd: {  	[sflag:s0] =	ssyncadd.s32 @!p0 $0xFFFFF380  }
0xce: {  	_ =	swait.ge @!p0 [sflag:s0], $0xC80;
	s5 =	sshrl.u32 @!p0 s2, $0x3  }
0xcf: {  	[sflag:s0] =	ssyncset.done @!p0 $0x0;
	s6 =	sadd.s32 @!p0 s13, s5  }
0xd0: {  	[sflag:s0] =	ssyncadd.s32 @!p0 $0xFFFFF380;
	s5 =	simm.s32 @!p0 $0x0;
	s0 =	simm.s32 @!p0 $0x9  }
0xd1: {  	[tilespmem:s5], [sflag:$0x9] =	stream.linear.gather @!p0 [hbm4b:s6+s5], $0x190, $0x38;
	[tilespmem:$0x19640] =	vst v63  }
0xd2: {  	_ =	swait.ge @!p0 [sflag:s0], $0x190  }
0xd3: {  	[sflag:s0] =	ssyncset.done @!p0 $0x0  }
0xd4: {  	s7 =	simm.s32 @!p0 $0x640;
	s6 =	simm.s32 @!p0 $0x190;
	[sflag:s0] =	ssyncadd.s32 @!p0 $0xFFFFFE70  }
0xd5: {  	[tilespmem:s7], [sflag:$0x1] =	stream.indirect.gather @!p0 [hbm4b:s4+s6], $0x40, s5, s6, $0xb8;
	[tilespmem:$0x19640] =	vst v63  }
0xd6: {  	_ =	swait.ge [sflag:s24], $0x6400  }
0xd7: {  	s17 =	rddreg [dreg:$0x16]  }
0xd8: {  	s26 =	sld [smem:$0x7EF]  }
0xd9: {  	s28 =	sld [smem:$0x7F1]  }
0xda: {  	s21 =	sadd.s32 $0x3800, s1;
	[sflag:s24] =	ssyncset.done $0x0;
	s31 =	sld [smem:$0x7F2]  }
0xdb: {  	[sflag:s24] =	ssyncadd.s32 $0xFFFF9C00;
	s7 =	sadd.s32 $0x0, s17;
	s17 =	sld [smem:$0x7F3]  }
0xdc: {  	[hbm4b:s21+s19] =	stream.strided.scatter [tilespmem:s14], [sflag:$0x7], $0xC80, s20, s19, $0x38;
	[tilespmem:$0x19640] =	vst v63  }
0xdd: {  	s14 =	rddreg [dreg:$0x15]  }
0xde: {  	s29 =	sadd.s32 $0x3B80, s1;
	s21 =	rddreg [dreg:$0x14]  }
0xdf: {  	[hbm4b:s29+s19] =	stream.strided.scatter [tilespmem:s26], [sflag:$0x7], $0xC80, s20, s19, $0x38;
	[tilespmem:$0x19640] =	vst v63  }
0xe0: {  	s30 =	sadd.s32 $0x3F00, s1;
	s26 =	sld [smem:$0x7F4]  }
0xe1: {  	[hbm4b:s30+s19] =	stream.strided.scatter [tilespmem:s28], [sflag:$0x7], $0xC80, s20, s19, $0x38;
	[tilespmem:$0x19640] =	vst v63  }
0xe2: {  	s29 =	sld [smem:$0x7F5]  }
0xe3: {  	[hbm4b:s7+s19] =	stream.strided.scatter [tilespmem:s31], [sflag:$0x7], $0xC80, s20, s19, $0x38;
	[tilespmem:$0x19640] =	vst v63  }
0xe4: {  	s8 =	sadd.s32 $0x0, s14;
	s28 =	rddreg [dreg:$0x13]  }
0xe5: {  	[hbm4b:s8+s19] =	stream.strided.scatter [tilespmem:s17], [sflag:$0x7], $0xC80, s20, s19, $0x38;
	[tilespmem:$0x19640] =	vst v63  }
0xe6: {  	s30 =	rddreg [dreg:$0x12];
	s7 =	sadd.s32 $0x0, s21  }
0xe7: {  	[hbm4b:s7+s19] =	stream.strided.scatter [tilespmem:s26], [sflag:$0x7], $0xC80, s20, s19, $0x38;
	[tilespmem:$0x19640] =	vst v63  }
0xe8: {  	s31 =	sld [smem:$0x7F6];
	s8 =	sadd.s32 $0x0, s28  }
0xe9: {  	[hbm4b:s8+s19] =	stream.strided.scatter [tilespmem:s29], [sflag:$0x7], $0xC80, s20, s19, $0x38;
	[tilespmem:$0x19640] =	vst v63  }
0xea: {  	s7 =	sadd.s32 $0x0, s30;
	s8 =	simm.s32 @!p0 $0x6  }
0xeb: {  	[hbm4b:s7+s19] =	stream.strided.scatter [tilespmem:s31], [sflag:$0x7], $0xC80, s20, s19, $0x38;
	[tilespmem:$0x19640] =	vst v63  }
0xec: {  	_ =	swait.ge @!p0 [sflag:s8], $0xC80  }
0xed: {  	[sflag:s8] =	ssyncset.done @!p0 $0x0  }
0xee: {  	[sflag:s8] =	ssyncadd.s32 @!p0 $0xFFFFF380  }
0xef: {  	_ =	swait.ge @!p0 [sflag:s8], $0xC80  }
0xf0: {  	[sflag:s8] =	ssyncset.done @!p0 $0x0  }
0xf1: {  	[sflag:s8] =	ssyncadd.s32 @!p0 $0xFFFFF380  }
0xf2: {  	_ =	swait.ge @!p0 [sflag:s8], $0xC80  }
0xf3: {  	[sflag:s8] =	ssyncset.done @!p0 $0x0  }
0xf4: {  	[sflag:s8] =	ssyncadd.s32 @!p0 $0xFFFFF380  }
0xf5: {  	_ =	swait.ge @!p0 [sflag:s8], $0xC80  }
0xf6: {  	[sflag:s8] =	ssyncset.done @!p0 $0x0  }
0xf7: {  	[sflag:s8] =	ssyncadd.s32 @!p0 $0xFFFFF380  }
0xf8: {  	_ =	swait.ge @!p0 [sflag:s8], $0xC80  }
0xf9: {  	[sflag:s8] =	ssyncset.done @!p0 $0x0  }
0xfa: {  	[sflag:s8] =	ssyncadd.s32 @!p0 $0xFFFFF380  }
0xfb: {  	_ =	swait.ge @!p0 [sflag:s8], $0xC80  }
0xfc: {  	[sflag:s8] =	ssyncset.done @!p0 $0x0  }
0xfd: {  	[sflag:s8] =	ssyncadd.s32 @!p0 $0xFFFFF380  }
0xfe: {  	_ =	swait.ge @!p0 [sflag:s8], $0xC80  }
0xff: {  	[sflag:s8] =	ssyncset.done @!p0 $0x0  }
0x100: {  	[sflag:s8] =	ssyncadd.s32 @!p0 $0xFFFFF380  }
0x101: {  	_ =	swait.ge @!p0 [sflag:s8], $0xC80  }
0x102: {  	[sflag:s8] =	ssyncset.done @!p0 $0x0  }
0x103: {  	[sflag:s8] =	ssyncadd.s32 @!p0 $0xFFFFF380;
	s8 =	sld [smem:$0x7E7];
	_ =	sdelay $0x2  }
0x104: {  	[tilespmem:s6], [sflag:$0x9] =	stream.linear.gather @!p0 [hbm4b:s8+s5], $0x190, $0x38;
	[tilespmem:$0x19640] =	vst v63  }
0x105: {  	s9 =	sadd.s32 $0xC8, s3;
	_ =	swait.ge @!p0 [sflag:s0], $0x190  }
0x106: {  	s21 =	simm.s32 $0xCE40;
	s7 =	sadd.s32 $0xC8, s11;
	[sflag:s0] =	ssyncset.done @!p0 $0x0  }
0x107: {  	s5 =	sadd.s32 $0x640, s2;
	[sflag:s0] =	ssyncadd.s32 @!p0 $0xFFFFFE70;
	s0 =	simm.s32 @!p0 $0x6A40  }
0x108: {  	[tilespmem:s0], [sflag:$0x2] =	stream.indirect.gather @!p0 [hbm4b:s4+s6], $0x40, s6, s6, $0xb8;
	[tilespmem:$0x19640] =	vst v63  }
0x109: {  	s6 =	simm.s32 $0x7000;
	s0 =	simm.s32 $0x0;
	_ =	swait.ge [sflag:s25], $0x6400  }
.LBB2_2:
0x10a: {  	s10 =	sld [smem:$0x7FC]  }
0x10b: {  	s31 =	rddreg [dreg:$0x11]  }
0x10c: {  	s26 =	rddreg [dreg:$0xf]  }
0x10d: {  	s29 =	rddreg [dreg:$0x10]  }
0x10e: {  	[sflag:s25] =	ssyncset.done $0x0;
	s28 =	sadd.s32 $0x5400, s1;
	s17 =	sld [smem:$0x7F7]  }
0x10f: {  	s3 =	simm.s32 $0x13240;
	s30 =	sld [smem:$0x7F9];
	[sflag:s25] =	ssyncadd.s32 $0xFFFF9C00  }
0x110: {  	[hbm4b:s28+s19] =	stream.strided.scatter [tilespmem:s3], [sflag:$0x8], $0xC80, s20, s19, $0x38;
	[tilespmem:$0x19640] =	vst v63  }
0x111: {  	s2 =	sadd.s32 $0x5780, s1;
	s14 =	sld [smem:$0x7F8]  }
0x112: {  	[hbm4b:s2+s19] =	stream.strided.scatter [tilespmem:s17], [sflag:$0x8], $0xC80, s20, s19, $0x38;
	[tilespmem:$0x19640] =	vst v63  }
0x113: {  	s31 =	sadd.s32 s0, s31;
	s2 =	rddreg [dreg:$0xe]  }
0x114: {  	[hbm4b:s31+s19] =	stream.strided.scatter [tilespmem:s14], [sflag:$0x8], $0xC80, s20, s19, $0x38;
	[tilespmem:$0x19640] =	vst v63  }
0x115: {  	s17 =	sld [smem:$0x7FA];
	s14 =	sadd.s32 $0x5E80, s1  }
0x116: {  	[hbm4b:s14+s19] =	stream.strided.scatter [tilespmem:s30], [sflag:$0x8], $0xC80, s20, s19, $0x38;
	[tilespmem:$0x19640] =	vst v63  }
0x117: {  	s31 =	sld [smem:$0x7FB];
	s30 =	sadd.s32 s0, s29  }
0x118: {  	[hbm4b:s30+s19] =	stream.strided.scatter [tilespmem:s17], [sflag:$0x8], $0xC80, s20, s19, $0x38;
	[tilespmem:$0x19640] =	vst v63  }
0x119: {  	s11 =	smov.u32 s6;
	s17 =	sadd.s32 s0, s26;
	s26 =	rddreg [dreg:$0xd]  }
0x11a: {  	[hbm4b:s17+s19] =	stream.strided.scatter [tilespmem:s31], [sflag:$0x8], $0xC80, s20, s19, $0x38;
	[tilespmem:$0x19640] =	vst v63  }
0x11b: {  	p1 =	seq.s32 s11, $0x0;
	s29 =	sadd.s32 s0, s2;
	s30 =	sld [smem:$0x7FD]  }
0x11c: {  	[hbm4b:s29+s19] =	stream.strided.scatter [tilespmem:s10], [sflag:$0x8], $0xC80, s20, s19, $0x38;
	[tilespmem:$0x19640] =	vst v63  }
0x11d: {  	s1 =	simm.s32 @!p1 $0x7;
	s31 =	sadd.s32 s0, s26  }
0x11e: {  	[hbm4b:s31+s19] =	stream.strided.scatter [tilespmem:s30], [sflag:$0x8], $0xC80, s20, s19, $0x38;
	[tilespmem:$0x19640] =	vst v63  }
0x11f: {  	_ =	swait.ge @!p1 [sflag:s1], $0xC80  }
0x120: {  	[sflag:s1] =	ssyncset.done @!p1 $0x0  }
0x121: {  	[sflag:s1] =	ssyncadd.s32 @!p1 $0xFFFFF380  }
0x122: {  	_ =	swait.ge @!p1 [sflag:s1], $0xC80  }
0x123: {  	[sflag:s1] =	ssyncset.done @!p1 $0x0  }
0x124: {  	[sflag:s1] =	ssyncadd.s32 @!p1 $0xFFFFF380  }
0x125: {  	_ =	swait.ge @!p1 [sflag:s1], $0xC80  }
0x126: {  	[sflag:s1] =	ssyncset.done @!p1 $0x0  }
0x127: {  	[sflag:s1] =	ssyncadd.s32 @!p1 $0xFFFFF380  }
0x128: {  	_ =	swait.ge @!p1 [sflag:s1], $0xC80  }
0x129: {  	[sflag:s1] =	ssyncset.done @!p1 $0x0  }
0x12a: {  	[sflag:s1] =	ssyncadd.s32 @!p1 $0xFFFFF380  }
0x12b: {  	_ =	swait.ge @!p1 [sflag:s1], $0xC80  }
0x12c: {  	[sflag:s1] =	ssyncset.done @!p1 $0x0  }
0x12d: {  	[sflag:s1] =	ssyncadd.s32 @!p1 $0xFFFFF380  }
0x12e: {  	_ =	swait.ge @!p1 [sflag:s1], $0xC80  }
0x12f: {  	[sflag:s1] =	ssyncset.done @!p1 $0x0  }
0x130: {  	[sflag:s1] =	ssyncadd.s32 @!p1 $0xFFFFF380  }
0x131: {  	_ =	swait.ge @!p1 [sflag:s1], $0xC80  }
0x132: {  	[sflag:s1] =	ssyncset.done @!p1 $0x0  }
0x133: {  	[sflag:s1] =	ssyncadd.s32 @!p1 $0xFFFFF380  }
0x134: {  	_ =	swait.ge @!p1 [sflag:s1], $0xC80  }
0x135: {  	[sflag:s1] =	ssyncset.done @!p1 $0x0  }
0x136: {  	s14 =	simm.s32 $0x320;
	[sflag:s1] =	ssyncadd.s32 @!p1 $0xFFFFF380  }
0x137: {  	[tilespmem:s14], [sflag:$0x9] =	stream.linear.gather [hbm4b:s7+s15], $0x190, $0x38;
	[tilespmem:$0x19640] =	vst v63  }
0x138: {  	_ =	swait.ge [sflag:s12], $0x190  }
0x139: {  	[sflag:s12] =	ssyncset.done $0x0  }
0x13a: {  	[sflag:s12] =	ssyncadd.s32 $0xFFFFFE70  }
0x13b: {  	[tilespmem:s21], [sflag:$0x3] =	stream.indirect.gather [hbm4b:s4+s16], $0x40, s14, s16, $0xb8;
	[tilespmem:$0x19640] =	vst v63  }
0x13c: {  	_ =	swait.ge [sflag:s18], $0x6400  }
0x13d: {  	s17 =	rddreg [dreg:$0x9]  }
0x13e: {  	s2 =	rddreg [dreg:$0xc]  }
0x13f: {  	s26 =	rddreg [dreg:$0x17]  }
0x140: {  	s0 =	smov.u32 s11;
	[sflag:s18] =	ssyncset.done $0x0;
	s11 =	rddreg [dreg:$0xb]  }
0x141: {  	[sflag:s18] =	ssyncadd.s32 $0xFFFF9C00;
	s1 =	sadd.s32 s0, s17;
	s17 =	simm.s32 $0x640  }
0x142: {  	[hbm4b:s1+s19] =	stream.strided.scatter [tilespmem:s17], [sflag:$0x5], $0xC80, s20, s19, $0x38;
	[tilespmem:$0x19640] =	vst v63  }
0x143: {  	s14 =	rddreg [dreg:$0x18];
	s29 =	sadd.s32 $0x380, s1  }
0x144: {  	[hbm4b:s29+s19] =	stream.strided.scatter [tilespmem:s26], [sflag:$0x5], $0xC80, s20, s19, $0x38;
	[tilespmem:$0x19640] =	vst v63  }
0x145: {  	s30 =	rddreg [dreg:$0x19];
	s31 =	sadd.s32 $0x700, s1  }
0x146: {  	[hbm4b:s31+s19] =	stream.strided.scatter [tilespmem:s14], [sflag:$0x5], $0xC80, s20, s19, $0x38;
	[tilespmem:$0x19640] =	vst v63  }
0x147: {  	s17 =	sadd.s32 $0xA80, s1;
	s26 =	rddreg [dreg:$0x1a]  }
0x148: {  	[hbm4b:s17+s19] =	stream.strided.scatter [tilespmem:s30], [sflag:$0x5], $0xC80, s20, s19, $0x38;
	[tilespmem:$0x19640] =	vst v63  }
0x149: {  	s29 =	rddreg [dreg:$0x1b];
	s30 =	sadd.s32 $0xE00, s1  }
0x14a: {  	[hbm4b:s30+s19] =	stream.strided.scatter [tilespmem:s26], [sflag:$0x5], $0xC80, s20, s19, $0x38;
	[tilespmem:$0x19640] =	vst v63  }
0x14b: {  	s2 =	sadd.s32 s0, s2;
	s31 =	rddreg [dreg:$0x1c]  }
0x14c: {  	[hbm4b:s2+s19] =	stream.strided.scatter [tilespmem:s29], [sflag:$0x5], $0xC80, s20, s19, $0x38;
	[tilespmem:$0x19640] =	vst v63  }
0x14d: {  	s11 =	sadd.s32 s0, s11;
	s17 =	rddreg [dreg:$0xa]  }
0x14e: {  	[hbm4b:s11+s19] =	stream.strided.scatter [tilespmem:s31], [sflag:$0x5], $0xC80, s20, s19, $0x38;
	[tilespmem:$0x19640] =	vst v63  }
0x14f: {  	s26 =	rddreg [dreg:$0x1d];
	s29 =	sadd.s32 s0, s17;
	s11 =	simm.s32 @!p1 $0x8  }
0x150: {  	[hbm4b:s29+s19] =	stream.strided.scatter [tilespmem:s26], [sflag:$0x5], $0xC80, s20, s19, $0x38;
	[tilespmem:$0x19640] =	vst v63  }
0x151: {  	_ =	swait.ge @!p1 [sflag:s11], $0xC80  }
0x152: {  	[sflag:s11] =	ssyncset.done @!p1 $0x0  }
0x153: {  	[sflag:s11] =	ssyncadd.s32 @!p1 $0xFFFFF380  }
0x154: {  	_ =	swait.ge @!p1 [sflag:s11], $0xC80  }
0x155: {  	[sflag:s11] =	ssyncset.done @!p1 $0x0  }
0x156: {  	[sflag:s11] =	ssyncadd.s32 @!p1 $0xFFFFF380  }
0x157: {  	_ =	swait.ge @!p1 [sflag:s11], $0xC80  }
0x158: {  	[sflag:s11] =	ssyncset.done @!p1 $0x0  }
0x159: {  	[sflag:s11] =	ssyncadd.s32 @!p1 $0xFFFFF380  }
0x15a: {  	_ =	swait.ge @!p1 [sflag:s11], $0xC80  }
0x15b: {  	[sflag:s11] =	ssyncset.done @!p1 $0x0  }
0x15c: {  	[sflag:s11] =	ssyncadd.s32 @!p1 $0xFFFFF380  }
0x15d: {  	_ =	swait.ge @!p1 [sflag:s11], $0xC80  }
0x15e: {  	[sflag:s11] =	ssyncset.done @!p1 $0x0  }
0x15f: {  	[sflag:s11] =	ssyncadd.s32 @!p1 $0xFFFFF380  }
0x160: {  	_ =	swait.ge @!p1 [sflag:s11], $0xC80  }
0x161: {  	[sflag:s11] =	ssyncset.done @!p1 $0x0  }
0x162: {  	[sflag:s11] =	ssyncadd.s32 @!p1 $0xFFFFF380  }
0x163: {  	_ =	swait.ge @!p1 [sflag:s11], $0xC80  }
0x164: {  	[sflag:s11] =	ssyncset.done @!p1 $0x0  }
0x165: {  	[sflag:s11] =	ssyncadd.s32 @!p1 $0xFFFFF380  }
0x166: {  	_ =	swait.ge @!p1 [sflag:s11], $0xC80  }
0x167: {  	[sflag:s11] =	ssyncset.done @!p1 $0x0  }
0x168: {  	[sflag:s11] =	ssyncadd.s32 @!p1 $0xFFFFF380  }
0x169: {  	[tilespmem:s22], [sflag:$0x9] =	stream.linear.gather [hbm4b:s9+s15], $0x190, $0x38;
	[tilespmem:$0x19640] =	vst v63  }
0x16a: {  	_ =	swait.ge [sflag:s12], $0x190  }
0x16b: {  	[sflag:s12] =	ssyncset.done $0x0  }
0x16c: {  	[sflag:s12] =	ssyncadd.s32 $0xFFFFFE70  }
0x16d: {  	[tilespmem:s3], [sflag:$0x4] =	stream.indirect.gather [hbm4b:s4+s16], $0x40, s22, s16, $0xb8;
	[tilespmem:$0x19640] =	vst v63  }
0x16e: {  	_ =	swait.ge [sflag:s23], $0x6400  }
0x16f: {  	s2 =	rddreg [dreg:$0x6]  }
0x170: {  	s10 =	sld [smem:$0x7E9]  }
0x171: {  	s11 =	rddreg [dreg:$0x5]  }
0x172: {  	s14 =	rddreg [dreg:$0x1f]  }
0x173: {  	s26 =	rddreg [dreg:$0x7]  }
0x174: {  	s30 =	sadd.s32 $0x1C00, s1;
	[sflag:s23] =	ssyncset.done $0x0;
	s29 =	rddreg [dreg:$0x1e]  }
0x175: {  	s31 =	simm.s32 $0x6A40;
	s16 =	rddreg [dreg:$0x8];
	[sflag:s23] =	ssyncadd.s32 $0xFFFF9C00  }
0x176: {  	[hbm4b:s30+s19] =	stream.strided.scatter [tilespmem:s31], [sflag:$0x6], $0xC80, s20, s19, $0x38;
	[tilespmem:$0x19640] =	vst v63  }
0x177: {  	s15 =	sadd.s32 $0x1F80, s1;
	s3 =	sadd.s32 s0, s16;
	s16 =	sld [smem:$0x7EA]  }
0x178: {  	[hbm4b:s15+s19] =	stream.strided.scatter [tilespmem:s29], [sflag:$0x6], $0xC80, s20, s19, $0x38;
	[tilespmem:$0x19640] =	vst v63  }
0x179: {  	s31 =	rddreg [dreg:$0x4]  }
0x17a: {  	[hbm4b:s3+s19] =	stream.strided.scatter [tilespmem:s14], [sflag:$0x6], $0xC80, s20, s19, $0x38;
	[tilespmem:$0x19640] =	vst v63  }
0x17b: {  	s26 =	sadd.s32 s0, s26;
	s15 =	rddreg [dreg:$0x3]  }
0x17c: {  	[hbm4b:s26+s19] =	stream.strided.scatter [tilespmem:s10], [sflag:$0x6], $0xC80, s20, s19, $0x38;
	[tilespmem:$0x19640] =	vst v63  }
0x17d: {  	s2 =	sadd.s32 s0, s2;
	s29 =	sld [smem:$0x7EB]  }
0x17e: {  	[hbm4b:s2+s19] =	stream.strided.scatter [tilespmem:s16], [sflag:$0x6], $0xC80, s20, s19, $0x38;
	[tilespmem:$0x19640] =	vst v63  }
0x17f: {  	s11 =	sadd.s32 s0, s11;
	s3 =	sld [smem:$0x7ED]  }
0x180: {  	[hbm4b:s11+s19] =	stream.strided.scatter [tilespmem:s29], [sflag:$0x6], $0xC80, s20, s19, $0x38;
	[tilespmem:$0x19640] =	vst v63  }
0x181: {  	p1 =	seq.s32 s0, $0x69000;
	s31 =	sadd.s32 s0, s31;
	s11 =	sld [smem:$0x7EE]  }
0x182: {  	[hbm4b:s31+s19] =	stream.strided.scatter [tilespmem:s3], [sflag:$0x6], $0xC80, s20, s19, $0x38;
	[tilespmem:$0x19640] =	vst v63  }
0x183: {  	s14 =	sadd.s32 s0, s15;
	s2 =	simm.s32 @!p1 $0x5  }
0x184: {  	[hbm4b:s14+s19] =	stream.strided.scatter [tilespmem:s11], [sflag:$0x6], $0xC80, s20, s19, $0x38;
	[tilespmem:$0x19640] =	vst v63  }
0x185: {  	_ =	swait.ge @!p1 [sflag:s2], $0xC80  }
0x186: {  	[sflag:s2] =	ssyncset.done @!p1 $0x0  }
0x187: {  	[sflag:s2] =	ssyncadd.s32 @!p1 $0xFFFFF380  }
0x188: {  	_ =	swait.ge @!p1 [sflag:s2], $0xC80  }
0x189: {  	[sflag:s2] =	ssyncset.done @!p1 $0x0  }
0x18a: {  	[sflag:s2] =	ssyncadd.s32 @!p1 $0xFFFFF380  }
0x18b: {  	_ =	swait.ge @!p1 [sflag:s2], $0xC80  }
0x18c: {  	[sflag:s2] =	ssyncset.done @!p1 $0x0  }
0x18d: {  	[sflag:s2] =	ssyncadd.s32 @!p1 $0xFFFFF380  }
0x18e: {  	_ =	swait.ge @!p1 [sflag:s2], $0xC80  }
0x18f: {  	[sflag:s2] =	ssyncset.done @!p1 $0x0  }
0x190: {  	[sflag:s2] =	ssyncadd.s32 @!p1 $0xFFFFF380  }
0x191: {  	_ =	swait.ge @!p1 [sflag:s2], $0xC80  }
0x192: {  	[sflag:s2] =	ssyncset.done @!p1 $0x0  }
0x193: {  	[sflag:s2] =	ssyncadd.s32 @!p1 $0xFFFFF380  }
0x194: {  	_ =	swait.ge @!p1 [sflag:s2], $0xC80  }
0x195: {  	[sflag:s2] =	ssyncset.done @!p1 $0x0  }
0x196: {  	[sflag:s2] =	ssyncadd.s32 @!p1 $0xFFFFF380  }
0x197: {  	_ =	swait.ge @!p1 [sflag:s2], $0xC80  }
0x198: {  	[sflag:s2] =	ssyncset.done @!p1 $0x0  }
0x199: {  	[sflag:s2] =	ssyncadd.s32 @!p1 $0xFFFFF380  }
0x19a: {  	s10 =	sshrl.u32 @!p1 s5, $0x3;
	_ =	swait.ge @!p1 [sflag:s2], $0xC80  }
0x19b: {  	s14 =	sadd.s32 @!p1 s13, s10;
	[sflag:s2] =	ssyncset.done @!p1 $0x0  }
0x19c: {  	s11 =	simm.s32 @!p1 $0x0;
	s10 =	simm.s32 @!p1 $0x9;
	[sflag:s2] =	ssyncadd.s32 @!p1 $0xFFFFF380  }
0x19d: {  	[tilespmem:s11], [sflag:$0x9] =	stream.linear.gather @!p1 [hbm4b:s14+s11], $0x190, $0x38;
	[tilespmem:$0x19640] =	vst v63  }
0x19e: {  	_ =	swait.ge @!p1 [sflag:s10], $0x190  }
0x19f: {  	[sflag:s10] =	ssyncset.done @!p1 $0x0  }
0x1a0: {  	s31 =	simm.s32 @!p1 $0x190;
	s2 =	simm.s32 @!p1 $0x640;
	[sflag:s10] =	ssyncadd.s32 @!p1 $0xFFFFFE70  }
0x1a1: {  	[tilespmem:s2], [sflag:$0x1] =	stream.indirect.gather @!p1 [hbm4b:s4+s31], $0x40, s11, s31, $0xb8;
	[tilespmem:$0x19640] =	vst v63  }
0x1a2: {  	_ =	swait.ge [sflag:s24], $0x6400  }
0x1a3: {  	s14 =	rddreg [dreg:$0x13]  }
0x1a4: {  	s16 =	rddreg [dreg:$0x16]  }
0x1a5: {  	s28 =	sld [smem:$0x7F1]  }
0x1a6: {  	[sflag:s24] =	ssyncset.done $0x0;
	s2 =	sld [smem:$0x7EF]  }
0x1a7: {  	s15 =	sadd.s32 $0x3800, s1;
	s30 =	sld [smem:$0x7F2];
	[sflag:s24] =	ssyncadd.s32 $0xFFFF9C00  }
0x1a8: {  	s26 =	sadd.s32 s0, s16;
	s16 =	smov.u32 s13;
	s13 =	rddreg [dreg:$0x14]  }
0x1a9: {  	[hbm4b:s15+s19] =	stream.strided.scatter [tilespmem:s21], [sflag:$0x7], $0xC80, s20, s19, $0x38;
	[tilespmem:$0x19640] =	vst v63  }
0x1aa: {  	s3 =	sadd.s32 $0x3B80, s1;
	s15 =	rddreg [dreg:$0x15]  }
0x1ab: {  	[hbm4b:s3+s19] =	stream.strided.scatter [tilespmem:s2], [sflag:$0x7], $0xC80, s20, s19, $0x38;
	[tilespmem:$0x19640] =	vst v63  }
0x1ac: {  	s29 =	sadd.s32 $0x3F00, s1;
	s3 =	sadd.s32 s0, s15;
	s15 =	sld [smem:$0x7F3]  }
0x1ad: {  	[hbm4b:s29+s19] =	stream.strided.scatter [tilespmem:s28], [sflag:$0x7], $0xC80, s20, s19, $0x38;
	[tilespmem:$0x19640] =	vst v63  }
0x1ae: {  	s29 =	sld [smem:$0x7F4]  }
0x1af: {  	[hbm4b:s26+s19] =	stream.strided.scatter [tilespmem:s30], [sflag:$0x7], $0xC80, s20, s19, $0x38;
	[tilespmem:$0x19640] =	vst v63  }
0x1b0: {  	s30 =	rddreg [dreg:$0x12]  }
0x1b1: {  	[hbm4b:s3+s19] =	stream.strided.scatter [tilespmem:s15], [sflag:$0x7], $0xC80, s20, s19, $0x38;
	[tilespmem:$0x19640] =	vst v63  }
0x1b2: {  	s13 =	sadd.s32 s0, s13;
	s3 =	sld [smem:$0x7F5]  }
0x1b3: {  	[hbm4b:s13+s19] =	stream.strided.scatter [tilespmem:s29], [sflag:$0x7], $0xC80, s20, s19, $0x38;
	[tilespmem:$0x19640] =	vst v63  }
0x1b4: {  	s28 =	sadd.s32 s0, s14;
	s29 =	sld [smem:$0x7F6]  }
0x1b5: {  	[hbm4b:s28+s19] =	stream.strided.scatter [tilespmem:s3], [sflag:$0x7], $0xC80, s20, s19, $0x38;
	[tilespmem:$0x19640] =	vst v63  }
0x1b6: {  	s30 =	sadd.s32 s0, s30;
	s3 =	simm.s32 @!p1 $0x6  }
0x1b7: {  	[hbm4b:s30+s19] =	stream.strided.scatter [tilespmem:s29], [sflag:$0x7], $0xC80, s20, s19, $0x38;
	[tilespmem:$0x19640] =	vst v63  }
0x1b8: {  	_ =	swait.ge @!p1 [sflag:s3], $0xC80  }
0x1b9: {  	[sflag:s3] =	ssyncset.done @!p1 $0x0  }
0x1ba: {  	[sflag:s3] =	ssyncadd.s32 @!p1 $0xFFFFF380  }
0x1bb: {  	_ =	swait.ge @!p1 [sflag:s3], $0xC80  }
0x1bc: {  	[sflag:s3] =	ssyncset.done @!p1 $0x0  }
0x1bd: {  	[sflag:s3] =	ssyncadd.s32 @!p1 $0xFFFFF380  }
0x1be: {  	_ =	swait.ge @!p1 [sflag:s3], $0xC80  }
0x1bf: {  	[sflag:s3] =	ssyncset.done @!p1 $0x0  }
0x1c0: {  	[sflag:s3] =	ssyncadd.s32 @!p1 $0xFFFFF380  }
0x1c1: {  	_ =	swait.ge @!p1 [sflag:s3], $0xC80  }
0x1c2: {  	[sflag:s3] =	ssyncset.done @!p1 $0x0  }
0x1c3: {  	[sflag:s3] =	ssyncadd.s32 @!p1 $0xFFFFF380  }
0x1c4: {  	_ =	swait.ge @!p1 [sflag:s3], $0xC80  }
0x1c5: {  	[sflag:s3] =	ssyncset.done @!p1 $0x0  }
0x1c6: {  	[sflag:s3] =	ssyncadd.s32 @!p1 $0xFFFFF380  }
0x1c7: {  	_ =	swait.ge @!p1 [sflag:s3], $0xC80  }
0x1c8: {  	[sflag:s3] =	ssyncset.done @!p1 $0x0  }
0x1c9: {  	[sflag:s3] =	ssyncadd.s32 @!p1 $0xFFFFF380  }
0x1ca: {  	_ =	swait.ge @!p1 [sflag:s3], $0xC80  }
0x1cb: {  	[sflag:s3] =	ssyncset.done @!p1 $0x0  }
0x1cc: {  	[sflag:s3] =	ssyncadd.s32 @!p1 $0xFFFFF380  }
0x1cd: {  	_ =	swait.ge @!p1 [sflag:s3], $0xC80  }
0x1ce: {  	s8 =	sadd.s32 $0xC8, s8;
	s6 =	sadd.s32 $0x7000, s6;
	[sflag:s3] =	ssyncset.done @!p1 $0x0  }
0x1cf: {  	p0 =	sne.s32 s6, $0x70000;
	s7 =	sadd.s32 $0xC8, s7;
	[sflag:s3] =	ssyncadd.s32 @!p1 $0xFFFFF380  }
0x1d0: {  	[tilespmem:s31], [sflag:$0x9] =	stream.linear.gather @!p1 [hbm4b:s8+s11], $0x190, $0x38;
	[tilespmem:$0x19640] =	vst v63  }
.Ltmp0:
0x1d1: {  	s17 =	simm.s32 $0x13240;
	_ =	swait.ge @!p1 [sflag:s10], $0x190;
	(pc) =	sbr.rel @p0 .LBB2_2-.Ltmp0, $4  }
0x1d2: {  	s9 =	sadd.s32 $0xC8, s9;
	s5 =	sadd.s32 $0x640, s5;
	[sflag:s10] =	ssyncset.done @!p1 $0x0  }
0x1d3: {  	s2 =	simm.s32 @!p1 $0x6A40;
	s15 =	simm.s32 $0x0;
	[sflag:s10] =	ssyncadd.s32 @!p1 $0xFFFFFE70  }
0x1d4: {  	[tilespmem:s2], [sflag:$0x2] =	stream.indirect.gather @!p1 [hbm4b:s4+s31], $0x40, s31, s31, $0xb8;
	[tilespmem:$0x19640] =	vst v63  }
0x1d5: {  	s13 =	smov.u32 s16;
	s16 =	simm.s32 $0x190;
	_ =	swait.ge [sflag:s25], $0x6400  }
0x1d6: {  	s2 =	sld [smem:$0x7FC]  }
0x1d7: {  	s3 =	rddreg [dreg:$0x11]  }
0x1d8: {  	s5 =	rddreg [dreg:$0xf]  }
0x1d9: {  	s7 =	rddreg [dreg:$0x10]  }
0x1da: {  	[sflag:s25] =	ssyncset.done $0x0;
	s21 =	sld [smem:$0x7F7]  }
0x1db: {  	s6 =	sadd.s32 $0x5400, s1;
	s8 =	sld [smem:$0x7F9];
	[sflag:s25] =	ssyncadd.s32 $0xFFFF9C00  }
0x1dc: {  	[hbm4b:s6+s19] =	stream.strided.scatter [tilespmem:s17], [sflag:$0x8], $0xC80, s20, s19, $0x38;
	[tilespmem:$0x19640] =	vst v63  }
0x1dd: {  	s9 =	sadd.s32 $0x5780, s1;
	s10 =	sld [smem:$0x7F8]  }
0x1de: {  	[hbm4b:s9+s19] =	stream.strided.scatter [tilespmem:s21], [sflag:$0x8], $0xC80, s20, s19, $0x38;
	[tilespmem:$0x19640] =	vst v63  }
0x1df: {  	s26 =	rddreg [dreg:$0xe];
	s3 =	sadd.s32 s0, s3  }
0x1e0: {  	[hbm4b:s3+s19] =	stream.strided.scatter [tilespmem:s10], [sflag:$0x8], $0xC80, s20, s19, $0x38;
	[tilespmem:$0x19640] =	vst v63  }
0x1e1: {  	s28 =	sadd.s32 $0x5E80, s1;
	s29 =	sld [smem:$0x7FA]  }
0x1e2: {  	[hbm4b:s28+s19] =	stream.strided.scatter [tilespmem:s8], [sflag:$0x8], $0xC80, s20, s19, $0x38;
	[tilespmem:$0x19640] =	vst v63  }
0x1e3: {  	s31 =	sld [smem:$0x7FB];
	s30 =	sadd.s32 s0, s7  }
0x1e4: {  	[hbm4b:s30+s19] =	stream.strided.scatter [tilespmem:s29], [sflag:$0x8], $0xC80, s20, s19, $0x38;
	[tilespmem:$0x19640] =	vst v63  }
0x1e5: {  	s11 =	sld [smem:$0x7FD];
	s8 =	sadd.s32 s0, s5  }
0x1e6: {  	[hbm4b:s8+s19] =	stream.strided.scatter [tilespmem:s31], [sflag:$0x8], $0xC80, s20, s19, $0x38;
	[tilespmem:$0x19640] =	vst v63  }
0x1e7: {  	s9 =	rddreg [dreg:$0xd];
	s10 =	sadd.s32 s0, s26  }
0x1e8: {  	[hbm4b:s10+s19] =	stream.strided.scatter [tilespmem:s2], [sflag:$0x8], $0xC80, s20, s19, $0x38;
	[tilespmem:$0x19640] =	vst v63  }
0x1e9: {  	s21 =	simm.s32 $0x5;
	s14 =	sadd.s32 s0, s9  }
0x1ea: {  	[hbm4b:s14+s19] =	stream.strided.scatter [tilespmem:s11], [sflag:$0x8], $0xC80, s20, s19, $0x38;
	[tilespmem:$0x19640] =	vst v63  }
0x1eb: {  	_ =	swait.ge [sflag:s21], $0xC80  }
0x1ec: {  	[sflag:s21] =	ssyncset.done $0x0  }
0x1ed: {  	[sflag:s21] =	ssyncadd.s32 $0xFFFFF380  }
0x1ee: {  	_ =	swait.ge [sflag:s21], $0xC80  }
0x1ef: {  	[sflag:s21] =	ssyncset.done $0x0  }
0x1f0: {  	[sflag:s21] =	ssyncadd.s32 $0xFFFFF380  }
0x1f1: {  	_ =	swait.ge [sflag:s21], $0xC80  }
0x1f2: {  	[sflag:s21] =	ssyncset.done $0x0  }
0x1f3: {  	[sflag:s21] =	ssyncadd.s32 $0xFFFFF380  }
0x1f4: {  	_ =	swait.ge [sflag:s21], $0xC80  }
0x1f5: {  	[sflag:s21] =	ssyncset.done $0x0  }
0x1f6: {  	[sflag:s21] =	ssyncadd.s32 $0xFFFFF380  }
0x1f7: {  	_ =	swait.ge [sflag:s21], $0xC80  }
0x1f8: {  	[sflag:s21] =	ssyncset.done $0x0  }
0x1f9: {  	[sflag:s21] =	ssyncadd.s32 $0xFFFFF380  }
0x1fa: {  	_ =	swait.ge [sflag:s21], $0xC80  }
0x1fb: {  	[sflag:s21] =	ssyncset.done $0x0  }
0x1fc: {  	[sflag:s21] =	ssyncadd.s32 $0xFFFFF380  }
0x1fd: {  	_ =	swait.ge [sflag:s21], $0xC80  }
0x1fe: {  	[sflag:s21] =	ssyncset.done $0x0  }
0x1ff: {  	[sflag:s21] =	ssyncadd.s32 $0xFFFFF380  }
0x200: {  	_ =	swait.ge [sflag:s21], $0xC80  }
0x201: {  	[sflag:s21] =	ssyncset.done $0x0  }
0x202: {  	s26 =	simm.s32 $0x6;
	[sflag:s21] =	ssyncadd.s32 $0xFFFFF380  }
0x203: {  	_ =	swait.ge [sflag:s26], $0xC80  }
0x204: {  	[sflag:s26] =	ssyncset.done $0x0  }
0x205: {  	[sflag:s26] =	ssyncadd.s32 $0xFFFFF380  }
0x206: {  	_ =	swait.ge [sflag:s26], $0xC80  }
0x207: {  	[sflag:s26] =	ssyncset.done $0x0  }
0x208: {  	[sflag:s26] =	ssyncadd.s32 $0xFFFFF380  }
0x209: {  	_ =	swait.ge [sflag:s26], $0xC80  }
0x20a: {  	[sflag:s26] =	ssyncset.done $0x0  }
0x20b: {  	[sflag:s26] =	ssyncadd.s32 $0xFFFFF380  }
0x20c: {  	_ =	swait.ge [sflag:s26], $0xC80  }
0x20d: {  	[sflag:s26] =	ssyncset.done $0x0  }
0x20e: {  	[sflag:s26] =	ssyncadd.s32 $0xFFFFF380  }
0x20f: {  	_ =	swait.ge [sflag:s26], $0xC80  }
0x210: {  	[sflag:s26] =	ssyncset.done $0x0  }
0x211: {  	[sflag:s26] =	ssyncadd.s32 $0xFFFFF380  }
0x212: {  	_ =	swait.ge [sflag:s26], $0xC80  }
0x213: {  	[sflag:s26] =	ssyncset.done $0x0  }
0x214: {  	[sflag:s26] =	ssyncadd.s32 $0xFFFFF380  }
0x215: {  	_ =	swait.ge [sflag:s26], $0xC80  }
0x216: {  	[sflag:s26] =	ssyncset.done $0x0  }
0x217: {  	[sflag:s26] =	ssyncadd.s32 $0xFFFFF380  }
0x218: {  	_ =	swait.ge [sflag:s26], $0xC80  }
0x219: {  	[sflag:s26] =	ssyncset.done $0x0  }
0x21a: {  	s28 =	simm.s32 $0x7;
	[sflag:s26] =	ssyncadd.s32 $0xFFFFF380  }
0x21b: {  	_ =	swait.ge [sflag:s28], $0xC80  }
0x21c: {  	[sflag:s28] =	ssyncset.done $0x0  }
0x21d: {  	[sflag:s28] =	ssyncadd.s32 $0xFFFFF380  }
0x21e: {  	_ =	swait.ge [sflag:s28], $0xC80  }
0x21f: {  	[sflag:s28] =	ssyncset.done $0x0  }
0x220: {  	[sflag:s28] =	ssyncadd.s32 $0xFFFFF380  }
0x221: {  	_ =	swait.ge [sflag:s28], $0xC80  }
0x222: {  	[sflag:s28] =	ssyncset.done $0x0  }
0x223: {  	[sflag:s28] =	ssyncadd.s32 $0xFFFFF380  }
0x224: {  	_ =	swait.ge [sflag:s28], $0xC80  }
0x225: {  	[sflag:s28] =	ssyncset.done $0x0  }
0x226: {  	[sflag:s28] =	ssyncadd.s32 $0xFFFFF380  }
0x227: {  	_ =	swait.ge [sflag:s28], $0xC80  }
0x228: {  	[sflag:s28] =	ssyncset.done $0x0  }
0x229: {  	[sflag:s28] =	ssyncadd.s32 $0xFFFFF380  }
0x22a: {  	_ =	swait.ge [sflag:s28], $0xC80  }
0x22b: {  	[sflag:s28] =	ssyncset.done $0x0  }
0x22c: {  	[sflag:s28] =	ssyncadd.s32 $0xFFFFF380  }
0x22d: {  	_ =	swait.ge [sflag:s28], $0xC80  }
0x22e: {  	[sflag:s28] =	ssyncset.done $0x0  }
0x22f: {  	[sflag:s28] =	ssyncadd.s32 $0xFFFFF380  }
0x230: {  	_ =	swait.ge [sflag:s28], $0xC80  }
0x231: {  	[sflag:s28] =	ssyncset.done $0x0  }
0x232: {  	s29 =	simm.s32 $0x8;
	[sflag:s28] =	ssyncadd.s32 $0xFFFFF380  }
0x233: {  	_ =	swait.ge [sflag:s29], $0xC80  }
0x234: {  	[sflag:s29] =	ssyncset.done $0x0  }
0x235: {  	[sflag:s29] =	ssyncadd.s32 $0xFFFFF380  }
0x236: {  	_ =	swait.ge [sflag:s29], $0xC80  }
0x237: {  	[sflag:s29] =	ssyncset.done $0x0  }
0x238: {  	[sflag:s29] =	ssyncadd.s32 $0xFFFFF380  }
0x239: {  	_ =	swait.ge [sflag:s29], $0xC80  }
0x23a: {  	[sflag:s29] =	ssyncset.done $0x0  }
0x23b: {  	[sflag:s29] =	ssyncadd.s32 $0xFFFFF380  }
0x23c: {  	_ =	swait.ge [sflag:s29], $0xC80  }
0x23d: {  	[sflag:s29] =	ssyncset.done $0x0  }
0x23e: {  	[sflag:s29] =	ssyncadd.s32 $0xFFFFF380  }
0x23f: {  	_ =	swait.ge [sflag:s29], $0xC80  }
0x240: {  	[sflag:s29] =	ssyncset.done $0x0  }
0x241: {  	[sflag:s29] =	ssyncadd.s32 $0xFFFFF380  }
0x242: {  	_ =	swait.ge [sflag:s29], $0xC80  }
0x243: {  	[sflag:s29] =	ssyncset.done $0x0  }
0x244: {  	[sflag:s29] =	ssyncadd.s32 $0xFFFFF380  }
0x245: {  	_ =	swait.ge [sflag:s29], $0xC80  }
0x246: {  	[sflag:s29] =	ssyncset.done $0x0  }
0x247: {  	[sflag:s29] =	ssyncadd.s32 $0xFFFFF380  }
0x248: {  	_ =	swait.ge [sflag:s29], $0xC80  }
0x249: {  	s30 =	sld [smem:$0x7E3]  }
0x24a: {  	s31 =	sld [smem:$0x7E6];
	_ =	sdelay $0x1  }
0x24b: {  	s3 =	sadd.s32 $0x1, s30  }
0x24c: {  	p0 =	sne.s32 s3, s31  }
.Ltmp1:
0x24d: {  	_ = 	snop;
	(pc) =	sbr.rel @p0 .LBB2_1-.Ltmp1, $4  }
0x24e: {  	_ = 	snop  }
0x24f: {  	s1 =	simm.s32 $0x320  }
0x250: {  	s2 =	simm.s32 $0x640;
	s10 =	simm.s32 $0x6A40;
	[sflag:s29] =	ssyncset.done $0x0  }
0x251: {  	s14 =	simm.s32 $0xCE40;
	s21 =	simm.s32 $0x4B0;
	[sflag:s29] =	ssyncadd.s32 $0xFFFFF380  }
0x252: {  	_ =	sfence.sel $0x180000  }
0x253: {  	[bflag:$0x0] =	sbarrier.arrive $0xFFFF  }
0x254: {  	_ =	strace $0x90000047  }
0x255: {  	s0 =	stileid.u32;
	[bflag:$0x2] =	sbarrier.arrive $0xFFFF  }
0x256: {  	p0 =	sne.s32 s0, $0x0;
	s0 =	rddreg [dreg:$0x2]  }
0x257: {  	s0 =	sadd.s32 @!p0 $0x100000, s0  }
0x258: {  	[sflag:s0] =	ssyncadd.tile.s32 @!p0 $0x1;
	_ =	shalt  }
.Lfunc_end2:
_tile_overlayer_lowered:
.L_overlay_start_2:
0x259: {  	(tag) =	ssettag $0x2  }
0x25a: {  	s0 =	rddreg [dreg:$0x0];
	s2 =	stileid.u32  }
0x25b: {  	s1 =	rddreg [dreg:$0x1];
	p0 =	sne.s32 s2, $0x0  }
0x25c: {  	s3 =	rddreg [dreg:$0x2];
	[bflag:$0x3] =	sbarrier.arrive $0xFFFF;
	s2 =	simm.s32 @!p0 $0x1C09  }
0x25d: {  	[timem:s3], [sflag:s2] =	dma.local @!p0 [hbm:s0], s1  }
0x25e: {  	s0 =	simm.s32 @!p0 $0x9  }
0x25f: {  	_ =	swait.ge @!p0 [sflag:s0], s1  }
0x260: {  	s1 =	ssub.s32 @!p0 $0x0, s1;
	[sflag:s0] =	ssyncset.done @!p0 $0x0  }
0x261: {  	[sflag:s0] =	ssyncadd.s32 @!p0 s1  }
0x262: {  	[bflag:$0x3] =	sbarrier.arrive $0xFFFF  }
0x263: {  	_ =	shalt  }

// kernel: sparse-core-data-format-call.cloned.1.call-start
scs
called_computation_lowered:
.L_overlay_start_0:
0x0: {  	s2 =	sld [smem:$0x3FD9]  }
0x1: {  	s3 =	sld [smem:$0x3FFE];
	_ =	sdelay $0x1  }
0x2: {  	s1 =	srdreg.scid  }
0x3: {  	s0 =	sand.u32 $0x1, s1  }
0x4: {  	s18 =	sshll.u32 s0, $0xA;
	s2 =	sadd.s32 s3, s2  }
0x5: {  	s2 =	sadd.s32 s2, s18  }
0x6: {  	[smem:$0x3FC6] =	sst s2  }
0x7: {  	_ = 	snop  }
0x8: {  	s2 =	sld [smem:$0x3FD0];
	(tm) =	ssettm $0x1  }
0x9: {  	s19 =	sld [smem:$0x3FFB];
	_ =	sdelay $0x3  }
0xa: {  	_ =	strace s19  }
0xb: {  	s3 =	sld [smem:$0x3FFC];
	_ =	sdelay $0x3  }
0xc: {  	_ =	strace s3  }
0xd: {  	s3 =	sld [smem:$0x3FFD];
	_ =	sdelay $0x3  }
0xe: {  	_ =	strace s3  }
0xf: {  	_ =	strace $0x8FFFFFFF  }
0x10: {  	s20 =	sld [smem:$0x3FDB];
	_ =	sdelay $0x1  }
0x11: {  	s4 =	simm.s32 $_scs_section_size  }
0x12: {  	s5 =	simm.s32 $_size__tile_overlayer_lowered;
	s6 =	simm.s32 $_tile_overlayer_lowered  }
0x13: {  	s23 =	simm.s32 $0x1BFF;
	s22 =	sshll.u32 s6, $0x1;
	s3 =	sadd.s32 s4, s20  }
0x14: {  	s7 =	simm.s32 $0x0;
	s21 =	sshll.u32 s5, $0x1;
	s5 =	sadd.s32 s22, s3  }
0x15: {  	[timem:s7], [sflag:s23] =	dma.local [hbm:s5], s21  }
0x16: {  	_ =	swait.ge [sflag:s23], s21  }
0x17: {  	s4 =	ssub.s32 $0x0, s21;
	[sflag:s23] =	ssyncset.done $0x0  }
0x18: {  	[sflag:s23] =	ssyncadd.s32 s4;
	_ =	sdelay $0x1  }
0x19: {  	s24 =	simm.s32 $0x1B8B  }
0x1a: {  	_ =	swait.ge [sflag:s24], $0x1  }
0x1b: {  	[sflag:s24] =	ssyncset.done $0x0  }
0x1c: {  	s26 =	simm.s32 $0x1B8E;
	s25 =	sld [smem:$0x3FFE];
	[sflag:s24] =	ssyncadd.s32 $0xFFFFFFFF  }
0x1d: {  	s27 =	simm.s32 $execute0_lowered;
	[smem:$0x3FD2] =	sst s26  }
0x1e: {  	s5 =	sshll.u32 s27, $0x1;
	_ =	strace $0x80000049;
	[dreg:$0x1] =	wrdreg $0xFFFFFFFF  }
0x1f: {  	s28 =	simm.s32 $_size_execute0_lowered;
	s3 =	sadd.s32 s3, s5;
	[dreg:$0x0] =	wrdreg $0x0  }
0x20: {  	s5 =	sshll.u32 s28, $0x1;
	[dreg:$0x2] =	wrdreg s3  }
0x21: {  	[dreg:$0x3] =	wrdreg s5  }
0x22: {  	[dreg:$0x4] =	wrdreg $0xC0  }
0x23: {  	_ =	task [dreg:s7], $0x5FFFF  }
0x24: {  	[dreg:$0x1] =	wrdreg $0xFFFFFFFF  }
0x25: {  	[dreg:$0x0] =	wrdreg $0x60  }
0x26: {  	[dreg:$0x2] =	wrdreg s25  }
0x27: {  	[dreg:$0x3] =	wrdreg s2  }
0x28: {  	[dreg:$0x4] =	wrdreg $0x9  }
0x29: {  	_ =	task.clear_ibuf [dreg:s7], $0x5FFFF;
	_ =	strace $0x90000049  }
0x2a: {  	s29 =	simm.s32 $0x9;
	_ =	strace $0x8000004B  }
0x2b: {  	_ =	swait.ge [sflag:s29], $0x1  }
0x2c: {  	[sflag:s29] =	ssyncadd.s32 $0xFFFFFFFF  }
0x2d: {  	_ =	strace $0x9000004B  }
0x2e: {  	_ =	sfence  }
0x2f: {  	s30 =	sld [smem:$0x0];
	_ =	sdelay $0x2  }
0x30: {  	s31 =	sshll.u32 s1, $0xD;
	s1 =	sshrl.u32 s1, $0x2  }
0x31: {  	s3 =	sand.u32 $0x4000, s31;
	s1 =	sadd.s32 s1, s30  }
0x32: {  	s0 =	sor.u32 s3, s0;
	s1 =	sshll.u32 s1, $0x11  }
0x33: {  	s0 =	sor.u32 s1, s0  }
0x34: {  	s0 =	sadd.s32 $0x8F2B, s0  }
0x35: {  	[sflag:s0] =	ssyncadd.remote.s32 $0x1  }
0x36: {  	_ =	sfence.sel $0xFFFF  }
0x37: {  	[dreg:$0x0] =	wrdreg $0xFFFFFFFF;
	(pc) =	sbr.abs _section_cstart, $3  }
0x38: {  	[dreg:$0x1] =	wrdreg $0xFFFFFFFF  }
0x39: {  	_ =	task.clear_ibuf [dreg:s7], $0x2FFFF;
	_ =	strace $0x9FFFFFFF  }
0x3a: {  	(tm) =	ssettm $0x7FFFFFFF  }
0x3b: {  	_ =	shalt  }
tec
execute0_lowered:
.L_overlay_start_1:
0x0: {  	(tag) =	ssettag $0x1  }
0x1: {  	s0 =	srdreg.scid  }
0x2: {  	s1 =	sshll.u32 s0, $0x4  }
0x3: {  	s0 =	stileid.u32;
	s1 =	sand.u32 $0x10, s1  }
0x4: {  	s1 =	sor.u32 s0, s1  }
0x5: {  	s6 =	rddreg [dreg:$0x0];
	s4 =	simm.s32 $0x1;
	s2 =	sshll.u32 s1, $0x7  }
0x6: {  	s7 =	simm.s32 $0x2;
	s12 =	simm.s32 $0x0;
	s1 =	ssub.s32 $0x4000, s2  }
0x7: {  	s8 =	simm.s32 $0x20000;
	s13 =	simm.s32 $0x0;
	s3 =	sand.u32 $0xF80, s1  }
0x8: {  	s9 =	simm.s32 $0x0;
	s5 =	sshrl.u32 s1, $0xC;
	p0 =	sne.s32 s3, $0x0  }
.Ltmp0:
0x9: {  	s1 =	rddreg [dreg:$0x2];
	s4 =	simm.s32 @!p0 $0x0;
	(pc) =	sbr.rel .LBB1_1-.Ltmp0, $4  }
0xa: {  	s11 =	simm.s32 $0x0;
	s3 =	rddreg [dreg:$0x1];
	s5 =	sadd.s32 s4, s5  }
0xb: {  	_ =	strace $0x8000004A;
	s4 =	simm.s32 $0x1;
	s5 =	smul.u32 $0x32, s5  }
0xc: {  	s6 =	sadd.s32 $0xA00, s6;
	s10 =	smov.u32 s2;
	[sflag:s4] =	ssyncpa.u1 $0x0  }
0xd: {  	p0 =	por $0x0, $0x0;
	[sflag:s7] =	ssyncpa.u1 $0x0;
	s7 =	sor.u32 $0x1, s5  }
.LBB1_4:
0xe: {  	s16 =	sshll.u32 s13, $0x3;
	s17 =	sand.u32 $0x78, s13  }
0xf: {  	s30 =	sand.u32 $0x1F800, s13;
	s12 =	sshll.u32 s12, $0x11;
	s16 =	sand.u32 $0x3C00, s16  }
0x10: {  	[tilespmem:s15+$0x810 ss:$0x81] =	vst.msk $0xffff, v2;
	s31 =	sand.u32 $0x7, s13;
	s16 =	sor.u32 s17, s16;
	s17 =	sadd.s32 s3, s30  }
0x11: {  	[tilespmem:s15+$0x1020 ss:$0x81] =	vst.msk $0xffff, v0;
	s13 =	sshll.u32 s31, $0x12;
	s12 =	sadd.s32 s12, s17;
	s16 =	sshrl.u32 s16, $0x3  }
0x12: {  	[tilespmem:s15+$0x0 ss:$0x81] =	vst.msk $0xffff, v1;
	s13 =	sor.u32 $0x400, s13;
	s12 =	sadd.s32 s16, s12  }
0x13: {  	[hbm4b:s12+s13] =	stream.strided.scatter [tilespmem:s14], [sflag:$0x2], $0x2000, s8, s13, $0x20;
	[tilespmem:$0x8080] =	vst v63  }
.LBB1_5:
0x14: {  	s14 =	sadd.s32 $0x1, s9  }
0x15: {  	s12 =	sadd.s32 $0x1000, s10;
	s16 =	smov.u32 s10;
	p2 =	sgt.s32 s14, $0x31  }
0x16: {  	s16 =	smov.u32 @p2 s12  }
0x17: {  	s14 =	simm.s32 @p2 $0x0;
	p2 =	sgt.s32 s16, $0x3FFF  }
0x18: {  	s16 =	smov.u32 @p2 s2;
	p2 =	sne.s32 s11, s7  }
.Ltmp1:
0x19: {  	p1 =	slt.u32 s11, $0x2;
	(pc) =	sbr.rel @!p2 .LBB1_6-.Ltmp1, $4  }
0x1a: {  	s15 =	simm.s32 @!p1 $0x2  }
0x1b: {  	s13 =	smov.u32 s10;
	p0 =	por !p0, !p0;
	_ =	swait.ge @!p1 [sflag:s15], $0x2000  }
0x1c: {  	s12 =	smov.u32 s9;
	[sflag:s15] =	ssyncset.done @!p1 $0x0;
	s9 =	smov.u32 s14  }
0x1d: {  	s11 =	sadd.s32 $0x1, s11;
	[sflag:s15] =	ssyncadd.s32 @!p1 $0xFFFFE000;
	s10 =	smov.u32 s16  }
.LBB1_1:
0x1e: {  	p1 =	sge.u32 s11, s5  }
0x1f: {  	s14 =	sand.u32 @!p1 $0x1FFFFFF, s9  }
0x20: {  	s15 =	smulhi.u32 @!p1 $0x4924925, s14;
	_ =	sdelay $0x1  }
0x21: {  	s15 =	smul.u32 @!p1 $0x38, s15  }
0x22: {  	s16 =	sxor.u32 @!p1 $0xFFFFFFFF, s11;
	s17 =	smul.u32 @!p1 $0x380, s10  }
0x23: {  	s31 =	sadd.s32 $0xFFFFFFFF, s11;
	s16 =	sshll.u32 @!p1 s16, $0xD;
	s14 =	ssub.s32 @!p1 s14, s15  }
0x24: {  	s15 =	sand.u32 @!p1 $0x2000, s16;
	s16 =	sadd.s32 @!p1 s6, s17;
	s14 =	sshll.u32 @!p1 s14, $0x4  }
0x25: {  	s17 =	simm.s32 @!p1 $0x1C00;
	s14 =	sadd.s32 @!p1 s14, s16;
	s16 =	simm.s32 @!p1 $0x40  }
0x26: {  	[tilespmem:s15], [sflag:$0x1] =	stream.strided.gather @!p1 [hbm4b:s14+s16], $0x2000, s17, s16, $0x38;
	[tilespmem:$0x8080] =	vst v63  }
0x27: {  	p1 =	sge.u32 s31, s5  }
.Ltmp2:
0x28: {  	_ = 	snop;
	(pc) =	sbr.rel @p1 .LBB1_5-.Ltmp2, $1  }
0x29: {  	_ =	sdelay $0x3  }
0x2a: {  	s14 =	simm.s32 $0x1  }
0x2b: {  	_ =	swait.ge [sflag:s4], $0x2000;
	s14 =	simm.s32 @!p0 $0x0  }
0x2c: {  	[sflag:s4] =	ssyncset.done $0x0;
	s15 =	sshll.u32 s14, $0xD  }
0x2d: {  	[sflag:s4] =	ssyncadd.s32 $0xFFFFE000;
	s18 =	sor.u32 $0x20, s15  }
0x2e: {  	s14 =	smul.u32 $0x8100, s14;
	v3 =	vld [tilespmem:s18+$0x10]  }
0x2f: {  	s30 =	sand.u32 $0x1, s11;
	v2 =	vld [tilespmem:s18+$0xFFFFFFF0]  }
0x30: {  	s15 =	smul.u32 $0x8100, s30;
	s14 =	sshrl.u32 s14, $0x2;
	v0 =	vld [tilespmem:s18+$0x0]  }
0x31: {  	v1 =	vld [tilespmem:s18+$0xFFFFFFE0];
	s16 =	sor.u32 $0x4000, s14  }
0x32: {  	s31 =	sshrl.u32 s15, $0x2;
	s15 =	sadd.s32 $0x0, s16  }
0x33: {  	s17 =	simm.s32 $0x4;
	s18 =	sadd.s32 $0x40, s18;
	s14 =	sor.u32 $0x4000, s31;
	[tilespmem:s15+$0x1830 ss:$0x81] =	vst.msk $0xffff, v3  }
.LBB1_3:
0x34: {  	v3 =	vld [tilespmem:s18+$0x10];
	p1 =	sne.s32 s17, $0x1FC;
	[tilespmem:s15+$0x810 ss:$0x81] =	vst.msk $0xffff, v2;
	s19 =	smov.u32 s17;
	s17 =	sadd.s32 $0x4, s17  }
.Ltmp3:
0x35: {  	v2 =	vld [tilespmem:s18+$0xFFFFFFF0];
	[tilespmem:s15+$0x1020 ss:$0x81] =	vst.msk $0xffff, v0;
	(pc) =	sbr.rel @p1 .LBB1_3-.Ltmp3, $4  }
0x36: {  	v0 =	vld [tilespmem:s18+$0x0];
	[tilespmem:s15+$0x0 ss:$0x81] =	vst.msk $0xffff, v1  }
0x37: {  	s15 =	sshra.s32 s19, $0x2;
	v1 =	vld [tilespmem:s18+$0xFFFFFFE0]  }
0x38: {  	s15 =	sadd.s32 s15, s16  }
0x39: {  	s18 =	sadd.s32 $0x40, s18;
	[tilespmem:s15+$0x1830 ss:$0x81] =	vst.msk $0xffff, v3  }
.Ltmp4:
0x3a: {  	_ = 	snop;
	(pc) =	sbr.rel .LBB1_4-.Ltmp4, $1  }
0x3b: {  	_ =	sdelay $0x3  }
.LBB1_6:
0x3c: {  	_ =	sfence.sel $0x180000  }
0x3d: {  	s2 =	simm.s32 $0x1;
	[bflag:$0x0] =	sbarrier.arrive $0xFFFF  }
0x3e: {  	s31 =	simm.s32 $0x2;
	[sflag:s2] =	ssyncpa.u1 $0x1  }
0x3f: {  	[sflag:s31] =	ssyncpa.u1 $0x1  }
0x40: {  	p0 =	sne.s32 s0, $0x0;
	_ =	strace $0x9000004A  }
0x41: {  	s0 =	sadd.s32 @!p0 $0x100000, s1;
	[bflag:$0x2] =	sbarrier.arrive $0xFFFF  }
0x42: {  	[sflag:s0] =	ssyncadd.tile.s32 @!p0 $0x1;
	_ =	shalt  }
.Lfunc_end1:
_tile_overlayer_lowered:
.L_overlay_start_2:
0x43: {  	(tag) =	ssettag $0x2  }
0x44: {  	s0 =	rddreg [dreg:$0x0];
	s2 =	stileid.u32  }
0x45: {  	s1 =	rddreg [dreg:$0x1];
	p0 =	sne.s32 s2, $0x0  }
0x46: {  	s3 =	rddreg [dreg:$0x2];
	[bflag:$0x3] =	sbarrier.arrive $0xFFFF;
	s2 =	simm.s32 @!p0 $0x1C01  }
0x47: {  	[timem:s3], [sflag:s2] =	dma.local @!p0 [hbm:s0], s1  }
0x48: {  	s0 =	simm.s32 @!p0 $0x1  }
0x49: {  	_ =	swait.ge @!p0 [sflag:s0], s1  }
0x4a: {  	s1 =	ssub.s32 @!p0 $0x0, s1;
	[sflag:s0] =	ssyncset.done @!p0 $0x0  }
0x4b: {  	[sflag:s0] =	ssyncadd.s32 @!p0 s1  }
0x4c: {  	[bflag:$0x3] =	sbarrier.arrive $0xFFFF  }
0x4d: {  	_ =	shalt  }

</sc_bundles>
